<compile_context>
chip_gen: v7x
topology: tpu7x:2x2x1
jax: 0.10.2.dev20260603
libtpu: 0.0.44.dev20260713+nightly
codegen_flags: <defaults>
</compile_context>

<pallas_src>
import functools
import math

import jax
import jax.numpy as jnp
from jax.experimental import pallas as pl
from jax.experimental.pallas import tpu as pltpu
from jax.experimental.pallas import tpu_sc as plsc

HEADS = 12
TOPK = 8


def _ln_qkv_kernel(x_ref, s_ref, b_ref, w_ref, qkv_ref):
    x = x_ref[...]
    mu = jnp.mean(x, axis=-1, keepdims=True)
    var = jnp.mean((x - mu) ** 2, axis=-1, keepdims=True)
    h = (x - mu) / jnp.sqrt(var + 1e-5) * s_ref[...] + b_ref[...]
    qkv_ref[...] = jnp.dot(h, w_ref[...], preferred_element_type=jnp.float32)


def _attn_kernel(q_ref, k_ref, v_ref, cm_ref, o_ref, *, sm_scale):
    q = q_ref[0] * sm_scale
    k = k_ref[0]
    qn = jnp.sqrt(jnp.sum(q * q, axis=-1, keepdims=True))
    kmax = jnp.sqrt(jnp.max(jnp.sum(k * k, axis=-1, keepdims=True)))
    s = jax.lax.dot_general(q, k, (((1,), (1,)), ((), ())),
                            preferred_element_type=jnp.float32)
    p = jnp.exp(s - qn * kmax) * cm_ref[0]
    l = jnp.sum(p, axis=-1, keepdims=True)
    o_ref[0] = jnp.dot(p, v_ref[0], preferred_element_type=jnp.float32) / l


def _post_kernel(attn_ref, wo_ref, x_ref, s_ref, b_ref, rw_ref, rb_ref,
                 x2_ref, h2_ref, g_ref, *, topk):
    heads = attn_ref.shape[0]
    x2 = x_ref[...]
    for h in range(heads):
        x2 = x2 + jnp.dot(attn_ref[h], wo_ref[h],
                          preferred_element_type=jnp.float32)
    x2_ref[...] = x2
    mu = jnp.mean(x2, axis=-1, keepdims=True)
    var = jnp.mean((x2 - mu) ** 2, axis=-1, keepdims=True)
    h2 = (x2 - mu) / jnp.sqrt(var + 1e-5) * s_ref[...] + b_ref[...]
    h2_ref[...] = h2
    logits = jnp.dot(h2, rw_ref[...], preferred_element_type=jnp.float32)
    g_ref[...] = logits + rb_ref[...]


def _lanes_all_reduce(v, op):
    lanes = jax.lax.iota(jnp.int32, 16)
    dnums = jax.lax.GatherDimensionNumbers(
        offset_dims=(), collapsed_slice_dims=(0,), start_index_map=(0,))
    for sh in (1, 2, 4, 8):
        perm = jnp.reshape(lanes ^ sh, (16, 1))
        v = op(v, jax.lax.gather(
            v, perm, dimension_numbers=dnums, slice_sizes=(1,),
            mode=jax.lax.GatherScatterMode.PROMISE_IN_BOUNDS))
    return v


def _route_sc_kernel(lg_hbm, g_hbm, lg_v, g_v, *, tok_per_w, e_num, topk):
    wid = jax.lax.axis_index("s") * 2 + jax.lax.axis_index("c")
    base = wid * tok_per_w
    pltpu.sync_copy(lg_hbm.at[pl.ds(base, tok_per_w)], lg_v)
    nv = e_num // 16
    iotas = [jax.lax.iota(jnp.int32, 16) + 16 * j for j in range(nv)]

    def token(r, _):
        v = [lg_v[r, pl.ds(16 * j, 16)] for j in range(nv)]
        g = [jnp.zeros((16,), jnp.float32) for _ in range(nv)]
        sumexp = jnp.zeros((16,), jnp.float32)
        v0 = None
        for k in range(topk):
            m = v[0]
            for j in range(1, nv):
                m = jnp.maximum(m, v[j])
            mvec = _lanes_all_reduce(m, jnp.maximum)
            if v0 is None:
                v0 = mvec
            cmin = jnp.full((16,), jnp.int32(2**30))
            for j in range(nv):
                cmin = jnp.minimum(
                    cmin, jnp.where(v[j] == mvec, iotas[j], jnp.int32(2**30)))
            idxv = _lanes_all_reduce(cmin, jnp.minimum)
            ek = jnp.exp(mvec - v0)
            sumexp = sumexp + ek
            for j in range(nv):
                hit = iotas[j] == idxv
                g[j] = g[j] + jnp.where(hit, ek, 0.0)
                v[j] = jnp.where(hit, jnp.float32(-1e30), v[j])
        for j in range(nv):
            g_v[r, pl.ds(16 * j, 16)] = g[j] / sumexp
        return _

    jax.lax.fori_loop(0, tok_per_w, token, 0)
    pltpu.sync_copy(g_v, g_hbm.at[pl.ds(base, tok_per_w)])


def _moe_kernel(h_ref, g_ref, x2_ref, bank_ref, o_ref):
    e = pl.program_id(0)

    @pl.when(e == 0)
    def _():
        o_ref[...] = x2_ref[...]

    lanes = jax.lax.broadcasted_iota(jnp.int32, g_ref.shape, 1)
    gcol = jnp.sum(jnp.where(lanes == e, g_ref[...], 0.0),
                   axis=1, keepdims=True)
    y = jax.lax.dot_general(h_ref[...].astype(jnp.bfloat16),
                            bank_ref[0].astype(jnp.bfloat16),
                            (((1,), (1,)), ((), ())),
                            preferred_element_type=jnp.float32)
    o_ref[...] = o_ref[...] + y * gcol


def kernel(x, ln1_scale, ln1_bias, ln2_scale, ln2_bias, wq, wk, wv, wo,
           router_w, router_b, bank):
    b, s, d = x.shape
    e_num = router_w.shape[1]
    heads = HEADS
    dh = d // heads
    x2d = x.reshape(s, d)
    bt = min(256, s)
    nb = s // bt

    wcat = jnp.concatenate([wq, wk, wv], axis=1)
    qkv = pl.pallas_call(
        _ln_qkv_kernel,
        grid=(nb,),
        in_specs=[
            pl.BlockSpec((bt, d), lambda i: (i, 0)),
            pl.BlockSpec((1, d), lambda i: (0, 0)),
            pl.BlockSpec((1, d), lambda i: (0, 0)),
            pl.BlockSpec((d, 3 * d), lambda i: (0, 0)),
        ],
        out_specs=pl.BlockSpec((bt, 3 * d), lambda i: (i, 0)),
        out_shape=jax.ShapeDtypeStruct((s, 3 * d), jnp.float32),
    )(x2d, ln1_scale.reshape(1, d), ln1_bias.reshape(1, d), wcat)

    qkvh = qkv.reshape(s, 3, heads, dh).transpose(1, 2, 0, 3)
    q, k, v = qkvh[0], qkvh[1], qkvh[2]

    bq = min(256, s)
    nq = s // bq
    rows_m = jnp.arange(s, dtype=jnp.int32).reshape(nq, bq, 1)
    cols_m = jnp.arange(s, dtype=jnp.int32).reshape(1, 1, s)
    cmask = (cols_m <= rows_m).astype(jnp.float32)
    attn = pl.pallas_call(
        functools.partial(_attn_kernel, sm_scale=1.0 / math.sqrt(dh)),
        grid=(nq, heads),
        in_specs=[
            pl.BlockSpec((1, bq, dh), lambda i, h: (h, i, 0)),
            pl.BlockSpec((1, s, dh), lambda i, h: (h, 0, 0)),
            pl.BlockSpec((1, s, dh), lambda i, h: (h, 0, 0)),
            pl.BlockSpec((1, bq, s), lambda i, h: (i, 0, 0)),
        ],
        out_specs=pl.BlockSpec((1, bq, dh), lambda i, h: (h, i, 0)),
        out_shape=jax.ShapeDtypeStruct((heads, s, dh), jnp.float32),
    )(q, k, v, cmask)

    x2, h2, g = pl.pallas_call(
        functools.partial(_post_kernel, topk=TOPK),
        grid=(nb,),
        in_specs=[
            pl.BlockSpec((heads, bt, dh), lambda i: (0, i, 0)),
            pl.BlockSpec((heads, dh, d), lambda i: (0, 0, 0)),
            pl.BlockSpec((bt, d), lambda i: (i, 0)),
            pl.BlockSpec((1, d), lambda i: (0, 0)),
            pl.BlockSpec((1, d), lambda i: (0, 0)),
            pl.BlockSpec((d, e_num), lambda i: (0, 0)),
            pl.BlockSpec((1, e_num), lambda i: (0, 0)),
        ],
        out_specs=[
            pl.BlockSpec((bt, d), lambda i: (i, 0)),
            pl.BlockSpec((bt, d), lambda i: (i, 0)),
            pl.BlockSpec((bt, e_num), lambda i: (i, 0)),
        ],
        out_shape=[
            jax.ShapeDtypeStruct((s, d), jnp.float32),
            jax.ShapeDtypeStruct((s, d), jnp.float32),
            jax.ShapeDtypeStruct((s, e_num), jnp.float32),
        ],
    )(attn, wo.reshape(heads, dh, d), x2d, ln2_scale.reshape(1, d),
      ln2_bias.reshape(1, d), router_w, router_b.reshape(1, e_num))
    logits = g

    n_workers = 32
    tok_per_w = s // n_workers
    g = pl.kernel(
        functools.partial(_route_sc_kernel, tok_per_w=tok_per_w,
                          e_num=e_num, topk=TOPK),
        out_type=jax.ShapeDtypeStruct((s, e_num), jnp.float32),
        mesh=plsc.VectorSubcoreMesh(core_axis_name="c", subcore_axis_name="s",
                                    num_cores=2),
        scratch_types=[
            pltpu.VMEM((tok_per_w, e_num), jnp.float32),
            pltpu.VMEM((tok_per_w, e_num), jnp.float32),
        ],
    )(logits)

    out = pl.pallas_call(
        _moe_kernel,
        grid=(e_num,),
        in_specs=[
            pl.BlockSpec((s, d), lambda e: (0, 0)),
            pl.BlockSpec((s, e_num), lambda e: (0, 0)),
            pl.BlockSpec((s, d), lambda e: (0, 0)),
            pl.BlockSpec((1, d, d), lambda e: (e, 0, 0)),
        ],
        out_specs=pl.BlockSpec((s, d), lambda e: (0, 0)),
        out_shape=jax.ShapeDtypeStruct((s, d), jnp.float32),
        compiler_params=pltpu.CompilerParams(
            dimension_semantics=("arbitrary",)),
    )(h2, g, x2, bank)

    return out.reshape(b, s, d)

# --- scband reference (transcript-rebuilt; emitter-appended) ---
"""Pipeline reference for scband-mo-elayer-80676665688765 (READ-ONLY COPY).

The authoritative reference and input builder live on the scoring server;
editing this copy changes nothing except your own understanding.
"""

import jax, jax.numpy as jnp
import numpy as np

HIDDEN = 768
HEADS = 12
EXPERTS = 64
TOPK = 8
B = 1
S = 2048


def setup_inputs(seed: int = 0):
    key = jax.random.key(seed)
    ks = jax.random.split(key, 8)
    d = HIDDEN
    sc = 0.02
    return {
        "x": jax.random.normal(ks[0], (B, S, d), dtype=jnp.float32),
        "ln1_scale": jnp.ones((d,), jnp.float32),
        "ln1_bias": jnp.zeros((d,), jnp.float32),
        "ln2_scale": jnp.ones((d,), jnp.float32),
        "ln2_bias": jnp.zeros((d,), jnp.float32),
        "wq": (jax.random.normal(ks[1], (d, d)) * sc).astype(jnp.float32),
        "wk": (jax.random.normal(ks[2], (d, d)) * sc).astype(jnp.float32),
        "wv": (jax.random.normal(ks[3], (d, d)) * sc).astype(jnp.float32),
        "wo": (jax.random.normal(ks[4], (d, d)) * sc).astype(jnp.float32),
        "router_w": (jax.random.normal(ks[5], (d, EXPERTS)) * sc).astype(jnp.float32),
        "router_b": jnp.zeros((EXPERTS,), jnp.float32),
        "bank": (jax.random.normal(ks[6], (EXPERTS, d, d)) * sc).astype(jnp.float32),
    }


def _layernorm(x, scale, bias):
    mu = jnp.mean(x, axis=-1, keepdims=True)
    var = jnp.mean((x - mu) ** 2, axis=-1, keepdims=True)
    return (x - mu) / jnp.sqrt(var + 1e-5) * scale + bias


def _attention(x, wq, wk, wv, wo):
    b, s, d = x.shape
    dh = d // HEADS
    q = (x @ wq).reshape(b, s, HEADS, dh).transpose(0, 2, 1, 3)
    k = (x @ wk).reshape(b, s, HEADS, dh).transpose(0, 2, 1, 3)
    v = (x @ wv).reshape(b, s, HEADS, dh).transpose(0, 2, 1, 3)
    scores = jnp.einsum('bhqd,bhkd->bhqk', q, k) / float(np.sqrt(dh))
    mask = jnp.tril(jnp.ones((s, s), dtype=bool))
    scores = jnp.where(mask, scores, -1e9)
    p = jax.nn.softmax(scores, axis=-1)
    o = jnp.einsum('bhqk,bhkd->bhqd', p, v)
    o = o.transpose(0, 2, 1, 3).reshape(b, s, d)
    return o @ wo


def _moe(h, router_w, router_b, bank):
    # router: top-k expert selection with softmax gate weights over selected logits
    logits = h @ router_w + router_b  # [T, E]
    vals, ids = jax.lax.top_k(logits, TOPK)
    w = jax.nn.softmax(vals, axis=-1)  # [T, K]

    def step(carry, inp):
        xt, idt, wt = inp
        we = jnp.take(bank, idt, axis=0)  # [K, d, d] gather of expert weights
        outs = jnp.einsum('d,kod->ko', xt, we)  # x @ W.T per selected expert
        return carry, jnp.sum(wt[:, None] * outs, axis=0)

    _, out = jax.lax.scan(step, None, (h, ids, w))
    return out


def reference(x, ln1_scale, ln1_bias, ln2_scale, ln2_bias, wq, wk, wv, wo, router_w, router_b, bank):
    h = _layernorm(x, ln1_scale, ln1_bias)
    x = x + _attention(h, wq, wk, wv, wo)
    h = _layernorm(x, ln2_scale, ln2_bias)
    b, s, d = x.shape
    moe_out = _moe(h.reshape(-1, d), router_w, router_b, bank).reshape(b, s, d)
    return x + moe_out

if __name__ == "__main__":
    import jax
    _d = setup_inputs()
    print(jax.jit(kernel)(*tuple(_d.values())))

</pallas_src>

<mosaic_0001>
#map = affine_map<(d0, d1) -> (0, 0)>
module attributes {stable_mosaic.version = 14 : i64} {
  func.func @_route_sc_kernel(%arg0: i32, %arg1: i32, %arg2: memref<2048x64xf32, #tpu.memory_space<hbm>>, %arg3: memref<2048x64xf32, #tpu.memory_space<hbm>>, %arg4: memref<64x64xf32, #tpu.memory_space<vmem>>, %arg5: memref<64x64xf32, #tpu.memory_space<vmem>>) attributes {dimension_semantics = [#tpu.dimension_semantics<core_parallel>, #tpu.dimension_semantics<subcore_parallel>], iteration_bounds = array<i64: 2, 16>, scalar_prefetch = 0 : i64, scratch_operands = 2 : i64, tpu.core_type = #tpu.core_type<sc_vector_subcore>, window_params = [{transform_indices = #map}, {transform_indices = #map}]} {
    %mul3A = arith.constant 2 : i32
    %mul3A_0 = arith.muli %arg1, %mul3A : i32
    %add3A = arith.addi %mul3A_0, %arg0 : i32
    %mul3A_1 = arith.constant 64 : i32
    %mul3A_2 = arith.muli %add3A, %mul3A_1 : i32
    "tpu.region"() ({
      %run_scoped3A = tpu.sem_alloc : memref<!tpu.dma_semaphore, #tpu.memory_space<semaphore_mem>>
      %dma_start3A = arith.constant 0 : i32
      %dma_start3A_23 = tpu.memref_slice %arg2[%mul3A_2, %dma_start3A] : memref<2048x64xf32, #tpu.memory_space<hbm>> -> memref<64x64xf32, #tpu.memory_space<hbm>>
      %dma_start3A_24 = arith.constant 0 : i32
      %dma_start3A_25 = tpu.memref_slice %arg2[%mul3A_2, %dma_start3A_24] : memref<2048x64xf32, #tpu.memory_space<hbm>> -> memref<64x64xf32, #tpu.memory_space<hbm>>
      tpu.enqueue_dma source(%dma_start3A_25 : memref<64x64xf32, #tpu.memory_space<hbm>>) target(%arg4 : memref<64x64xf32, #tpu.memory_space<vmem>>) target_semaphore(%run_scoped3A : memref<!tpu.dma_semaphore, #tpu.memory_space<semaphore_mem>>)
      %dma_wait3A = arith.constant 0 : i32
      %dma_wait3A_26 = tpu.memref_slice %arg2[%mul3A_2, %dma_wait3A] : memref<2048x64xf32, #tpu.memory_space<hbm>> -> memref<64x64xf32, #tpu.memory_space<hbm>>
      %dma_wait3A_27 = arith.constant 0 : i32
      %dma_wait3A_28 = tpu.memref_slice %arg2[%mul3A_2, %dma_wait3A_27] : memref<2048x64xf32, #tpu.memory_space<hbm>> -> memref<64x64xf32, #tpu.memory_space<hbm>>
      tpu.wait_dma2 semaphore(%run_scoped3A : memref<!tpu.dma_semaphore, #tpu.memory_space<semaphore_mem>>) src(%dma_wait3A_28 : memref<64x64xf32, #tpu.memory_space<hbm>>) dst(%arg4 : memref<64x64xf32, #tpu.memory_space<vmem>>)
      tpu.yield
    }) : () -> ()
    %iota3A = tpu.iota {dimensions = array<i32: 0>} : vector<16xi32>
    %add3A_3 = arith.constant 0 : i32
    %add3A_4 = vector.broadcast %add3A_3 : i32 to vector<16xi32>
    %add3A_5 = arith.addi %iota3A, %add3A_4 : vector<16xi32>
    %iota3A_6 = tpu.iota {dimensions = array<i32: 0>} : vector<16xi32>
    %add3A_7 = arith.constant 16 : i32
    %add3A_8 = vector.broadcast %add3A_7 : i32 to vector<16xi32>
    %add3A_9 = arith.addi %iota3A_6, %add3A_8 : vector<16xi32>
    %iota3A_10 = tpu.iota {dimensions = array<i32: 0>} : vector<16xi32>
    %add3A_11 = arith.constant 32 : i32
    %add3A_12 = vector.broadcast %add3A_11 : i32 to vector<16xi32>
    %add3A_13 = arith.addi %iota3A_10, %add3A_12 : vector<16xi32>
    %iota3A_14 = tpu.iota {dimensions = array<i32: 0>} : vector<16xi32>
    %add3A_15 = arith.constant 48 : i32
    %add3A_16 = vector.broadcast %add3A_15 : i32 to vector<16xi32>
    %add3A_17 = arith.addi %iota3A_14, %add3A_16 : vector<16xi32>
    %scan3A = arith.constant 0 : i32
    %scan3A_18 = arith.constant 0 : i32
    %scan3A_19 = arith.constant 64 : i32
    %scan3A_20 = arith.addi %scan3A_18, %scan3A_19 : i32
    %scan3A_21 = arith.constant 1 : i32
    scf.for %scan3A_23 = %scan3A_18 to %scan3A_20 step %scan3A_21  : i32 {
      %get3A = arith.index_cast %scan3A_23 : i32 to index
      %get3A_24 = arith.constant 0 : index
      %get3A_25 = tpu.vector_load %arg4[%get3A, %get3A_24] {strides = array<i32>} : memref<64x64xf32, #tpu.memory_space<vmem>>, vector<1x16xf32>,
      %get3A_26 = vector.shape_cast %get3A_25 : vector<1x16xf32> to vector<16xf32>
      %get3A_27 = arith.index_cast %scan3A_23 : i32 to index
      %get3A_28 = arith.constant 16 : index
      %get3A_29 = tpu.vector_load %arg4[%get3A_27, %get3A_28] {strides = array<i32>} : memref<64x64xf32, #tpu.memory_space<vmem>>, vector<1x16xf32>,
      %get3A_30 = vector.shape_cast %get3A_29 : vector<1x16xf32> to vector<16xf32>
      %get3A_31 = arith.index_cast %scan3A_23 : i32 to index
      %get3A_32 = arith.constant 32 : index
      %get3A_33 = tpu.vector_load %arg4[%get3A_31, %get3A_32] {strides = array<i32>} : memref<64x64xf32, #tpu.memory_space<vmem>>, vector<1x16xf32>,
      %get3A_34 = vector.shape_cast %get3A_33 : vector<1x16xf32> to vector<16xf32>
      %get3A_35 = arith.index_cast %scan3A_23 : i32 to index
      %get3A_36 = arith.constant 48 : index
      %get3A_37 = tpu.vector_load %arg4[%get3A_35, %get3A_36] {strides = array<i32>} : memref<64x64xf32, #tpu.memory_space<vmem>>, vector<1x16xf32>,
      %get3A_38 = vector.shape_cast %get3A_37 : vector<1x16xf32> to vector<16xf32>
      %broadcast_in_dim3A = arith.constant 0.000000e+00 : f32
      %broadcast_in_dim3A_39 = vector.broadcast %broadcast_in_dim3A : f32 to vector<16xf32>
      %broadcast_in_dim3A_40 = arith.constant 0.000000e+00 : f32
      %broadcast_in_dim3A_41 = vector.broadcast %broadcast_in_dim3A_40 : f32 to vector<16xf32>
      %broadcast_in_dim3A_42 = arith.constant 0.000000e+00 : f32
      %broadcast_in_dim3A_43 = vector.broadcast %broadcast_in_dim3A_42 : f32 to vector<16xf32>
      %broadcast_in_dim3A_44 = arith.constant 0.000000e+00 : f32
      %broadcast_in_dim3A_45 = vector.broadcast %broadcast_in_dim3A_44 : f32 to vector<16xf32>
      %broadcast_in_dim3A_46 = arith.constant 0.000000e+00 : f32
      %broadcast_in_dim3A_47 = vector.broadcast %broadcast_in_dim3A_46 : f32 to vector<16xf32>
      %max3A = arith.maximumf %get3A_26, %get3A_30 : vector<16xf32>
      %max3A_48 = arith.maximumf %max3A, %get3A_34 : vector<16xf32>
      %max3A_49 = arith.maximumf %max3A_48, %get3A_38 : vector<16xf32>
      %iota3A_50 = tpu.iota {dimensions = array<i32: 0>} : vector<16xi32>
      %xor3A = arith.constant 1 : i32
      %xor3A_51 = vector.broadcast %xor3A : i32 to vector<16xi32>
      %xor3A_52 = arith.xori %iota3A_50, %xor3A_51 : vector<16xi32>
      %reshape3A = vector.shape_cast %xor3A_52 : vector<16xi32> to vector<16x1xi32>
      %gather3A = vector.shape_cast %reshape3A : vector<16x1xi32> to vector<16xi32>
      %gather3A_53 = tpu.dynamic_gather %max3A_49[%gather3A] in [0] : vector<16xf32>, vector<16xi32> -> vector<16xf32>
      %max3A_54 = arith.maximumf %max3A_49, %gather3A_53 : vector<16xf32>
      %xor3A_55 = arith.constant 2 : i32
      %xor3A_56 = vector.broadcast %xor3A_55 : i32 to vector<16xi32>
      %xor3A_57 = arith.xori %iota3A_50, %xor3A_56 : vector<16xi32>
      %reshape3A_58 = vector.shape_cast %xor3A_57 : vector<16xi32> to vector<16x1xi32>
      %gather3A_59 = vector.shape_cast %reshape3A_58 : vector<16x1xi32> to vector<16xi32>
      %gather3A_60 = tpu.dynamic_gather %max3A_54[%gather3A_59] in [0] : vector<16xf32>, vector<16xi32> -> vector<16xf32>
      %max3A_61 = arith.maximumf %max3A_54, %gather3A_60 : vector<16xf32>
      %xor3A_62 = arith.constant 4 : i32
      %xor3A_63 = vector.broadcast %xor3A_62 : i32 to vector<16xi32>
      %xor3A_64 = arith.xori %iota3A_50, %xor3A_63 : vector<16xi32>
      %reshape3A_65 = vector.shape_cast %xor3A_64 : vector<16xi32> to vector<16x1xi32>
      %gather3A_66 = vector.shape_cast %reshape3A_65 : vector<16x1xi32> to vector<16xi32>
      %gather3A_67 = tpu.dynamic_gather %max3A_61[%gather3A_66] in [0] : vector<16xf32>, vector<16xi32> -> vector<16xf32>
      %max3A_68 = arith.maximumf %max3A_61, %gather3A_67 : vector<16xf32>
      %xor3A_69 = arith.constant 8 : i32
      %xor3A_70 = vector.broadcast %xor3A_69 : i32 to vector<16xi32>
      %xor3A_71 = arith.xori %iota3A_50, %xor3A_70 : vector<16xi32>
      %reshape3A_72 = vector.shape_cast %xor3A_71 : vector<16xi32> to vector<16x1xi32>
      %gather3A_73 = vector.shape_cast %reshape3A_72 : vector<16x1xi32> to vector<16xi32>
      %gather3A_74 = tpu.dynamic_gather %max3A_68[%gather3A_73] in [0] : vector<16xf32>, vector<16xi32> -> vector<16xf32>
      %max3A_75 = arith.maximumf %max3A_68, %gather3A_74 : vector<16xf32>
      %broadcast_in_dim3A_76 = arith.constant 1073741824 : i32
      %broadcast_in_dim3A_77 = vector.broadcast %broadcast_in_dim3A_76 : i32 to vector<16xi32>
      %eq3A = arith.cmpf oeq, %get3A_26, %max3A_75 : vector<16xf32>
      %jit3A = arith.constant 1073741824 : i32
      %broadcast_in_dim3A_78 = vector.broadcast %jit3A : i32 to vector<16xi32>
      %select_n3A = arith.select %eq3A, %add3A_5, %broadcast_in_dim3A_78 : vector<16xi1>, vector<16xi32>
      %min3A = arith.minsi %broadcast_in_dim3A_77, %select_n3A : vector<16xi32>
      %eq3A_79 = arith.cmpf oeq, %get3A_30, %max3A_75 : vector<16xf32>
      %jit3A_80 = arith.constant 1073741824 : i32
      %broadcast_in_dim3A_81 = vector.broadcast %jit3A_80 : i32 to vector<16xi32>
      %select_n3A_82 = arith.select %eq3A_79, %add3A_9, %broadcast_in_dim3A_81 : vector<16xi1>, vector<16xi32>
      %min3A_83 = arith.minsi %min3A, %select_n3A_82 : vector<16xi32>
      %eq3A_84 = arith.cmpf oeq, %get3A_34, %max3A_75 : vector<16xf32>
      %jit3A_85 = arith.constant 1073741824 : i32
      %broadcast_in_dim3A_86 = vector.broadcast %jit3A_85 : i32 to vector<16xi32>
      %select_n3A_87 = arith.select %eq3A_84, %add3A_13, %broadcast_in_dim3A_86 : vector<16xi1>, vector<16xi32>
      %min3A_88 = arith.minsi %min3A_83, %select_n3A_87 : vector<16xi32>
      %eq3A_89 = arith.cmpf oeq, %get3A_38, %max3A_75 : vector<16xf32>
      %jit3A_90 = arith.constant 1073741824 : i32
      %broadcast_in_dim3A_91 = vector.broadcast %jit3A_90 : i32 to vector<16xi32>
      %select_n3A_92 = arith.select %eq3A_89, %add3A_17, %broadcast_in_dim3A_91 : vector<16xi1>, vector<16xi32>
      %min3A_93 = arith.minsi %min3A_88, %select_n3A_92 : vector<16xi32>
      %iota3A_94 = tpu.iota {dimensions = array<i32: 0>} : vector<16xi32>
      %xor3A_95 = arith.constant 1 : i32
      %xor3A_96 = vector.broadcast %xor3A_95 : i32 to vector<16xi32>
      %xor3A_97 = arith.xori %iota3A_94, %xor3A_96 : vector<16xi32>
      %reshape3A_98 = vector.shape_cast %xor3A_97 : vector<16xi32> to vector<16x1xi32>
      %gather3A_99 = vector.shape_cast %reshape3A_98 : vector<16x1xi32> to vector<16xi32>
      %gather3A_100 = tpu.dynamic_gather %min3A_93[%gather3A_99] in [0] : vector<16xi32>, vector<16xi32> -> vector<16xi32>
      %min3A_101 = arith.minsi %min3A_93, %gather3A_100 : vector<16xi32>
      %xor3A_102 = arith.constant 2 : i32
      %xor3A_103 = vector.broadcast %xor3A_102 : i32 to vector<16xi32>
      %xor3A_104 = arith.xori %iota3A_94, %xor3A_103 : vector<16xi32>
      %reshape3A_105 = vector.shape_cast %xor3A_104 : vector<16xi32> to vector<16x1xi32>
      %gather3A_106 = vector.shape_cast %reshape3A_105 : vector<16x1xi32> to vector<16xi32>
      %gather3A_107 = tpu.dynamic_gather %min3A_101[%gather3A_106] in [0] : vector<16xi32>, vector<16xi32> -> vector<16xi32>
      %min3A_108 = arith.minsi %min3A_101, %gather3A_107 : vector<16xi32>
      %xor3A_109 = arith.constant 4 : i32
      %xor3A_110 = vector.broadcast %xor3A_109 : i32 to vector<16xi32>
      %xor3A_111 = arith.xori %iota3A_94, %xor3A_110 : vector<16xi32>
      %reshape3A_112 = vector.shape_cast %xor3A_111 : vector<16xi32> to vector<16x1xi32>
      %gather3A_113 = vector.shape_cast %reshape3A_112 : vector<16x1xi32> to vector<16xi32>
      %gather3A_114 = tpu.dynamic_gather %min3A_108[%gather3A_113] in [0] : vector<16xi32>, vector<16xi32> -> vector<16xi32>
      %min3A_115 = arith.minsi %min3A_108, %gather3A_114 : vector<16xi32>
      %xor3A_116 = arith.constant 8 : i32
      %xor3A_117 = vector.broadcast %xor3A_116 : i32 to vector<16xi32>
      %xor3A_118 = arith.xori %iota3A_94, %xor3A_117 : vector<16xi32>
      %reshape3A_119 = vector.shape_cast %xor3A_118 : vector<16xi32> to vector<16x1xi32>
      %gather3A_120 = vector.shape_cast %reshape3A_119 : vector<16x1xi32> to vector<16xi32>
      %gather3A_121 = tpu.dynamic_gather %min3A_115[%gather3A_120] in [0] : vector<16xi32>, vector<16xi32> -> vector<16xi32>
      %min3A_122 = arith.minsi %min3A_115, %gather3A_121 : vector<16xi32>
      %sub3A = arith.subf %max3A_75, %max3A_75 : vector<16xf32>
      %exp3A = math.exp %sub3A : vector<16xf32>
      %add3A_123 = arith.addf %broadcast_in_dim3A_47, %exp3A : vector<16xf32>
      %eq3A_124 = arith.cmpi eq, %add3A_5, %min3A_122 : vector<16xi32>
      %jit3A_125 = arith.constant 0.000000e+00 : f32
      %broadcast_in_dim3A_126 = vector.broadcast %jit3A_125 : f32 to vector<16xf32>
      %select_n3A_127 = arith.select %eq3A_124, %exp3A, %broadcast_in_dim3A_126 : vector<16xi1>, vector<16xf32>
      %add3A_128 = arith.addf %broadcast_in_dim3A_39, %select_n3A_127 : vector<16xf32>
      %jit3A_129 = arith.constant -1.000000e+30 : f32
      %broadcast_in_dim3A_130 = vector.broadcast %jit3A_129 : f32 to vector<16xf32>
      %select_n3A_131 = arith.select %eq3A_124, %broadcast_in_dim3A_130, %get3A_26 : vector<16xi1>, vector<16xf32>
      %eq3A_132 = arith.cmpi eq, %add3A_9, %min3A_122 : vector<16xi32>
      %jit3A_133 = arith.constant 0.000000e+00 : f32
      %broadcast_in_dim3A_134 = vector.broadcast %jit3A_133 : f32 to vector<16xf32>
      %select_n3A_135 = arith.select %eq3A_132, %exp3A, %broadcast_in_dim3A_134 : vector<16xi1>, vector<16xf32>
      %add3A_136 = arith.addf %broadcast_in_dim3A_41, %select_n3A_135 : vector<16xf32>
      %jit3A_137 = arith.constant -1.000000e+30 : f32
      %broadcast_in_dim3A_138 = vector.broadcast %jit3A_137 : f32 to vector<16xf32>
      %select_n3A_139 = arith.select %eq3A_132, %broadcast_in_dim3A_138, %get3A_30 : vector<16xi1>, vector<16xf32>
      %eq3A_140 = arith.cmpi eq, %add3A_13, %min3A_122 : vector<16xi32>
      %jit3A_141 = arith.constant 0.000000e+00 : f32
      %broadcast_in_dim3A_142 = vector.broadcast %jit3A_141 : f32 to vector<16xf32>
      %select_n3A_143 = arith.select %eq3A_140, %exp3A, %broadcast_in_dim3A_142 : vector<16xi1>, vector<16xf32>
      %add3A_144 = arith.addf %broadcast_in_dim3A_43, %select_n3A_143 : vector<16xf32>
      %jit3A_145 = arith.constant -1.000000e+30 : f32
      %broadcast_in_dim3A_146 = vector.broadcast %jit3A_145 : f32 to vector<16xf32>
      %select_n3A_147 = arith.select %eq3A_140, %broadcast_in_dim3A_146, %get3A_34 : vector<16xi1>, vector<16xf32>
      %eq3A_148 = arith.cmpi eq, %add3A_17, %min3A_122 : vector<16xi32>
      %jit3A_149 = arith.constant 0.000000e+00 : f32
      %broadcast_in_dim3A_150 = vector.broadcast %jit3A_149 : f32 to vector<16xf32>
      %select_n3A_151 = arith.select %eq3A_148, %exp3A, %broadcast_in_dim3A_150 : vector<16xi1>, vector<16xf32>
      %add3A_152 = arith.addf %broadcast_in_dim3A_45, %select_n3A_151 : vector<16xf32>
      %jit3A_153 = arith.constant -1.000000e+30 : f32
      %broadcast_in_dim3A_154 = vector.broadcast %jit3A_153 : f32 to vector<16xf32>
      %select_n3A_155 = arith.select %eq3A_148, %broadcast_in_dim3A_154, %get3A_38 : vector<16xi1>, vector<16xf32>
      %max3A_156 = arith.maximumf %select_n3A_131, %select_n3A_139 : vector<16xf32>
      %max3A_157 = arith.maximumf %max3A_156, %select_n3A_147 : vector<16xf32>
      %max3A_158 = arith.maximumf %max3A_157, %select_n3A_155 : vector<16xf32>
      %iota3A_159 = tpu.iota {dimensions = array<i32: 0>} : vector<16xi32>
      %xor3A_160 = arith.constant 1 : i32
      %xor3A_161 = vector.broadcast %xor3A_160 : i32 to vector<16xi32>
      %xor3A_162 = arith.xori %iota3A_159, %xor3A_161 : vector<16xi32>
      %reshape3A_163 = vector.shape_cast %xor3A_162 : vector<16xi32> to vector<16x1xi32>
      %gather3A_164 = vector.shape_cast %reshape3A_163 : vector<16x1xi32> to vector<16xi32>
      %gather3A_165 = tpu.dynamic_gather %max3A_158[%gather3A_164] in [0] : vector<16xf32>, vector<16xi32> -> vector<16xf32>
      %max3A_166 = arith.maximumf %max3A_158, %gather3A_165 : vector<16xf32>
      %xor3A_167 = arith.constant 2 : i32
      %xor3A_168 = vector.broadcast %xor3A_167 : i32 to vector<16xi32>
      %xor3A_169 = arith.xori %iota3A_159, %xor3A_168 : vector<16xi32>
      %reshape3A_170 = vector.shape_cast %xor3A_169 : vector<16xi32> to vector<16x1xi32>
      %gather3A_171 = vector.shape_cast %reshape3A_170 : vector<16x1xi32> to vector<16xi32>
      %gather3A_172 = tpu.dynamic_gather %max3A_166[%gather3A_171] in [0] : vector<16xf32>, vector<16xi32> -> vector<16xf32>
      %max3A_173 = arith.maximumf %max3A_166, %gather3A_172 : vector<16xf32>
      %xor3A_174 = arith.constant 4 : i32
      %xor3A_175 = vector.broadcast %xor3A_174 : i32 to vector<16xi32>
      %xor3A_176 = arith.xori %iota3A_159, %xor3A_175 : vector<16xi32>
      %reshape3A_177 = vector.shape_cast %xor3A_176 : vector<16xi32> to vector<16x1xi32>
      %gather3A_178 = vector.shape_cast %reshape3A_177 : vector<16x1xi32> to vector<16xi32>
      %gather3A_179 = tpu.dynamic_gather %max3A_173[%gather3A_178] in [0] : vector<16xf32>, vector<16xi32> -> vector<16xf32>
      %max3A_180 = arith.maximumf %max3A_173, %gather3A_179 : vector<16xf32>
      %xor3A_181 = arith.constant 8 : i32
      %xor3A_182 = vector.broadcast %xor3A_181 : i32 to vector<16xi32>
      %xor3A_183 = arith.xori %iota3A_159, %xor3A_182 : vector<16xi32>
      %reshape3A_184 = vector.shape_cast %xor3A_183 : vector<16xi32> to vector<16x1xi32>
      %gather3A_185 = vector.shape_cast %reshape3A_184 : vector<16x1xi32> to vector<16xi32>
      %gather3A_186 = tpu.dynamic_gather %max3A_180[%gather3A_185] in [0] : vector<16xf32>, vector<16xi32> -> vector<16xf32>
      %max3A_187 = arith.maximumf %max3A_180, %gather3A_186 : vector<16xf32>
      %broadcast_in_dim3A_188 = arith.constant 1073741824 : i32
      %broadcast_in_dim3A_189 = vector.broadcast %broadcast_in_dim3A_188 : i32 to vector<16xi32>
      %eq3A_190 = arith.cmpf oeq, %select_n3A_131, %max3A_187 : vector<16xf32>
      %jit3A_191 = arith.constant 1073741824 : i32
      %broadcast_in_dim3A_192 = vector.broadcast %jit3A_191 : i32 to vector<16xi32>
      %select_n3A_193 = arith.select %eq3A_190, %add3A_5, %broadcast_in_dim3A_192 : vector<16xi1>, vector<16xi32>
      %min3A_194 = arith.minsi %broadcast_in_dim3A_189, %select_n3A_193 : vector<16xi32>
      %eq3A_195 = arith.cmpf oeq, %select_n3A_139, %max3A_187 : vector<16xf32>
      %jit3A_196 = arith.constant 1073741824 : i32
      %broadcast_in_dim3A_197 = vector.broadcast %jit3A_196 : i32 to vector<16xi32>
      %select_n3A_198 = arith.select %eq3A_195, %add3A_9, %broadcast_in_dim3A_197 : vector<16xi1>, vector<16xi32>
      %min3A_199 = arith.minsi %min3A_194, %select_n3A_198 : vector<16xi32>
      %eq3A_200 = arith.cmpf oeq, %select_n3A_147, %max3A_187 : vector<16xf32>
      %jit3A_201 = arith.constant 1073741824 : i32
      %broadcast_in_dim3A_202 = vector.broadcast %jit3A_201 : i32 to vector<16xi32>
      %select_n3A_203 = arith.select %eq3A_200, %add3A_13, %broadcast_in_dim3A_202 : vector<16xi1>, vector<16xi32>
      %min3A_204 = arith.minsi %min3A_199, %select_n3A_203 : vector<16xi32>
      %eq3A_205 = arith.cmpf oeq, %select_n3A_155, %max3A_187 : vector<16xf32>
      %jit3A_206 = arith.constant 1073741824 : i32
      %broadcast_in_dim3A_207 = vector.broadcast %jit3A_206 : i32 to vector<16xi32>
      %select_n3A_208 = arith.select %eq3A_205, %add3A_17, %broadcast_in_dim3A_207 : vector<16xi1>, vector<16xi32>
      %min3A_209 = arith.minsi %min3A_204, %select_n3A_208 : vector<16xi32>
      %iota3A_210 = tpu.iota {dimensions = array<i32: 0>} : vector<16xi32>
      %xor3A_211 = arith.constant 1 : i32
      %xor3A_212 = vector.broadcast %xor3A_211 : i32 to vector<16xi32>
      %xor3A_213 = arith.xori %iota3A_210, %xor3A_212 : vector<16xi32>
      %reshape3A_214 = vector.shape_cast %xor3A_213 : vector<16xi32> to vector<16x1xi32>
      %gather3A_215 = vector.shape_cast %reshape3A_214 : vector<16x1xi32> to vector<16xi32>
      %gather3A_216 = tpu.dynamic_gather %min3A_209[%gather3A_215] in [0] : vector<16xi32>, vector<16xi32> -> vector<16xi32>
      %min3A_217 = arith.minsi %min3A_209, %gather3A_216 : vector<16xi32>
      %xor3A_218 = arith.constant 2 : i32
      %xor3A_219 = vector.broadcast %xor3A_218 : i32 to vector<16xi32>
      %xor3A_220 = arith.xori %iota3A_210, %xor3A_219 : vector<16xi32>
      %reshape3A_221 = vector.shape_cast %xor3A_220 : vector<16xi32> to vector<16x1xi32>
      %gather3A_222 = vector.shape_cast %reshape3A_221 : vector<16x1xi32> to vector<16xi32>
      %gather3A_223 = tpu.dynamic_gather %min3A_217[%gather3A_222] in [0] : vector<16xi32>, vector<16xi32> -> vector<16xi32>
      %min3A_224 = arith.minsi %min3A_217, %gather3A_223 : vector<16xi32>
      %xor3A_225 = arith.constant 4 : i32
      %xor3A_226 = vector.broadcast %xor3A_225 : i32 to vector<16xi32>
      %xor3A_227 = arith.xori %iota3A_210, %xor3A_226 : vector<16xi32>
      %reshape3A_228 = vector.shape_cast %xor3A_227 : vector<16xi32> to vector<16x1xi32>
      %gather3A_229 = vector.shape_cast %reshape3A_228 : vector<16x1xi32> to vector<16xi32>
      %gather3A_230 = tpu.dynamic_gather %min3A_224[%gather3A_229] in [0] : vector<16xi32>, vector<16xi32> -> vector<16xi32>
      %min3A_231 = arith.minsi %min3A_224, %gather3A_230 : vector<16xi32>
      %xor3A_232 = arith.constant 8 : i32
      %xor3A_233 = vector.broadcast %xor3A_232 : i32 to vector<16xi32>
      %xor3A_234 = arith.xori %iota3A_210, %xor3A_233 : vector<16xi32>
      %reshape3A_235 = vector.shape_cast %xor3A_234 : vector<16xi32> to vector<16x1xi32>
      %gather3A_236 = vector.shape_cast %reshape3A_235 : vector<16x1xi32> to vector<16xi32>
      %gather3A_237 = tpu.dynamic_gather %min3A_231[%gather3A_236] in [0] : vector<16xi32>, vector<16xi32> -> vector<16xi32>
      %min3A_238 = arith.minsi %min3A_231, %gather3A_237 : vector<16xi32>
      %sub3A_239 = arith.subf %max3A_187, %max3A_75 : vector<16xf32>
      %exp3A_240 = math.exp %sub3A_239 : vector<16xf32>
      %add3A_241 = arith.addf %add3A_123, %exp3A_240 : vector<16xf32>
      %eq3A_242 = arith.cmpi eq, %add3A_5, %min3A_238 : vector<16xi32>
      %jit3A_243 = arith.constant 0.000000e+00 : f32
      %broadcast_in_dim3A_244 = vector.broadcast %jit3A_243 : f32 to vector<16xf32>
      %select_n3A_245 = arith.select %eq3A_242, %exp3A_240, %broadcast_in_dim3A_244 : vector<16xi1>, vector<16xf32>
      %add3A_246 = arith.addf %add3A_128, %select_n3A_245 : vector<16xf32>
      %jit3A_247 = arith.constant -1.000000e+30 : f32
      %broadcast_in_dim3A_248 = vector.broadcast %jit3A_247 : f32 to vector<16xf32>
      %select_n3A_249 = arith.select %eq3A_242, %broadcast_in_dim3A_248, %select_n3A_131 : vector<16xi1>, vector<16xf32>
      %eq3A_250 = arith.cmpi eq, %add3A_9, %min3A_238 : vector<16xi32>
      %jit3A_251 = arith.constant 0.000000e+00 : f32
      %broadcast_in_dim3A_252 = vector.broadcast %jit3A_251 : f32 to vector<16xf32>
      %select_n3A_253 = arith.select %eq3A_250, %exp3A_240, %broadcast_in_dim3A_252 : vector<16xi1>, vector<16xf32>
      %add3A_254 = arith.addf %add3A_136, %select_n3A_253 : vector<16xf32>
      %jit3A_255 = arith.constant -1.000000e+30 : f32
      %broadcast_in_dim3A_256 = vector.broadcast %jit3A_255 : f32 to vector<16xf32>
      %select_n3A_257 = arith.select %eq3A_250, %broadcast_in_dim3A_256, %select_n3A_139 : vector<16xi1>, vector<16xf32>
      %eq3A_258 = arith.cmpi eq, %add3A_13, %min3A_238 : vector<16xi32>
      %jit3A_259 = arith.constant 0.000000e+00 : f32
      %broadcast_in_dim3A_260 = vector.broadcast %jit3A_259 : f32 to vector<16xf32>
      %select_n3A_261 = arith.select %eq3A_258, %exp3A_240, %broadcast_in_dim3A_260 : vector<16xi1>, vector<16xf32>
      %add3A_262 = arith.addf %add3A_144, %select_n3A_261 : vector<16xf32>
      %jit3A_263 = arith.constant -1.000000e+30 : f32
      %broadcast_in_dim3A_264 = vector.broadcast %jit3A_263 : f32 to vector<16xf32>
      %select_n3A_265 = arith.select %eq3A_258, %broadcast_in_dim3A_264, %select_n3A_147 : vector<16xi1>, vector<16xf32>
      %eq3A_266 = arith.cmpi eq, %add3A_17, %min3A_238 : vector<16xi32>
      %jit3A_267 = arith.constant 0.000000e+00 : f32
      %broadcast_in_dim3A_268 = vector.broadcast %jit3A_267 : f32 to vector<16xf32>
      %select_n3A_269 = arith.select %eq3A_266, %exp3A_240, %broadcast_in_dim3A_268 : vector<16xi1>, vector<16xf32>
      %add3A_270 = arith.addf %add3A_152, %select_n3A_269 : vector<16xf32>
      %jit3A_271 = arith.constant -1.000000e+30 : f32
      %broadcast_in_dim3A_272 = vector.broadcast %jit3A_271 : f32 to vector<16xf32>
      %select_n3A_273 = arith.select %eq3A_266, %broadcast_in_dim3A_272, %select_n3A_155 : vector<16xi1>, vector<16xf32>
      %max3A_274 = arith.maximumf %select_n3A_249, %select_n3A_257 : vector<16xf32>
      %max3A_275 = arith.maximumf %max3A_274, %select_n3A_265 : vector<16xf32>
      %max3A_276 = arith.maximumf %max3A_275, %select_n3A_273 : vector<16xf32>
      %iota3A_277 = tpu.iota {dimensions = array<i32: 0>} : vector<16xi32>
      %xor3A_278 = arith.constant 1 : i32
      %xor3A_279 = vector.broadcast %xor3A_278 : i32 to vector<16xi32>
      %xor3A_280 = arith.xori %iota3A_277, %xor3A_279 : vector<16xi32>
      %reshape3A_281 = vector.shape_cast %xor3A_280 : vector<16xi32> to vector<16x1xi32>
      %gather3A_282 = vector.shape_cast %reshape3A_281 : vector<16x1xi32> to vector<16xi32>
      %gather3A_283 = tpu.dynamic_gather %max3A_276[%gather3A_282] in [0] : vector<16xf32>, vector<16xi32> -> vector<16xf32>
      %max3A_284 = arith.maximumf %max3A_276, %gather3A_283 : vector<16xf32>
      %xor3A_285 = arith.constant 2 : i32
      %xor3A_286 = vector.broadcast %xor3A_285 : i32 to vector<16xi32>
      %xor3A_287 = arith.xori %iota3A_277, %xor3A_286 : vector<16xi32>
      %reshape3A_288 = vector.shape_cast %xor3A_287 : vector<16xi32> to vector<16x1xi32>
      %gather3A_289 = vector.shape_cast %reshape3A_288 : vector<16x1xi32> to vector<16xi32>
      %gather3A_290 = tpu.dynamic_gather %max3A_284[%gather3A_289] in [0] : vector<16xf32>, vector<16xi32> -> vector<16xf32>
      %max3A_291 = arith.maximumf %max3A_284, %gather3A_290 : vector<16xf32>
      %xor3A_292 = arith.constant 4 : i32
      %xor3A_293 = vector.broadcast %xor3A_292 : i32 to vector<16xi32>
      %xor3A_294 = arith.xori %iota3A_277, %xor3A_293 : vector<16xi32>
      %reshape3A_295 = vector.shape_cast %xor3A_294 : vector<16xi32> to vector<16x1xi32>
      %gather3A_296 = vector.shape_cast %reshape3A_295 : vector<16x1xi32> to vector<16xi32>
      %gather3A_297 = tpu.dynamic_gather %max3A_291[%gather3A_296] in [0] : vector<16xf32>, vector<16xi32> -> vector<16xf32>
      %max3A_298 = arith.maximumf %max3A_291, %gather3A_297 : vector<16xf32>
      %xor3A_299 = arith.constant 8 : i32
      %xor3A_300 = vector.broadcast %xor3A_299 : i32 to vector<16xi32>
      %xor3A_301 = arith.xori %iota3A_277, %xor3A_300 : vector<16xi32>
      %reshape3A_302 = vector.shape_cast %xor3A_301 : vector<16xi32> to vector<16x1xi32>
      %gather3A_303 = vector.shape_cast %reshape3A_302 : vector<16x1xi32> to vector<16xi32>
      %gather3A_304 = tpu.dynamic_gather %max3A_298[%gather3A_303] in [0] : vector<16xf32>, vector<16xi32> -> vector<16xf32>
      %max3A_305 = arith.maximumf %max3A_298, %gather3A_304 : vector<16xf32>
      %broadcast_in_dim3A_306 = arith.constant 1073741824 : i32
      %broadcast_in_dim3A_307 = vector.broadcast %broadcast_in_dim3A_306 : i32 to vector<16xi32>
      %eq3A_308 = arith.cmpf oeq, %select_n3A_249, %max3A_305 : vector<16xf32>
      %jit3A_309 = arith.constant 1073741824 : i32
      %broadcast_in_dim3A_310 = vector.broadcast %jit3A_309 : i32 to vector<16xi32>
      %select_n3A_311 = arith.select %eq3A_308, %add3A_5, %broadcast_in_dim3A_310 : vector<16xi1>, vector<16xi32>
      %min3A_312 = arith.minsi %broadcast_in_dim3A_307, %select_n3A_311 : vector<16xi32>
      %eq3A_313 = arith.cmpf oeq, %select_n3A_257, %max3A_305 : vector<16xf32>
      %jit3A_314 = arith.constant 1073741824 : i32
      %broadcast_in_dim3A_315 = vector.broadcast %jit3A_314 : i32 to vector<16xi32>
      %select_n3A_316 = arith.select %eq3A_313, %add3A_9, %broadcast_in_dim3A_315 : vector<16xi1>, vector<16xi32>
      %min3A_317 = arith.minsi %min3A_312, %select_n3A_316 : vector<16xi32>
      %eq3A_318 = arith.cmpf oeq, %select_n3A_265, %max3A_305 : vector<16xf32>
      %jit3A_319 = arith.constant 1073741824 : i32
      %broadcast_in_dim3A_320 = vector.broadcast %jit3A_319 : i32 to vector<16xi32>
      %select_n3A_321 = arith.select %eq3A_318, %add3A_13, %broadcast_in_dim3A_320 : vector<16xi1>, vector<16xi32>
      %min3A_322 = arith.minsi %min3A_317, %select_n3A_321 : vector<16xi32>
      %eq3A_323 = arith.cmpf oeq, %select_n3A_273, %max3A_305 : vector<16xf32>
      %jit3A_324 = arith.constant 1073741824 : i32
      %broadcast_in_dim3A_325 = vector.broadcast %jit3A_324 : i32 to vector<16xi32>
      %select_n3A_326 = arith.select %eq3A_323, %add3A_17, %broadcast_in_dim3A_325 : vector<16xi1>, vector<16xi32>
      %min3A_327 = arith.minsi %min3A_322, %select_n3A_326 : vector<16xi32>
      %iota3A_328 = tpu.iota {dimensions = array<i32: 0>} : vector<16xi32>
      %xor3A_329 = arith.constant 1 : i32
      %xor3A_330 = vector.broadcast %xor3A_329 : i32 to vector<16xi32>
      %xor3A_331 = arith.xori %iota3A_328, %xor3A_330 : vector<16xi32>
      %reshape3A_332 = vector.shape_cast %xor3A_331 : vector<16xi32> to vector<16x1xi32>
      %gather3A_333 = vector.shape_cast %reshape3A_332 : vector<16x1xi32> to vector<16xi32>
      %gather3A_334 = tpu.dynamic_gather %min3A_327[%gather3A_333] in [0] : vector<16xi32>, vector<16xi32> -> vector<16xi32>
      %min3A_335 = arith.minsi %min3A_327, %gather3A_334 : vector<16xi32>
      %xor3A_336 = arith.constant 2 : i32
      %xor3A_337 = vector.broadcast %xor3A_336 : i32 to vector<16xi32>
      %xor3A_338 = arith.xori %iota3A_328, %xor3A_337 : vector<16xi32>
      %reshape3A_339 = vector.shape_cast %xor3A_338 : vector<16xi32> to vector<16x1xi32>
      %gather3A_340 = vector.shape_cast %reshape3A_339 : vector<16x1xi32> to vector<16xi32>
      %gather3A_341 = tpu.dynamic_gather %min3A_335[%gather3A_340] in [0] : vector<16xi32>, vector<16xi32> -> vector<16xi32>
      %min3A_342 = arith.minsi %min3A_335, %gather3A_341 : vector<16xi32>
      %xor3A_343 = arith.constant 4 : i32
      %xor3A_344 = vector.broadcast %xor3A_343 : i32 to vector<16xi32>
      %xor3A_345 = arith.xori %iota3A_328, %xor3A_344 : vector<16xi32>
      %reshape3A_346 = vector.shape_cast %xor3A_345 : vector<16xi32> to vector<16x1xi32>
      %gather3A_347 = vector.shape_cast %reshape3A_346 : vector<16x1xi32> to vector<16xi32>
      %gather3A_348 = tpu.dynamic_gather %min3A_342[%gather3A_347] in [0] : vector<16xi32>, vector<16xi32> -> vector<16xi32>
      %min3A_349 = arith.minsi %min3A_342, %gather3A_348 : vector<16xi32>
      %xor3A_350 = arith.constant 8 : i32
      %xor3A_351 = vector.broadcast %xor3A_350 : i32 to vector<16xi32>
      %xor3A_352 = arith.xori %iota3A_328, %xor3A_351 : vector<16xi32>
      %reshape3A_353 = vector.shape_cast %xor3A_352 : vector<16xi32> to vector<16x1xi32>
      %gather3A_354 = vector.shape_cast %reshape3A_353 : vector<16x1xi32> to vector<16xi32>
      %gather3A_355 = tpu.dynamic_gather %min3A_349[%gather3A_354] in [0] : vector<16xi32>, vector<16xi32> -> vector<16xi32>
      %min3A_356 = arith.minsi %min3A_349, %gather3A_355 : vector<16xi32>
      %sub3A_357 = arith.subf %max3A_305, %max3A_75 : vector<16xf32>
      %exp3A_358 = math.exp %sub3A_357 : vector<16xf32>
      %add3A_359 = arith.addf %add3A_241, %exp3A_358 : vector<16xf32>
      %eq3A_360 = arith.cmpi eq, %add3A_5, %min3A_356 : vector<16xi32>
      %jit3A_361 = arith.constant 0.000000e+00 : f32
      %broadcast_in_dim3A_362 = vector.broadcast %jit3A_361 : f32 to vector<16xf32>
      %select_n3A_363 = arith.select %eq3A_360, %exp3A_358, %broadcast_in_dim3A_362 : vector<16xi1>, vector<16xf32>
      %add3A_364 = arith.addf %add3A_246, %select_n3A_363 : vector<16xf32>
      %jit3A_365 = arith.constant -1.000000e+30 : f32
      %broadcast_in_dim3A_366 = vector.broadcast %jit3A_365 : f32 to vector<16xf32>
      %select_n3A_367 = arith.select %eq3A_360, %broadcast_in_dim3A_366, %select_n3A_249 : vector<16xi1>, vector<16xf32>
      %eq3A_368 = arith.cmpi eq, %add3A_9, %min3A_356 : vector<16xi32>
      %jit3A_369 = arith.constant 0.000000e+00 : f32
      %broadcast_in_dim3A_370 = vector.broadcast %jit3A_369 : f32 to vector<16xf32>
      %select_n3A_371 = arith.select %eq3A_368, %exp3A_358, %broadcast_in_dim3A_370 : vector<16xi1>, vector<16xf32>
      %add3A_372 = arith.addf %add3A_254, %select_n3A_371 : vector<16xf32>
      %jit3A_373 = arith.constant -1.000000e+30 : f32
      %broadcast_in_dim3A_374 = vector.broadcast %jit3A_373 : f32 to vector<16xf32>
      %select_n3A_375 = arith.select %eq3A_368, %broadcast_in_dim3A_374, %select_n3A_257 : vector<16xi1>, vector<16xf32>
      %eq3A_376 = arith.cmpi eq, %add3A_13, %min3A_356 : vector<16xi32>
      %jit3A_377 = arith.constant 0.000000e+00 : f32
      %broadcast_in_dim3A_378 = vector.broadcast %jit3A_377 : f32 to vector<16xf32>
      %select_n3A_379 = arith.select %eq3A_376, %exp3A_358, %broadcast_in_dim3A_378 : vector<16xi1>, vector<16xf32>
      %add3A_380 = arith.addf %add3A_262, %select_n3A_379 : vector<16xf32>
      %jit3A_381 = arith.constant -1.000000e+30 : f32
      %broadcast_in_dim3A_382 = vector.broadcast %jit3A_381 : f32 to vector<16xf32>
      %select_n3A_383 = arith.select %eq3A_376, %broadcast_in_dim3A_382, %select_n3A_265 : vector<16xi1>, vector<16xf32>
      %eq3A_384 = arith.cmpi eq, %add3A_17, %min3A_356 : vector<16xi32>
      %jit3A_385 = arith.constant 0.000000e+00 : f32
      %broadcast_in_dim3A_386 = vector.broadcast %jit3A_385 : f32 to vector<16xf32>
      %select_n3A_387 = arith.select %eq3A_384, %exp3A_358, %broadcast_in_dim3A_386 : vector<16xi1>, vector<16xf32>
      %add3A_388 = arith.addf %add3A_270, %select_n3A_387 : vector<16xf32>
      %jit3A_389 = arith.constant -1.000000e+30 : f32
      %broadcast_in_dim3A_390 = vector.broadcast %jit3A_389 : f32 to vector<16xf32>
      %select_n3A_391 = arith.select %eq3A_384, %broadcast_in_dim3A_390, %select_n3A_273 : vector<16xi1>, vector<16xf32>
      %max3A_392 = arith.maximumf %select_n3A_367, %select_n3A_375 : vector<16xf32>
      %max3A_393 = arith.maximumf %max3A_392, %select_n3A_383 : vector<16xf32>
      %max3A_394 = arith.maximumf %max3A_393, %select_n3A_391 : vector<16xf32>
      %iota3A_395 = tpu.iota {dimensions = array<i32: 0>} : vector<16xi32>
      %xor3A_396 = arith.constant 1 : i32
      %xor3A_397 = vector.broadcast %xor3A_396 : i32 to vector<16xi32>
      %xor3A_398 = arith.xori %iota3A_395, %xor3A_397 : vector<16xi32>
      %reshape3A_399 = vector.shape_cast %xor3A_398 : vector<16xi32> to vector<16x1xi32>
      %gather3A_400 = vector.shape_cast %reshape3A_399 : vector<16x1xi32> to vector<16xi32>
      %gather3A_401 = tpu.dynamic_gather %max3A_394[%gather3A_400] in [0] : vector<16xf32>, vector<16xi32> -> vector<16xf32>
      %max3A_402 = arith.maximumf %max3A_394, %gather3A_401 : vector<16xf32>
      %xor3A_403 = arith.constant 2 : i32
      %xor3A_404 = vector.broadcast %xor3A_403 : i32 to vector<16xi32>
      %xor3A_405 = arith.xori %iota3A_395, %xor3A_404 : vector<16xi32>
      %reshape3A_406 = vector.shape_cast %xor3A_405 : vector<16xi32> to vector<16x1xi32>
      %gather3A_407 = vector.shape_cast %reshape3A_406 : vector<16x1xi32> to vector<16xi32>
      %gather3A_408 = tpu.dynamic_gather %max3A_402[%gather3A_407] in [0] : vector<16xf32>, vector<16xi32> -> vector<16xf32>
      %max3A_409 = arith.maximumf %max3A_402, %gather3A_408 : vector<16xf32>
      %xor3A_410 = arith.constant 4 : i32
      %xor3A_411 = vector.broadcast %xor3A_410 : i32 to vector<16xi32>
      %xor3A_412 = arith.xori %iota3A_395, %xor3A_411 : vector<16xi32>
      %reshape3A_413 = vector.shape_cast %xor3A_412 : vector<16xi32> to vector<16x1xi32>
      %gather3A_414 = vector.shape_cast %reshape3A_413 : vector<16x1xi32> to vector<16xi32>
      %gather3A_415 = tpu.dynamic_gather %max3A_409[%gather3A_414] in [0] : vector<16xf32>, vector<16xi32> -> vector<16xf32>
      %max3A_416 = arith.maximumf %max3A_409, %gather3A_415 : vector<16xf32>
      %xor3A_417 = arith.constant 8 : i32
      %xor3A_418 = vector.broadcast %xor3A_417 : i32 to vector<16xi32>
      %xor3A_419 = arith.xori %iota3A_395, %xor3A_418 : vector<16xi32>
      %reshape3A_420 = vector.shape_cast %xor3A_419 : vector<16xi32> to vector<16x1xi32>
      %gather3A_421 = vector.shape_cast %reshape3A_420 : vector<16x1xi32> to vector<16xi32>
      %gather3A_422 = tpu.dynamic_gather %max3A_416[%gather3A_421] in [0] : vector<16xf32>, vector<16xi32> -> vector<16xf32>
      %max3A_423 = arith.maximumf %max3A_416, %gather3A_422 : vector<16xf32>
      %broadcast_in_dim3A_424 = arith.constant 1073741824 : i32
      %broadcast_in_dim3A_425 = vector.broadcast %broadcast_in_dim3A_424 : i32 to vector<16xi32>
      %eq3A_426 = arith.cmpf oeq, %select_n3A_367, %max3A_423 : vector<16xf32>
      %jit3A_427 = arith.constant 1073741824 : i32
      %broadcast_in_dim3A_428 = vector.broadcast %jit3A_427 : i32 to vector<16xi32>
      %select_n3A_429 = arith.select %eq3A_426, %add3A_5, %broadcast_in_dim3A_428 : vector<16xi1>, vector<16xi32>
      %min3A_430 = arith.minsi %broadcast_in_dim3A_425, %select_n3A_429 : vector<16xi32>
      %eq3A_431 = arith.cmpf oeq, %select_n3A_375, %max3A_423 : vector<16xf32>
      %jit3A_432 = arith.constant 1073741824 : i32
      %broadcast_in_dim3A_433 = vector.broadcast %jit3A_432 : i32 to vector<16xi32>
      %select_n3A_434 = arith.select %eq3A_431, %add3A_9, %broadcast_in_dim3A_433 : vector<16xi1>, vector<16xi32>
      %min3A_435 = arith.minsi %min3A_430, %select_n3A_434 : vector<16xi32>
      %eq3A_436 = arith.cmpf oeq, %select_n3A_383, %max3A_423 : vector<16xf32>
      %jit3A_437 = arith.constant 1073741824 : i32
      %broadcast_in_dim3A_438 = vector.broadcast %jit3A_437 : i32 to vector<16xi32>
      %select_n3A_439 = arith.select %eq3A_436, %add3A_13, %broadcast_in_dim3A_438 : vector<16xi1>, vector<16xi32>
      %min3A_440 = arith.minsi %min3A_435, %select_n3A_439 : vector<16xi32>
      %eq3A_441 = arith.cmpf oeq, %select_n3A_391, %max3A_423 : vector<16xf32>
      %jit3A_442 = arith.constant 1073741824 : i32
      %broadcast_in_dim3A_443 = vector.broadcast %jit3A_442 : i32 to vector<16xi32>
      %select_n3A_444 = arith.select %eq3A_441, %add3A_17, %broadcast_in_dim3A_443 : vector<16xi1>, vector<16xi32>
      %min3A_445 = arith.minsi %min3A_440, %select_n3A_444 : vector<16xi32>
      %iota3A_446 = tpu.iota {dimensions = array<i32: 0>} : vector<16xi32>
      %xor3A_447 = arith.constant 1 : i32
      %xor3A_448 = vector.broadcast %xor3A_447 : i32 to vector<16xi32>
      %xor3A_449 = arith.xori %iota3A_446, %xor3A_448 : vector<16xi32>
      %reshape3A_450 = vector.shape_cast %xor3A_449 : vector<16xi32> to vector<16x1xi32>
      %gather3A_451 = vector.shape_cast %reshape3A_450 : vector<16x1xi32> to vector<16xi32>
      %gather3A_452 = tpu.dynamic_gather %min3A_445[%gather3A_451] in [0] : vector<16xi32>, vector<16xi32> -> vector<16xi32>
      %min3A_453 = arith.minsi %min3A_445, %gather3A_452 : vector<16xi32>
      %xor3A_454 = arith.constant 2 : i32
      %xor3A_455 = vector.broadcast %xor3A_454 : i32 to vector<16xi32>
      %xor3A_456 = arith.xori %iota3A_446, %xor3A_455 : vector<16xi32>
      %reshape3A_457 = vector.shape_cast %xor3A_456 : vector<16xi32> to vector<16x1xi32>
      %gather3A_458 = vector.shape_cast %reshape3A_457 : vector<16x1xi32> to vector<16xi32>
      %gather3A_459 = tpu.dynamic_gather %min3A_453[%gather3A_458] in [0] : vector<16xi32>, vector<16xi32> -> vector<16xi32>
      %min3A_460 = arith.minsi %min3A_453, %gather3A_459 : vector<16xi32>
      %xor3A_461 = arith.constant 4 : i32
      %xor3A_462 = vector.broadcast %xor3A_461 : i32 to vector<16xi32>
      %xor3A_463 = arith.xori %iota3A_446, %xor3A_462 : vector<16xi32>
      %reshape3A_464 = vector.shape_cast %xor3A_463 : vector<16xi32> to vector<16x1xi32>
      %gather3A_465 = vector.shape_cast %reshape3A_464 : vector<16x1xi32> to vector<16xi32>
      %gather3A_466 = tpu.dynamic_gather %min3A_460[%gather3A_465] in [0] : vector<16xi32>, vector<16xi32> -> vector<16xi32>
      %min3A_467 = arith.minsi %min3A_460, %gather3A_466 : vector<16xi32>
      %xor3A_468 = arith.constant 8 : i32
      %xor3A_469 = vector.broadcast %xor3A_468 : i32 to vector<16xi32>
      %xor3A_470 = arith.xori %iota3A_446, %xor3A_469 : vector<16xi32>
      %reshape3A_471 = vector.shape_cast %xor3A_470 : vector<16xi32> to vector<16x1xi32>
      %gather3A_472 = vector.shape_cast %reshape3A_471 : vector<16x1xi32> to vector<16xi32>
      %gather3A_473 = tpu.dynamic_gather %min3A_467[%gather3A_472] in [0] : vector<16xi32>, vector<16xi32> -> vector<16xi32>
      %min3A_474 = arith.minsi %min3A_467, %gather3A_473 : vector<16xi32>
      %sub3A_475 = arith.subf %max3A_423, %max3A_75 : vector<16xf32>
      %exp3A_476 = math.exp %sub3A_475 : vector<16xf32>
      %add3A_477 = arith.addf %add3A_359, %exp3A_476 : vector<16xf32>
      %eq3A_478 = arith.cmpi eq, %add3A_5, %min3A_474 : vector<16xi32>
      %jit3A_479 = arith.constant 0.000000e+00 : f32
      %broadcast_in_dim3A_480 = vector.broadcast %jit3A_479 : f32 to vector<16xf32>
      %select_n3A_481 = arith.select %eq3A_478, %exp3A_476, %broadcast_in_dim3A_480 : vector<16xi1>, vector<16xf32>
      %add3A_482 = arith.addf %add3A_364, %select_n3A_481 : vector<16xf32>
      %jit3A_483 = arith.constant -1.000000e+30 : f32
      %broadcast_in_dim3A_484 = vector.broadcast %jit3A_483 : f32 to vector<16xf32>
      %select_n3A_485 = arith.select %eq3A_478, %broadcast_in_dim3A_484, %select_n3A_367 : vector<16xi1>, vector<16xf32>
      %eq3A_486 = arith.cmpi eq, %add3A_9, %min3A_474 : vector<16xi32>
      %jit3A_487 = arith.constant 0.000000e+00 : f32
      %broadcast_in_dim3A_488 = vector.broadcast %jit3A_487 : f32 to vector<16xf32>
      %select_n3A_489 = arith.select %eq3A_486, %exp3A_476, %broadcast_in_dim3A_488 : vector<16xi1>, vector<16xf32>
      %add3A_490 = arith.addf %add3A_372, %select_n3A_489 : vector<16xf32>
      %jit3A_491 = arith.constant -1.000000e+30 : f32
      %broadcast_in_dim3A_492 = vector.broadcast %jit3A_491 : f32 to vector<16xf32>
      %select_n3A_493 = arith.select %eq3A_486, %broadcast_in_dim3A_492, %select_n3A_375 : vector<16xi1>, vector<16xf32>
      %eq3A_494 = arith.cmpi eq, %add3A_13, %min3A_474 : vector<16xi32>
      %jit3A_495 = arith.constant 0.000000e+00 : f32
      %broadcast_in_dim3A_496 = vector.broadcast %jit3A_495 : f32 to vector<16xf32>
      %select_n3A_497 = arith.select %eq3A_494, %exp3A_476, %broadcast_in_dim3A_496 : vector<16xi1>, vector<16xf32>
      %add3A_498 = arith.addf %add3A_380, %select_n3A_497 : vector<16xf32>
      %jit3A_499 = arith.constant -1.000000e+30 : f32
      %broadcast_in_dim3A_500 = vector.broadcast %jit3A_499 : f32 to vector<16xf32>
      %select_n3A_501 = arith.select %eq3A_494, %broadcast_in_dim3A_500, %select_n3A_383 : vector<16xi1>, vector<16xf32>
      %eq3A_502 = arith.cmpi eq, %add3A_17, %min3A_474 : vector<16xi32>
      %jit3A_503 = arith.constant 0.000000e+00 : f32
      %broadcast_in_dim3A_504 = vector.broadcast %jit3A_503 : f32 to vector<16xf32>
      %select_n3A_505 = arith.select %eq3A_502, %exp3A_476, %broadcast_in_dim3A_504 : vector<16xi1>, vector<16xf32>
      %add3A_506 = arith.addf %add3A_388, %select_n3A_505 : vector<16xf32>
      %jit3A_507 = arith.constant -1.000000e+30 : f32
      %broadcast_in_dim3A_508 = vector.broadcast %jit3A_507 : f32 to vector<16xf32>
      %select_n3A_509 = arith.select %eq3A_502, %broadcast_in_dim3A_508, %select_n3A_391 : vector<16xi1>, vector<16xf32>
      %max3A_510 = arith.maximumf %select_n3A_485, %select_n3A_493 : vector<16xf32>
      %max3A_511 = arith.maximumf %max3A_510, %select_n3A_501 : vector<16xf32>
      %max3A_512 = arith.maximumf %max3A_511, %select_n3A_509 : vector<16xf32>
      %iota3A_513 = tpu.iota {dimensions = array<i32: 0>} : vector<16xi32>
      %xor3A_514 = arith.constant 1 : i32
      %xor3A_515 = vector.broadcast %xor3A_514 : i32 to vector<16xi32>
      %xor3A_516 = arith.xori %iota3A_513, %xor3A_515 : vector<16xi32>
      %reshape3A_517 = vector.shape_cast %xor3A_516 : vector<16xi32> to vector<16x1xi32>
      %gather3A_518 = vector.shape_cast %reshape3A_517 : vector<16x1xi32> to vector<16xi32>
      %gather3A_519 = tpu.dynamic_gather %max3A_512[%gather3A_518] in [0] : vector<16xf32>, vector<16xi32> -> vector<16xf32>
      %max3A_520 = arith.maximumf %max3A_512, %gather3A_519 : vector<16xf32>
      %xor3A_521 = arith.constant 2 : i32
      %xor3A_522 = vector.broadcast %xor3A_521 : i32 to vector<16xi32>
      %xor3A_523 = arith.xori %iota3A_513, %xor3A_522 : vector<16xi32>
      %reshape3A_524 = vector.shape_cast %xor3A_523 : vector<16xi32> to vector<16x1xi32>
      %gather3A_525 = vector.shape_cast %reshape3A_524 : vector<16x1xi32> to vector<16xi32>
      %gather3A_526 = tpu.dynamic_gather %max3A_520[%gather3A_525] in [0] : vector<16xf32>, vector<16xi32> -> vector<16xf32>
      %max3A_527 = arith.maximumf %max3A_520, %gather3A_526 : vector<16xf32>
      %xor3A_528 = arith.constant 4 : i32
      %xor3A_529 = vector.broadcast %xor3A_528 : i32 to vector<16xi32>
      %xor3A_530 = arith.xori %iota3A_513, %xor3A_529 : vector<16xi32>
      %reshape3A_531 = vector.shape_cast %xor3A_530 : vector<16xi32> to vector<16x1xi32>
      %gather3A_532 = vector.shape_cast %reshape3A_531 : vector<16x1xi32> to vector<16xi32>
      %gather3A_533 = tpu.dynamic_gather %max3A_527[%gather3A_532] in [0] : vector<16xf32>, vector<16xi32> -> vector<16xf32>
      %max3A_534 = arith.maximumf %max3A_527, %gather3A_533 : vector<16xf32>
      %xor3A_535 = arith.constant 8 : i32
      %xor3A_536 = vector.broadcast %xor3A_535 : i32 to vector<16xi32>
      %xor3A_537 = arith.xori %iota3A_513, %xor3A_536 : vector<16xi32>
      %reshape3A_538 = vector.shape_cast %xor3A_537 : vector<16xi32> to vector<16x1xi32>
      %gather3A_539 = vector.shape_cast %reshape3A_538 : vector<16x1xi32> to vector<16xi32>
      %gather3A_540 = tpu.dynamic_gather %max3A_534[%gather3A_539] in [0] : vector<16xf32>, vector<16xi32> -> vector<16xf32>
      %max3A_541 = arith.maximumf %max3A_534, %gather3A_540 : vector<16xf32>
      %broadcast_in_dim3A_542 = arith.constant 1073741824 : i32
      %broadcast_in_dim3A_543 = vector.broadcast %broadcast_in_dim3A_542 : i32 to vector<16xi32>
      %eq3A_544 = arith.cmpf oeq, %select_n3A_485, %max3A_541 : vector<16xf32>
      %jit3A_545 = arith.constant 1073741824 : i32
      %broadcast_in_dim3A_546 = vector.broadcast %jit3A_545 : i32 to vector<16xi32>
      %select_n3A_547 = arith.select %eq3A_544, %add3A_5, %broadcast_in_dim3A_546 : vector<16xi1>, vector<16xi32>
      %min3A_548 = arith.minsi %broadcast_in_dim3A_543, %select_n3A_547 : vector<16xi32>
      %eq3A_549 = arith.cmpf oeq, %select_n3A_493, %max3A_541 : vector<16xf32>
      %jit3A_550 = arith.constant 1073741824 : i32
      %broadcast_in_dim3A_551 = vector.broadcast %jit3A_550 : i32 to vector<16xi32>
      %select_n3A_552 = arith.select %eq3A_549, %add3A_9, %broadcast_in_dim3A_551 : vector<16xi1>, vector<16xi32>
      %min3A_553 = arith.minsi %min3A_548, %select_n3A_552 : vector<16xi32>
      %eq3A_554 = arith.cmpf oeq, %select_n3A_501, %max3A_541 : vector<16xf32>
      %jit3A_555 = arith.constant 1073741824 : i32
      %broadcast_in_dim3A_556 = vector.broadcast %jit3A_555 : i32 to vector<16xi32>
      %select_n3A_557 = arith.select %eq3A_554, %add3A_13, %broadcast_in_dim3A_556 : vector<16xi1>, vector<16xi32>
      %min3A_558 = arith.minsi %min3A_553, %select_n3A_557 : vector<16xi32>
      %eq3A_559 = arith.cmpf oeq, %select_n3A_509, %max3A_541 : vector<16xf32>
      %jit3A_560 = arith.constant 1073741824 : i32
      %broadcast_in_dim3A_561 = vector.broadcast %jit3A_560 : i32 to vector<16xi32>
      %select_n3A_562 = arith.select %eq3A_559, %add3A_17, %broadcast_in_dim3A_561 : vector<16xi1>, vector<16xi32>
      %min3A_563 = arith.minsi %min3A_558, %select_n3A_562 : vector<16xi32>
      %iota3A_564 = tpu.iota {dimensions = array<i32: 0>} : vector<16xi32>
      %xor3A_565 = arith.constant 1 : i32
      %xor3A_566 = vector.broadcast %xor3A_565 : i32 to vector<16xi32>
      %xor3A_567 = arith.xori %iota3A_564, %xor3A_566 : vector<16xi32>
      %reshape3A_568 = vector.shape_cast %xor3A_567 : vector<16xi32> to vector<16x1xi32>
      %gather3A_569 = vector.shape_cast %reshape3A_568 : vector<16x1xi32> to vector<16xi32>
      %gather3A_570 = tpu.dynamic_gather %min3A_563[%gather3A_569] in [0] : vector<16xi32>, vector<16xi32> -> vector<16xi32>
      %min3A_571 = arith.minsi %min3A_563, %gather3A_570 : vector<16xi32>
      %xor3A_572 = arith.constant 2 : i32
      %xor3A_573 = vector.broadcast %xor3A_572 : i32 to vector<16xi32>
      %xor3A_574 = arith.xori %iota3A_564, %xor3A_573 : vector<16xi32>
      %reshape3A_575 = vector.shape_cast %xor3A_574 : vector<16xi32> to vector<16x1xi32>
      %gather3A_576 = vector.shape_cast %reshape3A_575 : vector<16x1xi32> to vector<16xi32>
      %gather3A_577 = tpu.dynamic_gather %min3A_571[%gather3A_576] in [0] : vector<16xi32>, vector<16xi32> -> vector<16xi32>
      %min3A_578 = arith.minsi %min3A_571, %gather3A_577 : vector<16xi32>
      %xor3A_579 = arith.constant 4 : i32
      %xor3A_580 = vector.broadcast %xor3A_579 : i32 to vector<16xi32>
      %xor3A_581 = arith.xori %iota3A_564, %xor3A_580 : vector<16xi32>
      %reshape3A_582 = vector.shape_cast %xor3A_581 : vector<16xi32> to vector<16x1xi32>
      %gather3A_583 = vector.shape_cast %reshape3A_582 : vector<16x1xi32> to vector<16xi32>
      %gather3A_584 = tpu.dynamic_gather %min3A_578[%gather3A_583] in [0] : vector<16xi32>, vector<16xi32> -> vector<16xi32>
      %min3A_585 = arith.minsi %min3A_578, %gather3A_584 : vector<16xi32>
      %xor3A_586 = arith.constant 8 : i32
      %xor3A_587 = vector.broadcast %xor3A_586 : i32 to vector<16xi32>
      %xor3A_588 = arith.xori %iota3A_564, %xor3A_587 : vector<16xi32>
      %reshape3A_589 = vector.shape_cast %xor3A_588 : vector<16xi32> to vector<16x1xi32>
      %gather3A_590 = vector.shape_cast %reshape3A_589 : vector<16x1xi32> to vector<16xi32>
      %gather3A_591 = tpu.dynamic_gather %min3A_585[%gather3A_590] in [0] : vector<16xi32>, vector<16xi32> -> vector<16xi32>
      %min3A_592 = arith.minsi %min3A_585, %gather3A_591 : vector<16xi32>
      %sub3A_593 = arith.subf %max3A_541, %max3A_75 : vector<16xf32>
      %exp3A_594 = math.exp %sub3A_593 : vector<16xf32>
      %add3A_595 = arith.addf %add3A_477, %exp3A_594 : vector<16xf32>
      %eq3A_596 = arith.cmpi eq, %add3A_5, %min3A_592 : vector<16xi32>
      %jit3A_597 = arith.constant 0.000000e+00 : f32
      %broadcast_in_dim3A_598 = vector.broadcast %jit3A_597 : f32 to vector<16xf32>
      %select_n3A_599 = arith.select %eq3A_596, %exp3A_594, %broadcast_in_dim3A_598 : vector<16xi1>, vector<16xf32>
      %add3A_600 = arith.addf %add3A_482, %select_n3A_599 : vector<16xf32>
      %jit3A_601 = arith.constant -1.000000e+30 : f32
      %broadcast_in_dim3A_602 = vector.broadcast %jit3A_601 : f32 to vector<16xf32>
      %select_n3A_603 = arith.select %eq3A_596, %broadcast_in_dim3A_602, %select_n3A_485 : vector<16xi1>, vector<16xf32>
      %eq3A_604 = arith.cmpi eq, %add3A_9, %min3A_592 : vector<16xi32>
      %jit3A_605 = arith.constant 0.000000e+00 : f32
      %broadcast_in_dim3A_606 = vector.broadcast %jit3A_605 : f32 to vector<16xf32>
      %select_n3A_607 = arith.select %eq3A_604, %exp3A_594, %broadcast_in_dim3A_606 : vector<16xi1>, vector<16xf32>
      %add3A_608 = arith.addf %add3A_490, %select_n3A_607 : vector<16xf32>
      %jit3A_609 = arith.constant -1.000000e+30 : f32
      %broadcast_in_dim3A_610 = vector.broadcast %jit3A_609 : f32 to vector<16xf32>
      %select_n3A_611 = arith.select %eq3A_604, %broadcast_in_dim3A_610, %select_n3A_493 : vector<16xi1>, vector<16xf32>
      %eq3A_612 = arith.cmpi eq, %add3A_13, %min3A_592 : vector<16xi32>
      %jit3A_613 = arith.constant 0.000000e+00 : f32
      %broadcast_in_dim3A_614 = vector.broadcast %jit3A_613 : f32 to vector<16xf32>
      %select_n3A_615 = arith.select %eq3A_612, %exp3A_594, %broadcast_in_dim3A_614 : vector<16xi1>, vector<16xf32>
      %add3A_616 = arith.addf %add3A_498, %select_n3A_615 : vector<16xf32>
      %jit3A_617 = arith.constant -1.000000e+30 : f32
      %broadcast_in_dim3A_618 = vector.broadcast %jit3A_617 : f32 to vector<16xf32>
      %select_n3A_619 = arith.select %eq3A_612, %broadcast_in_dim3A_618, %select_n3A_501 : vector<16xi1>, vector<16xf32>
      %eq3A_620 = arith.cmpi eq, %add3A_17, %min3A_592 : vector<16xi32>
      %jit3A_621 = arith.constant 0.000000e+00 : f32
      %broadcast_in_dim3A_622 = vector.broadcast %jit3A_621 : f32 to vector<16xf32>
      %select_n3A_623 = arith.select %eq3A_620, %exp3A_594, %broadcast_in_dim3A_622 : vector<16xi1>, vector<16xf32>
      %add3A_624 = arith.addf %add3A_506, %select_n3A_623 : vector<16xf32>
      %jit3A_625 = arith.constant -1.000000e+30 : f32
      %broadcast_in_dim3A_626 = vector.broadcast %jit3A_625 : f32 to vector<16xf32>
      %select_n3A_627 = arith.select %eq3A_620, %broadcast_in_dim3A_626, %select_n3A_509 : vector<16xi1>, vector<16xf32>
      %max3A_628 = arith.maximumf %select_n3A_603, %select_n3A_611 : vector<16xf32>
      %max3A_629 = arith.maximumf %max3A_628, %select_n3A_619 : vector<16xf32>
      %max3A_630 = arith.maximumf %max3A_629, %select_n3A_627 : vector<16xf32>
      %iota3A_631 = tpu.iota {dimensions = array<i32: 0>} : vector<16xi32>
      %xor3A_632 = arith.constant 1 : i32
      %xor3A_633 = vector.broadcast %xor3A_632 : i32 to vector<16xi32>
      %xor3A_634 = arith.xori %iota3A_631, %xor3A_633 : vector<16xi32>
      %reshape3A_635 = vector.shape_cast %xor3A_634 : vector<16xi32> to vector<16x1xi32>
      %gather3A_636 = vector.shape_cast %reshape3A_635 : vector<16x1xi32> to vector<16xi32>
      %gather3A_637 = tpu.dynamic_gather %max3A_630[%gather3A_636] in [0] : vector<16xf32>, vector<16xi32> -> vector<16xf32>
      %max3A_638 = arith.maximumf %max3A_630, %gather3A_637 : vector<16xf32>
      %xor3A_639 = arith.constant 2 : i32
      %xor3A_640 = vector.broadcast %xor3A_639 : i32 to vector<16xi32>
      %xor3A_641 = arith.xori %iota3A_631, %xor3A_640 : vector<16xi32>
      %reshape3A_642 = vector.shape_cast %xor3A_641 : vector<16xi32> to vector<16x1xi32>
      %gather3A_643 = vector.shape_cast %reshape3A_642 : vector<16x1xi32> to vector<16xi32>
      %gather3A_644 = tpu.dynamic_gather %max3A_638[%gather3A_643] in [0] : vector<16xf32>, vector<16xi32> -> vector<16xf32>
      %max3A_645 = arith.maximumf %max3A_638, %gather3A_644 : vector<16xf32>
      %xor3A_646 = arith.constant 4 : i32
      %xor3A_647 = vector.broadcast %xor3A_646 : i32 to vector<16xi32>
      %xor3A_648 = arith.xori %iota3A_631, %xor3A_647 : vector<16xi32>
      %reshape3A_649 = vector.shape_cast %xor3A_648 : vector<16xi32> to vector<16x1xi32>
      %gather3A_650 = vector.shape_cast %reshape3A_649 : vector<16x1xi32> to vector<16xi32>
      %gather3A_651 = tpu.dynamic_gather %max3A_645[%gather3A_650] in [0] : vector<16xf32>, vector<16xi32> -> vector<16xf32>
      %max3A_652 = arith.maximumf %max3A_645, %gather3A_651 : vector<16xf32>
      %xor3A_653 = arith.constant 8 : i32
      %xor3A_654 = vector.broadcast %xor3A_653 : i32 to vector<16xi32>
      %xor3A_655 = arith.xori %iota3A_631, %xor3A_654 : vector<16xi32>
      %reshape3A_656 = vector.shape_cast %xor3A_655 : vector<16xi32> to vector<16x1xi32>
      %gather3A_657 = vector.shape_cast %reshape3A_656 : vector<16x1xi32> to vector<16xi32>
      %gather3A_658 = tpu.dynamic_gather %max3A_652[%gather3A_657] in [0] : vector<16xf32>, vector<16xi32> -> vector<16xf32>
      %max3A_659 = arith.maximumf %max3A_652, %gather3A_658 : vector<16xf32>
      %broadcast_in_dim3A_660 = arith.constant 1073741824 : i32
      %broadcast_in_dim3A_661 = vector.broadcast %broadcast_in_dim3A_660 : i32 to vector<16xi32>
      %eq3A_662 = arith.cmpf oeq, %select_n3A_603, %max3A_659 : vector<16xf32>
      %jit3A_663 = arith.constant 1073741824 : i32
      %broadcast_in_dim3A_664 = vector.broadcast %jit3A_663 : i32 to vector<16xi32>
      %select_n3A_665 = arith.select %eq3A_662, %add3A_5, %broadcast_in_dim3A_664 : vector<16xi1>, vector<16xi32>
      %min3A_666 = arith.minsi %broadcast_in_dim3A_661, %select_n3A_665 : vector<16xi32>
      %eq3A_667 = arith.cmpf oeq, %select_n3A_611, %max3A_659 : vector<16xf32>
      %jit3A_668 = arith.constant 1073741824 : i32
      %broadcast_in_dim3A_669 = vector.broadcast %jit3A_668 : i32 to vector<16xi32>
      %select_n3A_670 = arith.select %eq3A_667, %add3A_9, %broadcast_in_dim3A_669 : vector<16xi1>, vector<16xi32>
      %min3A_671 = arith.minsi %min3A_666, %select_n3A_670 : vector<16xi32>
      %eq3A_672 = arith.cmpf oeq, %select_n3A_619, %max3A_659 : vector<16xf32>
      %jit3A_673 = arith.constant 1073741824 : i32
      %broadcast_in_dim3A_674 = vector.broadcast %jit3A_673 : i32 to vector<16xi32>
      %select_n3A_675 = arith.select %eq3A_672, %add3A_13, %broadcast_in_dim3A_674 : vector<16xi1>, vector<16xi32>
      %min3A_676 = arith.minsi %min3A_671, %select_n3A_675 : vector<16xi32>
      %eq3A_677 = arith.cmpf oeq, %select_n3A_627, %max3A_659 : vector<16xf32>
      %jit3A_678 = arith.constant 1073741824 : i32
      %broadcast_in_dim3A_679 = vector.broadcast %jit3A_678 : i32 to vector<16xi32>
      %select_n3A_680 = arith.select %eq3A_677, %add3A_17, %broadcast_in_dim3A_679 : vector<16xi1>, vector<16xi32>
      %min3A_681 = arith.minsi %min3A_676, %select_n3A_680 : vector<16xi32>
      %iota3A_682 = tpu.iota {dimensions = array<i32: 0>} : vector<16xi32>
      %xor3A_683 = arith.constant 1 : i32
      %xor3A_684 = vector.broadcast %xor3A_683 : i32 to vector<16xi32>
      %xor3A_685 = arith.xori %iota3A_682, %xor3A_684 : vector<16xi32>
      %reshape3A_686 = vector.shape_cast %xor3A_685 : vector<16xi32> to vector<16x1xi32>
      %gather3A_687 = vector.shape_cast %reshape3A_686 : vector<16x1xi32> to vector<16xi32>
      %gather3A_688 = tpu.dynamic_gather %min3A_681[%gather3A_687] in [0] : vector<16xi32>, vector<16xi32> -> vector<16xi32>
      %min3A_689 = arith.minsi %min3A_681, %gather3A_688 : vector<16xi32>
      %xor3A_690 = arith.constant 2 : i32
      %xor3A_691 = vector.broadcast %xor3A_690 : i32 to vector<16xi32>
      %xor3A_692 = arith.xori %iota3A_682, %xor3A_691 : vector<16xi32>
      %reshape3A_693 = vector.shape_cast %xor3A_692 : vector<16xi32> to vector<16x1xi32>
      %gather3A_694 = vector.shape_cast %reshape3A_693 : vector<16x1xi32> to vector<16xi32>
      %gather3A_695 = tpu.dynamic_gather %min3A_689[%gather3A_694] in [0] : vector<16xi32>, vector<16xi32> -> vector<16xi32>
      %min3A_696 = arith.minsi %min3A_689, %gather3A_695 : vector<16xi32>
      %xor3A_697 = arith.constant 4 : i32
      %xor3A_698 = vector.broadcast %xor3A_697 : i32 to vector<16xi32>
      %xor3A_699 = arith.xori %iota3A_682, %xor3A_698 : vector<16xi32>
      %reshape3A_700 = vector.shape_cast %xor3A_699 : vector<16xi32> to vector<16x1xi32>
      %gather3A_701 = vector.shape_cast %reshape3A_700 : vector<16x1xi32> to vector<16xi32>
      %gather3A_702 = tpu.dynamic_gather %min3A_696[%gather3A_701] in [0] : vector<16xi32>, vector<16xi32> -> vector<16xi32>
      %min3A_703 = arith.minsi %min3A_696, %gather3A_702 : vector<16xi32>
      %xor3A_704 = arith.constant 8 : i32
      %xor3A_705 = vector.broadcast %xor3A_704 : i32 to vector<16xi32>
      %xor3A_706 = arith.xori %iota3A_682, %xor3A_705 : vector<16xi32>
      %reshape3A_707 = vector.shape_cast %xor3A_706 : vector<16xi32> to vector<16x1xi32>
      %gather3A_708 = vector.shape_cast %reshape3A_707 : vector<16x1xi32> to vector<16xi32>
      %gather3A_709 = tpu.dynamic_gather %min3A_703[%gather3A_708] in [0] : vector<16xi32>, vector<16xi32> -> vector<16xi32>
      %min3A_710 = arith.minsi %min3A_703, %gather3A_709 : vector<16xi32>
      %sub3A_711 = arith.subf %max3A_659, %max3A_75 : vector<16xf32>
      %exp3A_712 = math.exp %sub3A_711 : vector<16xf32>
      %add3A_713 = arith.addf %add3A_595, %exp3A_712 : vector<16xf32>
      %eq3A_714 = arith.cmpi eq, %add3A_5, %min3A_710 : vector<16xi32>
      %jit3A_715 = arith.constant 0.000000e+00 : f32
      %broadcast_in_dim3A_716 = vector.broadcast %jit3A_715 : f32 to vector<16xf32>
      %select_n3A_717 = arith.select %eq3A_714, %exp3A_712, %broadcast_in_dim3A_716 : vector<16xi1>, vector<16xf32>
      %add3A_718 = arith.addf %add3A_600, %select_n3A_717 : vector<16xf32>
      %jit3A_719 = arith.constant -1.000000e+30 : f32
      %broadcast_in_dim3A_720 = vector.broadcast %jit3A_719 : f32 to vector<16xf32>
      %select_n3A_721 = arith.select %eq3A_714, %broadcast_in_dim3A_720, %select_n3A_603 : vector<16xi1>, vector<16xf32>
      %eq3A_722 = arith.cmpi eq, %add3A_9, %min3A_710 : vector<16xi32>
      %jit3A_723 = arith.constant 0.000000e+00 : f32
      %broadcast_in_dim3A_724 = vector.broadcast %jit3A_723 : f32 to vector<16xf32>
      %select_n3A_725 = arith.select %eq3A_722, %exp3A_712, %broadcast_in_dim3A_724 : vector<16xi1>, vector<16xf32>
      %add3A_726 = arith.addf %add3A_608, %select_n3A_725 : vector<16xf32>
      %jit3A_727 = arith.constant -1.000000e+30 : f32
      %broadcast_in_dim3A_728 = vector.broadcast %jit3A_727 : f32 to vector<16xf32>
      %select_n3A_729 = arith.select %eq3A_722, %broadcast_in_dim3A_728, %select_n3A_611 : vector<16xi1>, vector<16xf32>
      %eq3A_730 = arith.cmpi eq, %add3A_13, %min3A_710 : vector<16xi32>
      %jit3A_731 = arith.constant 0.000000e+00 : f32
      %broadcast_in_dim3A_732 = vector.broadcast %jit3A_731 : f32 to vector<16xf32>
      %select_n3A_733 = arith.select %eq3A_730, %exp3A_712, %broadcast_in_dim3A_732 : vector<16xi1>, vector<16xf32>
      %add3A_734 = arith.addf %add3A_616, %select_n3A_733 : vector<16xf32>
      %jit3A_735 = arith.constant -1.000000e+30 : f32
      %broadcast_in_dim3A_736 = vector.broadcast %jit3A_735 : f32 to vector<16xf32>
      %select_n3A_737 = arith.select %eq3A_730, %broadcast_in_dim3A_736, %select_n3A_619 : vector<16xi1>, vector<16xf32>
      %eq3A_738 = arith.cmpi eq, %add3A_17, %min3A_710 : vector<16xi32>
      %jit3A_739 = arith.constant 0.000000e+00 : f32
      %broadcast_in_dim3A_740 = vector.broadcast %jit3A_739 : f32 to vector<16xf32>
      %select_n3A_741 = arith.select %eq3A_738, %exp3A_712, %broadcast_in_dim3A_740 : vector<16xi1>, vector<16xf32>
      %add3A_742 = arith.addf %add3A_624, %select_n3A_741 : vector<16xf32>
      %jit3A_743 = arith.constant -1.000000e+30 : f32
      %broadcast_in_dim3A_744 = vector.broadcast %jit3A_743 : f32 to vector<16xf32>
      %select_n3A_745 = arith.select %eq3A_738, %broadcast_in_dim3A_744, %select_n3A_627 : vector<16xi1>, vector<16xf32>
      %max3A_746 = arith.maximumf %select_n3A_721, %select_n3A_729 : vector<16xf32>
      %max3A_747 = arith.maximumf %max3A_746, %select_n3A_737 : vector<16xf32>
      %max3A_748 = arith.maximumf %max3A_747, %select_n3A_745 : vector<16xf32>
      %iota3A_749 = tpu.iota {dimensions = array<i32: 0>} : vector<16xi32>
      %xor3A_750 = arith.constant 1 : i32
      %xor3A_751 = vector.broadcast %xor3A_750 : i32 to vector<16xi32>
      %xor3A_752 = arith.xori %iota3A_749, %xor3A_751 : vector<16xi32>
      %reshape3A_753 = vector.shape_cast %xor3A_752 : vector<16xi32> to vector<16x1xi32>
      %gather3A_754 = vector.shape_cast %reshape3A_753 : vector<16x1xi32> to vector<16xi32>
      %gather3A_755 = tpu.dynamic_gather %max3A_748[%gather3A_754] in [0] : vector<16xf32>, vector<16xi32> -> vector<16xf32>
      %max3A_756 = arith.maximumf %max3A_748, %gather3A_755 : vector<16xf32>
      %xor3A_757 = arith.constant 2 : i32
      %xor3A_758 = vector.broadcast %xor3A_757 : i32 to vector<16xi32>
      %xor3A_759 = arith.xori %iota3A_749, %xor3A_758 : vector<16xi32>
      %reshape3A_760 = vector.shape_cast %xor3A_759 : vector<16xi32> to vector<16x1xi32>
      %gather3A_761 = vector.shape_cast %reshape3A_760 : vector<16x1xi32> to vector<16xi32>
      %gather3A_762 = tpu.dynamic_gather %max3A_756[%gather3A_761] in [0] : vector<16xf32>, vector<16xi32> -> vector<16xf32>
      %max3A_763 = arith.maximumf %max3A_756, %gather3A_762 : vector<16xf32>
      %xor3A_764 = arith.constant 4 : i32
      %xor3A_765 = vector.broadcast %xor3A_764 : i32 to vector<16xi32>
      %xor3A_766 = arith.xori %iota3A_749, %xor3A_765 : vector<16xi32>
      %reshape3A_767 = vector.shape_cast %xor3A_766 : vector<16xi32> to vector<16x1xi32>
      %gather3A_768 = vector.shape_cast %reshape3A_767 : vector<16x1xi32> to vector<16xi32>
      %gather3A_769 = tpu.dynamic_gather %max3A_763[%gather3A_768] in [0] : vector<16xf32>, vector<16xi32> -> vector<16xf32>
      %max3A_770 = arith.maximumf %max3A_763, %gather3A_769 : vector<16xf32>
      %xor3A_771 = arith.constant 8 : i32
      %xor3A_772 = vector.broadcast %xor3A_771 : i32 to vector<16xi32>
      %xor3A_773 = arith.xori %iota3A_749, %xor3A_772 : vector<16xi32>
      %reshape3A_774 = vector.shape_cast %xor3A_773 : vector<16xi32> to vector<16x1xi32>
      %gather3A_775 = vector.shape_cast %reshape3A_774 : vector<16x1xi32> to vector<16xi32>
      %gather3A_776 = tpu.dynamic_gather %max3A_770[%gather3A_775] in [0] : vector<16xf32>, vector<16xi32> -> vector<16xf32>
      %max3A_777 = arith.maximumf %max3A_770, %gather3A_776 : vector<16xf32>
      %broadcast_in_dim3A_778 = arith.constant 1073741824 : i32
      %broadcast_in_dim3A_779 = vector.broadcast %broadcast_in_dim3A_778 : i32 to vector<16xi32>
      %eq3A_780 = arith.cmpf oeq, %select_n3A_721, %max3A_777 : vector<16xf32>
      %jit3A_781 = arith.constant 1073741824 : i32
      %broadcast_in_dim3A_782 = vector.broadcast %jit3A_781 : i32 to vector<16xi32>
      %select_n3A_783 = arith.select %eq3A_780, %add3A_5, %broadcast_in_dim3A_782 : vector<16xi1>, vector<16xi32>
      %min3A_784 = arith.minsi %broadcast_in_dim3A_779, %select_n3A_783 : vector<16xi32>
      %eq3A_785 = arith.cmpf oeq, %select_n3A_729, %max3A_777 : vector<16xf32>
      %jit3A_786 = arith.constant 1073741824 : i32
      %broadcast_in_dim3A_787 = vector.broadcast %jit3A_786 : i32 to vector<16xi32>
      %select_n3A_788 = arith.select %eq3A_785, %add3A_9, %broadcast_in_dim3A_787 : vector<16xi1>, vector<16xi32>
      %min3A_789 = arith.minsi %min3A_784, %select_n3A_788 : vector<16xi32>
      %eq3A_790 = arith.cmpf oeq, %select_n3A_737, %max3A_777 : vector<16xf32>
      %jit3A_791 = arith.constant 1073741824 : i32
      %broadcast_in_dim3A_792 = vector.broadcast %jit3A_791 : i32 to vector<16xi32>
      %select_n3A_793 = arith.select %eq3A_790, %add3A_13, %broadcast_in_dim3A_792 : vector<16xi1>, vector<16xi32>
      %min3A_794 = arith.minsi %min3A_789, %select_n3A_793 : vector<16xi32>
      %eq3A_795 = arith.cmpf oeq, %select_n3A_745, %max3A_777 : vector<16xf32>
      %jit3A_796 = arith.constant 1073741824 : i32
      %broadcast_in_dim3A_797 = vector.broadcast %jit3A_796 : i32 to vector<16xi32>
      %select_n3A_798 = arith.select %eq3A_795, %add3A_17, %broadcast_in_dim3A_797 : vector<16xi1>, vector<16xi32>
      %min3A_799 = arith.minsi %min3A_794, %select_n3A_798 : vector<16xi32>
      %iota3A_800 = tpu.iota {dimensions = array<i32: 0>} : vector<16xi32>
      %xor3A_801 = arith.constant 1 : i32
      %xor3A_802 = vector.broadcast %xor3A_801 : i32 to vector<16xi32>
      %xor3A_803 = arith.xori %iota3A_800, %xor3A_802 : vector<16xi32>
      %reshape3A_804 = vector.shape_cast %xor3A_803 : vector<16xi32> to vector<16x1xi32>
      %gather3A_805 = vector.shape_cast %reshape3A_804 : vector<16x1xi32> to vector<16xi32>
      %gather3A_806 = tpu.dynamic_gather %min3A_799[%gather3A_805] in [0] : vector<16xi32>, vector<16xi32> -> vector<16xi32>
      %min3A_807 = arith.minsi %min3A_799, %gather3A_806 : vector<16xi32>
      %xor3A_808 = arith.constant 2 : i32
      %xor3A_809 = vector.broadcast %xor3A_808 : i32 to vector<16xi32>
      %xor3A_810 = arith.xori %iota3A_800, %xor3A_809 : vector<16xi32>
      %reshape3A_811 = vector.shape_cast %xor3A_810 : vector<16xi32> to vector<16x1xi32>
      %gather3A_812 = vector.shape_cast %reshape3A_811 : vector<16x1xi32> to vector<16xi32>
      %gather3A_813 = tpu.dynamic_gather %min3A_807[%gather3A_812] in [0] : vector<16xi32>, vector<16xi32> -> vector<16xi32>
      %min3A_814 = arith.minsi %min3A_807, %gather3A_813 : vector<16xi32>
      %xor3A_815 = arith.constant 4 : i32
      %xor3A_816 = vector.broadcast %xor3A_815 : i32 to vector<16xi32>
      %xor3A_817 = arith.xori %iota3A_800, %xor3A_816 : vector<16xi32>
      %reshape3A_818 = vector.shape_cast %xor3A_817 : vector<16xi32> to vector<16x1xi32>
      %gather3A_819 = vector.shape_cast %reshape3A_818 : vector<16x1xi32> to vector<16xi32>
      %gather3A_820 = tpu.dynamic_gather %min3A_814[%gather3A_819] in [0] : vector<16xi32>, vector<16xi32> -> vector<16xi32>
      %min3A_821 = arith.minsi %min3A_814, %gather3A_820 : vector<16xi32>
      %xor3A_822 = arith.constant 8 : i32
      %xor3A_823 = vector.broadcast %xor3A_822 : i32 to vector<16xi32>
      %xor3A_824 = arith.xori %iota3A_800, %xor3A_823 : vector<16xi32>
      %reshape3A_825 = vector.shape_cast %xor3A_824 : vector<16xi32> to vector<16x1xi32>
      %gather3A_826 = vector.shape_cast %reshape3A_825 : vector<16x1xi32> to vector<16xi32>
      %gather3A_827 = tpu.dynamic_gather %min3A_821[%gather3A_826] in [0] : vector<16xi32>, vector<16xi32> -> vector<16xi32>
      %min3A_828 = arith.minsi %min3A_821, %gather3A_827 : vector<16xi32>
      %sub3A_829 = arith.subf %max3A_777, %max3A_75 : vector<16xf32>
      %exp3A_830 = math.exp %sub3A_829 : vector<16xf32>
      %add3A_831 = arith.addf %add3A_713, %exp3A_830 : vector<16xf32>
      %eq3A_832 = arith.cmpi eq, %add3A_5, %min3A_828 : vector<16xi32>
      %jit3A_833 = arith.constant 0.000000e+00 : f32
      %broadcast_in_dim3A_834 = vector.broadcast %jit3A_833 : f32 to vector<16xf32>
      %select_n3A_835 = arith.select %eq3A_832, %exp3A_830, %broadcast_in_dim3A_834 : vector<16xi1>, vector<16xf32>
      %add3A_836 = arith.addf %add3A_718, %select_n3A_835 : vector<16xf32>
      %jit3A_837 = arith.constant -1.000000e+30 : f32
      %broadcast_in_dim3A_838 = vector.broadcast %jit3A_837 : f32 to vector<16xf32>
      %select_n3A_839 = arith.select %eq3A_832, %broadcast_in_dim3A_838, %select_n3A_721 : vector<16xi1>, vector<16xf32>
      %eq3A_840 = arith.cmpi eq, %add3A_9, %min3A_828 : vector<16xi32>
      %jit3A_841 = arith.constant 0.000000e+00 : f32
      %broadcast_in_dim3A_842 = vector.broadcast %jit3A_841 : f32 to vector<16xf32>
      %select_n3A_843 = arith.select %eq3A_840, %exp3A_830, %broadcast_in_dim3A_842 : vector<16xi1>, vector<16xf32>
      %add3A_844 = arith.addf %add3A_726, %select_n3A_843 : vector<16xf32>
      %jit3A_845 = arith.constant -1.000000e+30 : f32
      %broadcast_in_dim3A_846 = vector.broadcast %jit3A_845 : f32 to vector<16xf32>
      %select_n3A_847 = arith.select %eq3A_840, %broadcast_in_dim3A_846, %select_n3A_729 : vector<16xi1>, vector<16xf32>
      %eq3A_848 = arith.cmpi eq, %add3A_13, %min3A_828 : vector<16xi32>
      %jit3A_849 = arith.constant 0.000000e+00 : f32
      %broadcast_in_dim3A_850 = vector.broadcast %jit3A_849 : f32 to vector<16xf32>
      %select_n3A_851 = arith.select %eq3A_848, %exp3A_830, %broadcast_in_dim3A_850 : vector<16xi1>, vector<16xf32>
      %add3A_852 = arith.addf %add3A_734, %select_n3A_851 : vector<16xf32>
      %jit3A_853 = arith.constant -1.000000e+30 : f32
      %broadcast_in_dim3A_854 = vector.broadcast %jit3A_853 : f32 to vector<16xf32>
      %select_n3A_855 = arith.select %eq3A_848, %broadcast_in_dim3A_854, %select_n3A_737 : vector<16xi1>, vector<16xf32>
      %eq3A_856 = arith.cmpi eq, %add3A_17, %min3A_828 : vector<16xi32>
      %jit3A_857 = arith.constant 0.000000e+00 : f32
      %broadcast_in_dim3A_858 = vector.broadcast %jit3A_857 : f32 to vector<16xf32>
      %select_n3A_859 = arith.select %eq3A_856, %exp3A_830, %broadcast_in_dim3A_858 : vector<16xi1>, vector<16xf32>
      %add3A_860 = arith.addf %add3A_742, %select_n3A_859 : vector<16xf32>
      %jit3A_861 = arith.constant -1.000000e+30 : f32
      %broadcast_in_dim3A_862 = vector.broadcast %jit3A_861 : f32 to vector<16xf32>
      %select_n3A_863 = arith.select %eq3A_856, %broadcast_in_dim3A_862, %select_n3A_745 : vector<16xi1>, vector<16xf32>
      %max3A_864 = arith.maximumf %select_n3A_839, %select_n3A_847 : vector<16xf32>
      %max3A_865 = arith.maximumf %max3A_864, %select_n3A_855 : vector<16xf32>
      %max3A_866 = arith.maximumf %max3A_865, %select_n3A_863 : vector<16xf32>
      %iota3A_867 = tpu.iota {dimensions = array<i32: 0>} : vector<16xi32>
      %xor3A_868 = arith.constant 1 : i32
      %xor3A_869 = vector.broadcast %xor3A_868 : i32 to vector<16xi32>
      %xor3A_870 = arith.xori %iota3A_867, %xor3A_869 : vector<16xi32>
      %reshape3A_871 = vector.shape_cast %xor3A_870 : vector<16xi32> to vector<16x1xi32>
      %gather3A_872 = vector.shape_cast %reshape3A_871 : vector<16x1xi32> to vector<16xi32>
      %gather3A_873 = tpu.dynamic_gather %max3A_866[%gather3A_872] in [0] : vector<16xf32>, vector<16xi32> -> vector<16xf32>
      %max3A_874 = arith.maximumf %max3A_866, %gather3A_873 : vector<16xf32>
      %xor3A_875 = arith.constant 2 : i32
      %xor3A_876 = vector.broadcast %xor3A_875 : i32 to vector<16xi32>
      %xor3A_877 = arith.xori %iota3A_867, %xor3A_876 : vector<16xi32>
      %reshape3A_878 = vector.shape_cast %xor3A_877 : vector<16xi32> to vector<16x1xi32>
      %gather3A_879 = vector.shape_cast %reshape3A_878 : vector<16x1xi32> to vector<16xi32>
      %gather3A_880 = tpu.dynamic_gather %max3A_874[%gather3A_879] in [0] : vector<16xf32>, vector<16xi32> -> vector<16xf32>
      %max3A_881 = arith.maximumf %max3A_874, %gather3A_880 : vector<16xf32>
      %xor3A_882 = arith.constant 4 : i32
      %xor3A_883 = vector.broadcast %xor3A_882 : i32 to vector<16xi32>
      %xor3A_884 = arith.xori %iota3A_867, %xor3A_883 : vector<16xi32>
      %reshape3A_885 = vector.shape_cast %xor3A_884 : vector<16xi32> to vector<16x1xi32>
      %gather3A_886 = vector.shape_cast %reshape3A_885 : vector<16x1xi32> to vector<16xi32>
      %gather3A_887 = tpu.dynamic_gather %max3A_881[%gather3A_886] in [0] : vector<16xf32>, vector<16xi32> -> vector<16xf32>
      %max3A_888 = arith.maximumf %max3A_881, %gather3A_887 : vector<16xf32>
      %xor3A_889 = arith.constant 8 : i32
      %xor3A_890 = vector.broadcast %xor3A_889 : i32 to vector<16xi32>
      %xor3A_891 = arith.xori %iota3A_867, %xor3A_890 : vector<16xi32>
      %reshape3A_892 = vector.shape_cast %xor3A_891 : vector<16xi32> to vector<16x1xi32>
      %gather3A_893 = vector.shape_cast %reshape3A_892 : vector<16x1xi32> to vector<16xi32>
      %gather3A_894 = tpu.dynamic_gather %max3A_888[%gather3A_893] in [0] : vector<16xf32>, vector<16xi32> -> vector<16xf32>
      %max3A_895 = arith.maximumf %max3A_888, %gather3A_894 : vector<16xf32>
      %broadcast_in_dim3A_896 = arith.constant 1073741824 : i32
      %broadcast_in_dim3A_897 = vector.broadcast %broadcast_in_dim3A_896 : i32 to vector<16xi32>
      %eq3A_898 = arith.cmpf oeq, %select_n3A_839, %max3A_895 : vector<16xf32>
      %jit3A_899 = arith.constant 1073741824 : i32
      %broadcast_in_dim3A_900 = vector.broadcast %jit3A_899 : i32 to vector<16xi32>
      %select_n3A_901 = arith.select %eq3A_898, %add3A_5, %broadcast_in_dim3A_900 : vector<16xi1>, vector<16xi32>
      %min3A_902 = arith.minsi %broadcast_in_dim3A_897, %select_n3A_901 : vector<16xi32>
      %eq3A_903 = arith.cmpf oeq, %select_n3A_847, %max3A_895 : vector<16xf32>
      %jit3A_904 = arith.constant 1073741824 : i32
      %broadcast_in_dim3A_905 = vector.broadcast %jit3A_904 : i32 to vector<16xi32>
      %select_n3A_906 = arith.select %eq3A_903, %add3A_9, %broadcast_in_dim3A_905 : vector<16xi1>, vector<16xi32>
      %min3A_907 = arith.minsi %min3A_902, %select_n3A_906 : vector<16xi32>
      %eq3A_908 = arith.cmpf oeq, %select_n3A_855, %max3A_895 : vector<16xf32>
      %jit3A_909 = arith.constant 1073741824 : i32
      %broadcast_in_dim3A_910 = vector.broadcast %jit3A_909 : i32 to vector<16xi32>
      %select_n3A_911 = arith.select %eq3A_908, %add3A_13, %broadcast_in_dim3A_910 : vector<16xi1>, vector<16xi32>
      %min3A_912 = arith.minsi %min3A_907, %select_n3A_911 : vector<16xi32>
      %eq3A_913 = arith.cmpf oeq, %select_n3A_863, %max3A_895 : vector<16xf32>
      %jit3A_914 = arith.constant 1073741824 : i32
      %broadcast_in_dim3A_915 = vector.broadcast %jit3A_914 : i32 to vector<16xi32>
      %select_n3A_916 = arith.select %eq3A_913, %add3A_17, %broadcast_in_dim3A_915 : vector<16xi1>, vector<16xi32>
      %min3A_917 = arith.minsi %min3A_912, %select_n3A_916 : vector<16xi32>
      %iota3A_918 = tpu.iota {dimensions = array<i32: 0>} : vector<16xi32>
      %xor3A_919 = arith.constant 1 : i32
      %xor3A_920 = vector.broadcast %xor3A_919 : i32 to vector<16xi32>
      %xor3A_921 = arith.xori %iota3A_918, %xor3A_920 : vector<16xi32>
      %reshape3A_922 = vector.shape_cast %xor3A_921 : vector<16xi32> to vector<16x1xi32>
      %gather3A_923 = vector.shape_cast %reshape3A_922 : vector<16x1xi32> to vector<16xi32>
      %gather3A_924 = tpu.dynamic_gather %min3A_917[%gather3A_923] in [0] : vector<16xi32>, vector<16xi32> -> vector<16xi32>
      %min3A_925 = arith.minsi %min3A_917, %gather3A_924 : vector<16xi32>
      %xor3A_926 = arith.constant 2 : i32
      %xor3A_927 = vector.broadcast %xor3A_926 : i32 to vector<16xi32>
      %xor3A_928 = arith.xori %iota3A_918, %xor3A_927 : vector<16xi32>
      %reshape3A_929 = vector.shape_cast %xor3A_928 : vector<16xi32> to vector<16x1xi32>
      %gather3A_930 = vector.shape_cast %reshape3A_929 : vector<16x1xi32> to vector<16xi32>
      %gather3A_931 = tpu.dynamic_gather %min3A_925[%gather3A_930] in [0] : vector<16xi32>, vector<16xi32> -> vector<16xi32>
      %min3A_932 = arith.minsi %min3A_925, %gather3A_931 : vector<16xi32>
      %xor3A_933 = arith.constant 4 : i32
      %xor3A_934 = vector.broadcast %xor3A_933 : i32 to vector<16xi32>
      %xor3A_935 = arith.xori %iota3A_918, %xor3A_934 : vector<16xi32>
      %reshape3A_936 = vector.shape_cast %xor3A_935 : vector<16xi32> to vector<16x1xi32>
      %gather3A_937 = vector.shape_cast %reshape3A_936 : vector<16x1xi32> to vector<16xi32>
      %gather3A_938 = tpu.dynamic_gather %min3A_932[%gather3A_937] in [0] : vector<16xi32>, vector<16xi32> -> vector<16xi32>
      %min3A_939 = arith.minsi %min3A_932, %gather3A_938 : vector<16xi32>
      %xor3A_940 = arith.constant 8 : i32
      %xor3A_941 = vector.broadcast %xor3A_940 : i32 to vector<16xi32>
      %xor3A_942 = arith.xori %iota3A_918, %xor3A_941 : vector<16xi32>
      %reshape3A_943 = vector.shape_cast %xor3A_942 : vector<16xi32> to vector<16x1xi32>
      %gather3A_944 = vector.shape_cast %reshape3A_943 : vector<16x1xi32> to vector<16xi32>
      %gather3A_945 = tpu.dynamic_gather %min3A_939[%gather3A_944] in [0] : vector<16xi32>, vector<16xi32> -> vector<16xi32>
      %min3A_946 = arith.minsi %min3A_939, %gather3A_945 : vector<16xi32>
      %sub3A_947 = arith.subf %max3A_895, %max3A_75 : vector<16xf32>
      %exp3A_948 = math.exp %sub3A_947 : vector<16xf32>
      %add3A_949 = arith.addf %add3A_831, %exp3A_948 : vector<16xf32>
      %eq3A_950 = arith.cmpi eq, %add3A_5, %min3A_946 : vector<16xi32>
      %jit3A_951 = arith.constant 0.000000e+00 : f32
      %broadcast_in_dim3A_952 = vector.broadcast %jit3A_951 : f32 to vector<16xf32>
      %select_n3A_953 = arith.select %eq3A_950, %exp3A_948, %broadcast_in_dim3A_952 : vector<16xi1>, vector<16xf32>
      %add3A_954 = arith.addf %add3A_836, %select_n3A_953 : vector<16xf32>
      %jit3A_955 = arith.constant -1.000000e+30 : f32
      %broadcast_in_dim3A_956 = vector.broadcast %jit3A_955 : f32 to vector<16xf32>
      %select_n3A_957 = arith.select %eq3A_950, %broadcast_in_dim3A_956, %select_n3A_839 : vector<16xi1>, vector<16xf32>
      %eq3A_958 = arith.cmpi eq, %add3A_9, %min3A_946 : vector<16xi32>
      %jit3A_959 = arith.constant 0.000000e+00 : f32
      %broadcast_in_dim3A_960 = vector.broadcast %jit3A_959 : f32 to vector<16xf32>
      %select_n3A_961 = arith.select %eq3A_958, %exp3A_948, %broadcast_in_dim3A_960 : vector<16xi1>, vector<16xf32>
      %add3A_962 = arith.addf %add3A_844, %select_n3A_961 : vector<16xf32>
      %jit3A_963 = arith.constant -1.000000e+30 : f32
      %broadcast_in_dim3A_964 = vector.broadcast %jit3A_963 : f32 to vector<16xf32>
      %select_n3A_965 = arith.select %eq3A_958, %broadcast_in_dim3A_964, %select_n3A_847 : vector<16xi1>, vector<16xf32>
      %eq3A_966 = arith.cmpi eq, %add3A_13, %min3A_946 : vector<16xi32>
      %jit3A_967 = arith.constant 0.000000e+00 : f32
      %broadcast_in_dim3A_968 = vector.broadcast %jit3A_967 : f32 to vector<16xf32>
      %select_n3A_969 = arith.select %eq3A_966, %exp3A_948, %broadcast_in_dim3A_968 : vector<16xi1>, vector<16xf32>
      %add3A_970 = arith.addf %add3A_852, %select_n3A_969 : vector<16xf32>
      %jit3A_971 = arith.constant -1.000000e+30 : f32
      %broadcast_in_dim3A_972 = vector.broadcast %jit3A_971 : f32 to vector<16xf32>
      %select_n3A_973 = arith.select %eq3A_966, %broadcast_in_dim3A_972, %select_n3A_855 : vector<16xi1>, vector<16xf32>
      %eq3A_974 = arith.cmpi eq, %add3A_17, %min3A_946 : vector<16xi32>
      %jit3A_975 = arith.constant 0.000000e+00 : f32
      %broadcast_in_dim3A_976 = vector.broadcast %jit3A_975 : f32 to vector<16xf32>
      %select_n3A_977 = arith.select %eq3A_974, %exp3A_948, %broadcast_in_dim3A_976 : vector<16xi1>, vector<16xf32>
      %add3A_978 = arith.addf %add3A_860, %select_n3A_977 : vector<16xf32>
      %jit3A_979 = arith.constant -1.000000e+30 : f32
      %broadcast_in_dim3A_980 = vector.broadcast %jit3A_979 : f32 to vector<16xf32>
      %select_n3A_981 = arith.select %eq3A_974, %broadcast_in_dim3A_980, %select_n3A_863 : vector<16xi1>, vector<16xf32>
      %div3A = arith.divf %add3A_954, %add3A_949 : vector<16xf32>
      %swap3A = arith.index_cast %scan3A_23 : i32 to index
      %swap3A_982 = arith.constant 0 : index
      %swap3A_983 = tpu.vector_load %arg5[%swap3A, %swap3A_982] {strides = array<i32>} : memref<64x64xf32, #tpu.memory_space<vmem>>, vector<1x16xf32>,
      %swap3A_984 = vector.shape_cast %swap3A_983 : vector<1x16xf32> to vector<16xf32>
      %swap3A_985 = vector.shape_cast %div3A : vector<16xf32> to vector<1x16xf32>
      tpu.vector_store %arg5[%swap3A, %swap3A_982], %swap3A_985 {strides = array<i32>} : memref<64x64xf32, #tpu.memory_space<vmem>>, vector<1x16xf32>,
      %div3A_986 = arith.divf %add3A_962, %add3A_949 : vector<16xf32>
      %swap3A_987 = arith.index_cast %scan3A_23 : i32 to index
      %swap3A_988 = arith.constant 16 : index
      %swap3A_989 = tpu.vector_load %arg5[%swap3A_987, %swap3A_988] {strides = array<i32>} : memref<64x64xf32, #tpu.memory_space<vmem>>, vector<1x16xf32>,
      %swap3A_990 = vector.shape_cast %swap3A_989 : vector<1x16xf32> to vector<16xf32>
      %swap3A_991 = vector.shape_cast %div3A_986 : vector<16xf32> to vector<1x16xf32>
      tpu.vector_store %arg5[%swap3A_987, %swap3A_988], %swap3A_991 {strides = array<i32>} : memref<64x64xf32, #tpu.memory_space<vmem>>, vector<1x16xf32>,
      %div3A_992 = arith.divf %add3A_970, %add3A_949 : vector<16xf32>
      %swap3A_993 = arith.index_cast %scan3A_23 : i32 to index
      %swap3A_994 = arith.constant 32 : index
      %swap3A_995 = tpu.vector_load %arg5[%swap3A_993, %swap3A_994] {strides = array<i32>} : memref<64x64xf32, #tpu.memory_space<vmem>>, vector<1x16xf32>,
      %swap3A_996 = vector.shape_cast %swap3A_995 : vector<1x16xf32> to vector<16xf32>
      %swap3A_997 = vector.shape_cast %div3A_992 : vector<16xf32> to vector<1x16xf32>
      tpu.vector_store %arg5[%swap3A_993, %swap3A_994], %swap3A_997 {strides = array<i32>} : memref<64x64xf32, #tpu.memory_space<vmem>>, vector<1x16xf32>,
      %div3A_998 = arith.divf %add3A_978, %add3A_949 : vector<16xf32>
      %swap3A_999 = arith.index_cast %scan3A_23 : i32 to index
      %swap3A_1000 = arith.constant 48 : index
      %swap3A_1001 = tpu.vector_load %arg5[%swap3A_999, %swap3A_1000] {strides = array<i32>} : memref<64x64xf32, #tpu.memory_space<vmem>>, vector<1x16xf32>,
      %swap3A_1002 = vector.shape_cast %swap3A_1001 : vector<1x16xf32> to vector<16xf32>
      %swap3A_1003 = vector.shape_cast %div3A_998 : vector<16xf32> to vector<1x16xf32>
      tpu.vector_store %arg5[%swap3A_999, %swap3A_1000], %swap3A_1003 {strides = array<i32>} : memref<64x64xf32, #tpu.memory_space<vmem>>, vector<1x16xf32>,
    }
    %scan3A_22 = arith.constant 64 : i32
    "tpu.region"() ({
      %run_scoped3A = tpu.sem_alloc : memref<!tpu.dma_semaphore, #tpu.memory_space<semaphore_mem>>
      %dma_start3A = arith.constant 0 : i32
      %dma_start3A_23 = tpu.memref_slice %arg3[%mul3A_2, %dma_start3A] : memref<2048x64xf32, #tpu.memory_space<hbm>> -> memref<64x64xf32, #tpu.memory_space<hbm>>
      %dma_start3A_24 = arith.constant 0 : i32
      %dma_start3A_25 = tpu.memref_slice %arg3[%mul3A_2, %dma_start3A_24] : memref<2048x64xf32, #tpu.memory_space<hbm>> -> memref<64x64xf32, #tpu.memory_space<hbm>>
      tpu.enqueue_dma source(%arg5 : memref<64x64xf32, #tpu.memory_space<vmem>>) target(%dma_start3A_25 : memref<64x64xf32, #tpu.memory_space<hbm>>) target_semaphore(%run_scoped3A : memref<!tpu.dma_semaphore, #tpu.memory_space<semaphore_mem>>)
      %dma_wait3A = arith.constant 0 : i32
      %dma_wait3A_26 = tpu.memref_slice %arg3[%mul3A_2, %dma_wait3A] : memref<2048x64xf32, #tpu.memory_space<hbm>> -> memref<64x64xf32, #tpu.memory_space<hbm>>
      %dma_wait3A_27 = arith.constant 0 : i32
      %dma_wait3A_28 = tpu.memref_slice %arg3[%mul3A_2, %dma_wait3A_27] : memref<2048x64xf32, #tpu.memory_space<hbm>> -> memref<64x64xf32, #tpu.memory_space<hbm>>
      tpu.wait_dma2 semaphore(%run_scoped3A : memref<!tpu.dma_semaphore, #tpu.memory_space<semaphore_mem>>) src(%arg5 : memref<64x64xf32, #tpu.memory_space<vmem>>) dst(%dma_wait3A_28 : memref<64x64xf32, #tpu.memory_space<hbm>>)
      tpu.yield
    }) : () -> ()
    return
  }
}

module attributes {stable_mosaic.version = 14 : i64} {
  func.func @_ln_qkv_kernel(%arg0: i32, %arg1: memref<256x768xf32, #tpu.memory_space<vmem>>, %arg2: memref<1x768xf32, #tpu.memory_space<vmem>>, %arg3: memref<1x768xf32, #tpu.memory_space<vmem>>, %arg4: memref<768x2304xf32, #tpu.memory_space<vmem>>, %arg5: memref<256x2304xf32, #tpu.memory_space<vmem>>) attributes {dimension_semantics = [#tpu.dimension_semantics<arbitrary>], iteration_bounds = array<i64: 8>, scalar_prefetch = 0 : i64, scratch_operands = 0 : i64, tpu.core_type = #tpu.core_type<tc>, window_params = [{transform_indices = @transform_0, window_bounds = array<i64: 256, 768>}, {pipeline_mode = #tpu.pipeline_mode<synchronous>, transform_indices = @transform_1, window_bounds = array<i64: 1, 768>}, {pipeline_mode = #tpu.pipeline_mode<synchronous>, transform_indices = @transform_2, window_bounds = array<i64: 1, 768>}, {pipeline_mode = #tpu.pipeline_mode<synchronous>, transform_indices = @transform_3, window_bounds = array<i64: 768, 2304>}, {transform_indices = @transform_4, window_bounds = array<i64: 256, 2304>}]} {
    %get3A = arith.constant 0 : index
    %get3A_0 = arith.constant 0 : index
    %get3A_1 = vector.load %arg1[%get3A, %get3A_0] : memref<256x768xf32, #tpu.memory_space<vmem>>, vector<256x768xf32>
    %reduce_sum3A = arith.constant dense<0.000000e+00> : vector<256xf32>
    %reduce_sum3A_2 = vector.multi_reduction <add>, %get3A_1, %reduce_sum3A [1] : vector<256x768xf32> to vector<256xf32>
    %broadcast_in_dim3A = vector.shape_cast %reduce_sum3A_2 : vector<256xf32> to vector<256x1xf32>
    %div3A = arith.constant 7.680000e+02 : f32
    %div3A_3 = vector.broadcast %div3A : f32 to vector<256x1xf32>
    %div3A_4 = arith.divf %broadcast_in_dim3A, %div3A_3 : vector<256x1xf32>
    %sub3A = vector.broadcast %div3A_4 : vector<256x1xf32> to vector<256x768xf32>
    %sub3A_5 = arith.subf %get3A_1, %sub3A : vector<256x768xf32>
    %integer_pow3A = arith.mulf %sub3A_5, %sub3A_5 : vector<256x768xf32>
    %reduce_sum3A_6 = arith.constant dense<0.000000e+00> : vector<256xf32>
    %reduce_sum3A_7 = vector.multi_reduction <add>, %integer_pow3A, %reduce_sum3A_6 [1] : vector<256x768xf32> to vector<256xf32>
    %broadcast_in_dim3A_8 = vector.shape_cast %reduce_sum3A_7 : vector<256xf32> to vector<256x1xf32>
    %div3A_9 = arith.constant 7.680000e+02 : f32
    %div3A_10 = vector.broadcast %div3A_9 : f32 to vector<256x1xf32>
    %div3A_11 = arith.divf %broadcast_in_dim3A_8, %div3A_10 : vector<256x1xf32>
    %sub3A_12 = vector.broadcast %div3A_4 : vector<256x1xf32> to vector<256x768xf32>
    %sub3A_13 = arith.subf %get3A_1, %sub3A_12 : vector<256x768xf32>
    %add3A = arith.constant 9.99999974E-6 : f32
    %add3A_14 = vector.broadcast %add3A : f32 to vector<256x1xf32>
    %add3A_15 = arith.addf %div3A_11, %add3A_14 : vector<256x1xf32>
    %sqrt3A = math.sqrt %add3A_15 : vector<256x1xf32>
    %div3A_16 = vector.broadcast %sqrt3A : vector<256x1xf32> to vector<256x768xf32>
    %div3A_17 = arith.divf %sub3A_13, %div3A_16 : vector<256x768xf32>
    %get3A_18 = arith.constant 0 : index
    %get3A_19 = arith.constant 0 : index
    %get3A_20 = vector.load %arg2[%get3A_18, %get3A_19] : memref<1x768xf32, #tpu.memory_space<vmem>>, vector<1x768xf32>
    %mul3A = vector.broadcast %get3A_20 : vector<1x768xf32> to vector<256x768xf32>
    %mul3A_21 = arith.mulf %div3A_17, %mul3A : vector<256x768xf32>
    %get3A_22 = arith.constant 0 : index
    %get3A_23 = arith.constant 0 : index
    %get3A_24 = vector.load %arg3[%get3A_22, %get3A_23] : memref<1x768xf32, #tpu.memory_space<vmem>>, vector<1x768xf32>
    %add3A_25 = vector.broadcast %get3A_24 : vector<1x768xf32> to vector<256x768xf32>
    %add3A_26 = arith.addf %mul3A_21, %add3A_25 : vector<256x768xf32>
    %get3A_27 = arith.constant 0 : index
    %get3A_28 = arith.constant 0 : index
    %get3A_29 = vector.load %arg4[%get3A_27, %get3A_28] : memref<768x2304xf32, #tpu.memory_space<vmem>>, vector<768x2304xf32>
    %dot_general3A = arith.constant dense<0.000000e+00> : vector<256x2304xf32>
    %dot_general3A_30 = tpu.matmul %add3A_26, %get3A_29, %dot_general3A {dimension_numbers = #tpu.dot_dimension_numbers<[1], [0], [0], [1], [0, 0, 1, 1], [], []>, transpose_lhs_hint = false} : vector<256x768xf32>, vector<768x2304xf32>, vector<256x2304xf32> -> vector<256x2304xf32>
    %swap3A = arith.constant 0 : index
    %swap3A_31 = arith.constant 0 : index
    %swap3A_32 = vector.load %arg5[%swap3A, %swap3A_31] : memref<256x2304xf32, #tpu.memory_space<vmem>>, vector<256x2304xf32>
    tpu.vector_store %arg5[%swap3A, %swap3A_31], %dot_general3A_30 {strides = array<i32>} : memref<256x2304xf32, #tpu.memory_space<vmem>>, vector<256x2304xf32>,
    return
  }
  func.func @transform_0(%arg0: i32) -> (i32, i32) {
    %c0_i32 = arith.constant 0 : i32
    %c0_i32_0 = arith.constant 0 : i32
    return %arg0, %c0_i32 : i32, i32
  }
  func.func @transform_1(%arg0: i32) -> (i32, i32) {
    %c0_i32 = arith.constant 0 : i32
    %c0_i32_0 = arith.constant 0 : i32
    %c0_i32_1 = arith.constant 0 : i32
    return %c0_i32, %c0_i32_0 : i32, i32
  }
  func.func @transform_2(%arg0: i32) -> (i32, i32) {
    %c0_i32 = arith.constant 0 : i32
    %c0_i32_0 = arith.constant 0 : i32
    %c0_i32_1 = arith.constant 0 : i32
    return %c0_i32, %c0_i32_0 : i32, i32
  }
  func.func @transform_3(%arg0: i32) -> (i32, i32) {
    %c0_i32 = arith.constant 0 : i32
    %c0_i32_0 = arith.constant 0 : i32
    %c0_i32_1 = arith.constant 0 : i32
    return %c0_i32, %c0_i32_0 : i32, i32
  }
  func.func @transform_4(%arg0: i32) -> (i32, i32) {
    %c0_i32 = arith.constant 0 : i32
    %c0_i32_0 = arith.constant 0 : i32
    return %arg0, %c0_i32 : i32, i32
  }
}

module attributes {stable_mosaic.version = 14 : i64} {
  func.func @_attn_kernel(%arg0: i32, %arg1: i32, %arg2: memref<1x256x64xf32, #tpu.memory_space<vmem>>, %arg3: memref<1x2048x64xf32, #tpu.memory_space<vmem>>, %arg4: memref<1x2048x64xf32, #tpu.memory_space<vmem>>, %arg5: memref<1x256x2048xf32, #tpu.memory_space<vmem>>, %arg6: memref<1x256x64xf32, #tpu.memory_space<vmem>>) attributes {dimension_semantics = [#tpu.dimension_semantics<arbitrary>, #tpu.dimension_semantics<arbitrary>], iteration_bounds = array<i64: 8, 12>, scalar_prefetch = 0 : i64, scratch_operands = 0 : i64, tpu.core_type = #tpu.core_type<tc>, window_params = [{transform_indices = @transform_0, window_bounds = array<i64: 1, 256, 64>}, {transform_indices = @transform_1, window_bounds = array<i64: 1, 2048, 64>}, {transform_indices = @transform_2, window_bounds = array<i64: 1, 2048, 64>}, {transform_indices = @transform_3, window_bounds = array<i64: 1, 256, 2048>}, {transform_indices = @transform_4, window_bounds = array<i64: 1, 256, 64>}]} {
    %get3A = arith.constant 0 : index
    %get3A_0 = arith.constant 0 : index
    %get3A_1 = arith.constant 0 : index
    %get3A_2 = vector.load %arg2[%get3A, %get3A_0, %get3A_1] : memref<1x256x64xf32, #tpu.memory_space<vmem>>, vector<1x256x64xf32>
    %get3A_3 = vector.shape_cast %get3A_2 : vector<1x256x64xf32> to vector<256x64xf32>
    %mul3A = arith.constant 1.250000e-01 : f32
    %mul3A_4 = vector.broadcast %mul3A : f32 to vector<256x64xf32>
    %mul3A_5 = arith.mulf %get3A_3, %mul3A_4 : vector<256x64xf32>
    %get3A_6 = arith.constant 0 : index
    %get3A_7 = arith.constant 0 : index
    %get3A_8 = arith.constant 0 : index
    %get3A_9 = vector.load %arg3[%get3A_6, %get3A_7, %get3A_8] : memref<1x2048x64xf32, #tpu.memory_space<vmem>>, vector<1x2048x64xf32>
    %get3A_10 = vector.shape_cast %get3A_9 : vector<1x2048x64xf32> to vector<2048x64xf32>
    %mul3A_11 = arith.mulf %mul3A_5, %mul3A_5 : vector<256x64xf32>
    %reduce_sum3A = arith.constant dense<0.000000e+00> : vector<256xf32>
    %reduce_sum3A_12 = vector.multi_reduction <add>, %mul3A_11, %reduce_sum3A [1] : vector<256x64xf32> to vector<256xf32>
    %broadcast_in_dim3A = vector.shape_cast %reduce_sum3A_12 : vector<256xf32> to vector<256x1xf32>
    %sqrt3A = math.sqrt %broadcast_in_dim3A : vector<256x1xf32>
    %mul3A_13 = arith.mulf %get3A_10, %get3A_10 : vector<2048x64xf32>
    %reduce_sum3A_14 = arith.constant dense<0.000000e+00> : vector<2048xf32>
    %reduce_sum3A_15 = vector.multi_reduction <add>, %mul3A_13, %reduce_sum3A_14 [1] : vector<2048x64xf32> to vector<2048xf32>
    %broadcast_in_dim3A_16 = vector.shape_cast %reduce_sum3A_15 : vector<2048xf32> to vector<2048x1xf32>
    %reduce_max3A = vector.shape_cast %broadcast_in_dim3A_16 : vector<2048x1xf32> to vector<1x2048x1xf32>
    %reduce_max3A_17 = arith.constant dense<0xFF800000> : vector<1xf32>
    %reduce_max3A_18 = vector.multi_reduction <maximumf>, %reduce_max3A, %reduce_max3A_17 [1, 2] : vector<1x2048x1xf32> to vector<1xf32>
    %reduce_max3A_19 = vector.shape_cast %reduce_max3A_18 : vector<1xf32> to vector<1x1x1xf32>
    %reduce_max3A_20 = vector.extract %reduce_max3A_19[0, 0, 0] : f32 from vector<1x1x1xf32>
    %sqrt3A_21 = math.sqrt %reduce_max3A_20 : f32
    %dot_general3A = arith.constant dense<0.000000e+00> : vector<256x2048xf32>
    %dot_general3A_22 = tpu.matmul %mul3A_5, %get3A_10, %dot_general3A {dimension_numbers = #tpu.dot_dimension_numbers<[1], [1], [0], [0], [0, 0, 1, 0], [], []>, transpose_lhs_hint = false} : vector<256x64xf32>, vector<2048x64xf32>, vector<256x2048xf32> -> vector<256x2048xf32>
    %mul3A_23 = vector.broadcast %sqrt3A_21 : f32 to vector<256x1xf32>
    %mul3A_24 = arith.mulf %sqrt3A, %mul3A_23 : vector<256x1xf32>
    %sub3A = vector.broadcast %mul3A_24 : vector<256x1xf32> to vector<256x2048xf32>
    %sub3A_25 = arith.subf %dot_general3A_22, %sub3A : vector<256x2048xf32>
    %exp3A = math.exp %sub3A_25 : vector<256x2048xf32>
    %get3A_26 = arith.constant 0 : index
    %get3A_27 = arith.constant 0 : index
    %get3A_28 = arith.constant 0 : index
    %get3A_29 = vector.load %arg5[%get3A_26, %get3A_27, %get3A_28] : memref<1x256x2048xf32, #tpu.memory_space<vmem>>, vector<1x256x2048xf32>
    %get3A_30 = vector.shape_cast %get3A_29 : vector<1x256x2048xf32> to vector<256x2048xf32>
    %mul3A_31 = arith.mulf %exp3A, %get3A_30 : vector<256x2048xf32>
    %reduce_sum3A_32 = arith.constant dense<0.000000e+00> : vector<256xf32>
    %reduce_sum3A_33 = vector.multi_reduction <add>, %mul3A_31, %reduce_sum3A_32 [1] : vector<256x2048xf32> to vector<256xf32>
    %broadcast_in_dim3A_34 = vector.shape_cast %reduce_sum3A_33 : vector<256xf32> to vector<256x1xf32>
    %get3A_35 = arith.constant 0 : index
    %get3A_36 = arith.constant 0 : index
    %get3A_37 = arith.constant 0 : index
    %get3A_38 = vector.load %arg4[%get3A_35, %get3A_36, %get3A_37] : memref<1x2048x64xf32, #tpu.memory_space<vmem>>, vector<1x2048x64xf32>
    %get3A_39 = vector.shape_cast %get3A_38 : vector<1x2048x64xf32> to vector<2048x64xf32>
    %dot_general3A_40 = arith.constant dense<0.000000e+00> : vector<256x64xf32>
    %dot_general3A_41 = tpu.matmul %mul3A_31, %get3A_39, %dot_general3A_40 {dimension_numbers = #tpu.dot_dimension_numbers<[1], [0], [0], [1], [0, 0, 1, 1], [], []>, transpose_lhs_hint = false} : vector<256x2048xf32>, vector<2048x64xf32>, vector<256x64xf32> -> vector<256x64xf32>
    %div3A = vector.broadcast %broadcast_in_dim3A_34 : vector<256x1xf32> to vector<256x64xf32>
    %div3A_42 = arith.divf %dot_general3A_41, %div3A : vector<256x64xf32>
    %swap3A = arith.constant 0 : index
    %swap3A_43 = arith.constant 0 : index
    %swap3A_44 = arith.constant 0 : index
    %swap3A_45 = vector.load %arg6[%swap3A, %swap3A_43, %swap3A_44] : memref<1x256x64xf32, #tpu.memory_space<vmem>>, vector<1x256x64xf32>
    %swap3A_46 = vector.shape_cast %swap3A_45 : vector<1x256x64xf32> to vector<256x64xf32>
    %swap3A_47 = vector.shape_cast %div3A_42 : vector<256x64xf32> to vector<1x256x64xf32>
    tpu.vector_store %arg6[%swap3A, %swap3A_43, %swap3A_44], %swap3A_47 {strides = array<i32>} : memref<1x256x64xf32, #tpu.memory_space<vmem>>, vector<1x256x64xf32>,
    return
  }
  func.func @transform_0(%arg0: i32, %arg1: i32) -> (i32, i32, i32) {
    %c0_i32 = arith.constant 0 : i32
    %c0_i32_0 = arith.constant 0 : i32
    return %arg1, %arg0, %c0_i32 : i32, i32, i32
  }
  func.func @transform_1(%arg0: i32, %arg1: i32) -> (i32, i32, i32) {
    %c0_i32 = arith.constant 0 : i32
    %c0_i32_0 = arith.constant 0 : i32
    %c0_i32_1 = arith.constant 0 : i32
    return %arg1, %c0_i32, %c0_i32_0 : i32, i32, i32
  }
  func.func @transform_2(%arg0: i32, %arg1: i32) -> (i32, i32, i32) {
    %c0_i32 = arith.constant 0 : i32
    %c0_i32_0 = arith.constant 0 : i32
    %c0_i32_1 = arith.constant 0 : i32
    return %arg1, %c0_i32, %c0_i32_0 : i32, i32, i32
  }
  func.func @transform_3(%arg0: i32, %arg1: i32) -> (i32, i32, i32) {
    %c0_i32 = arith.constant 0 : i32
    %c0_i32_0 = arith.constant 0 : i32
    %c0_i32_1 = arith.constant 0 : i32
    return %arg0, %c0_i32, %c0_i32_0 : i32, i32, i32
  }
  func.func @transform_4(%arg0: i32, %arg1: i32) -> (i32, i32, i32) {
    %c0_i32 = arith.constant 0 : i32
    %c0_i32_0 = arith.constant 0 : i32
    return %arg1, %arg0, %c0_i32 : i32, i32, i32
  }
}

module attributes {stable_mosaic.version = 14 : i64} {
  func.func @_post_kernel(%arg0: i32, %arg1: memref<12x256x64xf32, #tpu.memory_space<vmem>>, %arg2: memref<12x64x768xf32, #tpu.memory_space<vmem>>, %arg3: memref<256x768xf32, #tpu.memory_space<vmem>>, %arg4: memref<1x768xf32, #tpu.memory_space<vmem>>, %arg5: memref<1x768xf32, #tpu.memory_space<vmem>>, %arg6: memref<768x64xf32, #tpu.memory_space<vmem>>, %arg7: memref<1x64xf32, #tpu.memory_space<vmem>>, %arg8: memref<256x768xf32, #tpu.memory_space<vmem>>, %arg9: memref<256x768xf32, #tpu.memory_space<vmem>>, %arg10: memref<256x64xf32, #tpu.memory_space<vmem>>) attributes {dimension_semantics = [#tpu.dimension_semantics<arbitrary>], iteration_bounds = array<i64: 8>, scalar_prefetch = 0 : i64, scratch_operands = 0 : i64, tpu.core_type = #tpu.core_type<tc>, window_params = [{transform_indices = @transform_0, window_bounds = array<i64: 12, 256, 64>}, {pipeline_mode = #tpu.pipeline_mode<synchronous>, transform_indices = @transform_1, window_bounds = array<i64: 12, 64, 768>}, {transform_indices = @transform_2, window_bounds = array<i64: 256, 768>}, {pipeline_mode = #tpu.pipeline_mode<synchronous>, transform_indices = @transform_3, window_bounds = array<i64: 1, 768>}, {pipeline_mode = #tpu.pipeline_mode<synchronous>, transform_indices = @transform_4, window_bounds = array<i64: 1, 768>}, {pipeline_mode = #tpu.pipeline_mode<synchronous>, transform_indices = @transform_5, window_bounds = array<i64: 768, 64>}, {pipeline_mode = #tpu.pipeline_mode<synchronous>, transform_indices = @transform_6, window_bounds = array<i64: 1, 64>}, {transform_indices = @transform_7, window_bounds = array<i64: 256, 768>}, {transform_indices = @transform_8, window_bounds = array<i64: 256, 768>}, {transform_indices = @transform_9, window_bounds = array<i64: 256, 64>}]} {
    %get3A = arith.constant 0 : index
    %get3A_0 = arith.constant 0 : index
    %get3A_1 = vector.load %arg3[%get3A, %get3A_0] : memref<256x768xf32, #tpu.memory_space<vmem>>, vector<256x768xf32>
    %get3A_2 = arith.constant 0 : index
    %get3A_3 = arith.constant 0 : index
    %get3A_4 = arith.constant 0 : index
    %get3A_5 = vector.load %arg1[%get3A_2, %get3A_3, %get3A_4] : memref<12x256x64xf32, #tpu.memory_space<vmem>>, vector<1x256x64xf32>
    %get3A_6 = vector.shape_cast %get3A_5 : vector<1x256x64xf32> to vector<256x64xf32>
    %get3A_7 = arith.constant 0 : index
    %get3A_8 = arith.constant 0 : index
    %get3A_9 = arith.constant 0 : index
    %get3A_10 = vector.load %arg2[%get3A_7, %get3A_8, %get3A_9] : memref<12x64x768xf32, #tpu.memory_space<vmem>>, vector<1x64x768xf32>
    %get3A_11 = vector.shape_cast %get3A_10 : vector<1x64x768xf32> to vector<64x768xf32>
    %dot_general3A = arith.constant dense<0.000000e+00> : vector<256x768xf32>
    %dot_general3A_12 = tpu.matmul %get3A_6, %get3A_11, %dot_general3A {dimension_numbers = #tpu.dot_dimension_numbers<[1], [0], [0], [1], [0, 0, 1, 1], [], []>, transpose_lhs_hint = false} : vector<256x64xf32>, vector<64x768xf32>, vector<256x768xf32> -> vector<256x768xf32>
    %add3A = arith.addf %get3A_1, %dot_general3A_12 : vector<256x768xf32>
    %get3A_13 = arith.constant 1 : index
    %get3A_14 = arith.constant 0 : index
    %get3A_15 = arith.constant 0 : index
    %get3A_16 = vector.load %arg1[%get3A_13, %get3A_14, %get3A_15] : memref<12x256x64xf32, #tpu.memory_space<vmem>>, vector<1x256x64xf32>
    %get3A_17 = vector.shape_cast %get3A_16 : vector<1x256x64xf32> to vector<256x64xf32>
    %get3A_18 = arith.constant 1 : index
    %get3A_19 = arith.constant 0 : index
    %get3A_20 = arith.constant 0 : index
    %get3A_21 = vector.load %arg2[%get3A_18, %get3A_19, %get3A_20] : memref<12x64x768xf32, #tpu.memory_space<vmem>>, vector<1x64x768xf32>
    %get3A_22 = vector.shape_cast %get3A_21 : vector<1x64x768xf32> to vector<64x768xf32>
    %dot_general3A_23 = arith.constant dense<0.000000e+00> : vector<256x768xf32>
    %dot_general3A_24 = tpu.matmul %get3A_17, %get3A_22, %dot_general3A_23 {dimension_numbers = #tpu.dot_dimension_numbers<[1], [0], [0], [1], [0, 0, 1, 1], [], []>, transpose_lhs_hint = false} : vector<256x64xf32>, vector<64x768xf32>, vector<256x768xf32> -> vector<256x768xf32>
    %add3A_25 = arith.addf %add3A, %dot_general3A_24 : vector<256x768xf32>
    %get3A_26 = arith.constant 2 : index
    %get3A_27 = arith.constant 0 : index
    %get3A_28 = arith.constant 0 : index
    %get3A_29 = vector.load %arg1[%get3A_26, %get3A_27, %get3A_28] : memref<12x256x64xf32, #tpu.memory_space<vmem>>, vector<1x256x64xf32>
    %get3A_30 = vector.shape_cast %get3A_29 : vector<1x256x64xf32> to vector<256x64xf32>
    %get3A_31 = arith.constant 2 : index
    %get3A_32 = arith.constant 0 : index
    %get3A_33 = arith.constant 0 : index
    %get3A_34 = vector.load %arg2[%get3A_31, %get3A_32, %get3A_33] : memref<12x64x768xf32, #tpu.memory_space<vmem>>, vector<1x64x768xf32>
    %get3A_35 = vector.shape_cast %get3A_34 : vector<1x64x768xf32> to vector<64x768xf32>
    %dot_general3A_36 = arith.constant dense<0.000000e+00> : vector<256x768xf32>
    %dot_general3A_37 = tpu.matmul %get3A_30, %get3A_35, %dot_general3A_36 {dimension_numbers = #tpu.dot_dimension_numbers<[1], [0], [0], [1], [0, 0, 1, 1], [], []>, transpose_lhs_hint = false} : vector<256x64xf32>, vector<64x768xf32>, vector<256x768xf32> -> vector<256x768xf32>
    %add3A_38 = arith.addf %add3A_25, %dot_general3A_37 : vector<256x768xf32>
    %get3A_39 = arith.constant 3 : index
    %get3A_40 = arith.constant 0 : index
    %get3A_41 = arith.constant 0 : index
    %get3A_42 = vector.load %arg1[%get3A_39, %get3A_40, %get3A_41] : memref<12x256x64xf32, #tpu.memory_space<vmem>>, vector<1x256x64xf32>
    %get3A_43 = vector.shape_cast %get3A_42 : vector<1x256x64xf32> to vector<256x64xf32>
    %get3A_44 = arith.constant 3 : index
    %get3A_45 = arith.constant 0 : index
    %get3A_46 = arith.constant 0 : index
    %get3A_47 = vector.load %arg2[%get3A_44, %get3A_45, %get3A_46] : memref<12x64x768xf32, #tpu.memory_space<vmem>>, vector<1x64x768xf32>
    %get3A_48 = vector.shape_cast %get3A_47 : vector<1x64x768xf32> to vector<64x768xf32>
    %dot_general3A_49 = arith.constant dense<0.000000e+00> : vector<256x768xf32>
    %dot_general3A_50 = tpu.matmul %get3A_43, %get3A_48, %dot_general3A_49 {dimension_numbers = #tpu.dot_dimension_numbers<[1], [0], [0], [1], [0, 0, 1, 1], [], []>, transpose_lhs_hint = false} : vector<256x64xf32>, vector<64x768xf32>, vector<256x768xf32> -> vector<256x768xf32>
    %add3A_51 = arith.addf %add3A_38, %dot_general3A_50 : vector<256x768xf32>
    %get3A_52 = arith.constant 4 : index
    %get3A_53 = arith.constant 0 : index
    %get3A_54 = arith.constant 0 : index
    %get3A_55 = vector.load %arg1[%get3A_52, %get3A_53, %get3A_54] : memref<12x256x64xf32, #tpu.memory_space<vmem>>, vector<1x256x64xf32>
    %get3A_56 = vector.shape_cast %get3A_55 : vector<1x256x64xf32> to vector<256x64xf32>
    %get3A_57 = arith.constant 4 : index
    %get3A_58 = arith.constant 0 : index
    %get3A_59 = arith.constant 0 : index
    %get3A_60 = vector.load %arg2[%get3A_57, %get3A_58, %get3A_59] : memref<12x64x768xf32, #tpu.memory_space<vmem>>, vector<1x64x768xf32>
    %get3A_61 = vector.shape_cast %get3A_60 : vector<1x64x768xf32> to vector<64x768xf32>
    %dot_general3A_62 = arith.constant dense<0.000000e+00> : vector<256x768xf32>
    %dot_general3A_63 = tpu.matmul %get3A_56, %get3A_61, %dot_general3A_62 {dimension_numbers = #tpu.dot_dimension_numbers<[1], [0], [0], [1], [0, 0, 1, 1], [], []>, transpose_lhs_hint = false} : vector<256x64xf32>, vector<64x768xf32>, vector<256x768xf32> -> vector<256x768xf32>
    %add3A_64 = arith.addf %add3A_51, %dot_general3A_63 : vector<256x768xf32>
    %get3A_65 = arith.constant 5 : index
    %get3A_66 = arith.constant 0 : index
    %get3A_67 = arith.constant 0 : index
    %get3A_68 = vector.load %arg1[%get3A_65, %get3A_66, %get3A_67] : memref<12x256x64xf32, #tpu.memory_space<vmem>>, vector<1x256x64xf32>
    %get3A_69 = vector.shape_cast %get3A_68 : vector<1x256x64xf32> to vector<256x64xf32>
    %get3A_70 = arith.constant 5 : index
    %get3A_71 = arith.constant 0 : index
    %get3A_72 = arith.constant 0 : index
    %get3A_73 = vector.load %arg2[%get3A_70, %get3A_71, %get3A_72] : memref<12x64x768xf32, #tpu.memory_space<vmem>>, vector<1x64x768xf32>
    %get3A_74 = vector.shape_cast %get3A_73 : vector<1x64x768xf32> to vector<64x768xf32>
    %dot_general3A_75 = arith.constant dense<0.000000e+00> : vector<256x768xf32>
    %dot_general3A_76 = tpu.matmul %get3A_69, %get3A_74, %dot_general3A_75 {dimension_numbers = #tpu.dot_dimension_numbers<[1], [0], [0], [1], [0, 0, 1, 1], [], []>, transpose_lhs_hint = false} : vector<256x64xf32>, vector<64x768xf32>, vector<256x768xf32> -> vector<256x768xf32>
    %add3A_77 = arith.addf %add3A_64, %dot_general3A_76 : vector<256x768xf32>
    %get3A_78 = arith.constant 6 : index
    %get3A_79 = arith.constant 0 : index
    %get3A_80 = arith.constant 0 : index
    %get3A_81 = vector.load %arg1[%get3A_78, %get3A_79, %get3A_80] : memref<12x256x64xf32, #tpu.memory_space<vmem>>, vector<1x256x64xf32>
    %get3A_82 = vector.shape_cast %get3A_81 : vector<1x256x64xf32> to vector<256x64xf32>
    %get3A_83 = arith.constant 6 : index
    %get3A_84 = arith.constant 0 : index
    %get3A_85 = arith.constant 0 : index
    %get3A_86 = vector.load %arg2[%get3A_83, %get3A_84, %get3A_85] : memref<12x64x768xf32, #tpu.memory_space<vmem>>, vector<1x64x768xf32>
    %get3A_87 = vector.shape_cast %get3A_86 : vector<1x64x768xf32> to vector<64x768xf32>
    %dot_general3A_88 = arith.constant dense<0.000000e+00> : vector<256x768xf32>
    %dot_general3A_89 = tpu.matmul %get3A_82, %get3A_87, %dot_general3A_88 {dimension_numbers = #tpu.dot_dimension_numbers<[1], [0], [0], [1], [0, 0, 1, 1], [], []>, transpose_lhs_hint = false} : vector<256x64xf32>, vector<64x768xf32>, vector<256x768xf32> -> vector<256x768xf32>
    %add3A_90 = arith.addf %add3A_77, %dot_general3A_89 : vector<256x768xf32>
    %get3A_91 = arith.constant 7 : index
    %get3A_92 = arith.constant 0 : index
    %get3A_93 = arith.constant 0 : index
    %get3A_94 = vector.load %arg1[%get3A_91, %get3A_92, %get3A_93] : memref<12x256x64xf32, #tpu.memory_space<vmem>>, vector<1x256x64xf32>
    %get3A_95 = vector.shape_cast %get3A_94 : vector<1x256x64xf32> to vector<256x64xf32>
    %get3A_96 = arith.constant 7 : index
    %get3A_97 = arith.constant 0 : index
    %get3A_98 = arith.constant 0 : index
    %get3A_99 = vector.load %arg2[%get3A_96, %get3A_97, %get3A_98] : memref<12x64x768xf32, #tpu.memory_space<vmem>>, vector<1x64x768xf32>
    %get3A_100 = vector.shape_cast %get3A_99 : vector<1x64x768xf32> to vector<64x768xf32>
    %dot_general3A_101 = arith.constant dense<0.000000e+00> : vector<256x768xf32>
    %dot_general3A_102 = tpu.matmul %get3A_95, %get3A_100, %dot_general3A_101 {dimension_numbers = #tpu.dot_dimension_numbers<[1], [0], [0], [1], [0, 0, 1, 1], [], []>, transpose_lhs_hint = false} : vector<256x64xf32>, vector<64x768xf32>, vector<256x768xf32> -> vector<256x768xf32>
    %add3A_103 = arith.addf %add3A_90, %dot_general3A_102 : vector<256x768xf32>
    %get3A_104 = arith.constant 8 : index
    %get3A_105 = arith.constant 0 : index
    %get3A_106 = arith.constant 0 : index
    %get3A_107 = vector.load %arg1[%get3A_104, %get3A_105, %get3A_106] : memref<12x256x64xf32, #tpu.memory_space<vmem>>, vector<1x256x64xf32>
    %get3A_108 = vector.shape_cast %get3A_107 : vector<1x256x64xf32> to vector<256x64xf32>
    %get3A_109 = arith.constant 8 : index
    %get3A_110 = arith.constant 0 : index
    %get3A_111 = arith.constant 0 : index
    %get3A_112 = vector.load %arg2[%get3A_109, %get3A_110, %get3A_111] : memref<12x64x768xf32, #tpu.memory_space<vmem>>, vector<1x64x768xf32>
    %get3A_113 = vector.shape_cast %get3A_112 : vector<1x64x768xf32> to vector<64x768xf32>
    %dot_general3A_114 = arith.constant dense<0.000000e+00> : vector<256x768xf32>
    %dot_general3A_115 = tpu.matmul %get3A_108, %get3A_113, %dot_general3A_114 {dimension_numbers = #tpu.dot_dimension_numbers<[1], [0], [0], [1], [0, 0, 1, 1], [], []>, transpose_lhs_hint = false} : vector<256x64xf32>, vector<64x768xf32>, vector<256x768xf32> -> vector<256x768xf32>
    %add3A_116 = arith.addf %add3A_103, %dot_general3A_115 : vector<256x768xf32>
    %get3A_117 = arith.constant 9 : index
    %get3A_118 = arith.constant 0 : index
    %get3A_119 = arith.constant 0 : index
    %get3A_120 = vector.load %arg1[%get3A_117, %get3A_118, %get3A_119] : memref<12x256x64xf32, #tpu.memory_space<vmem>>, vector<1x256x64xf32>
    %get3A_121 = vector.shape_cast %get3A_120 : vector<1x256x64xf32> to vector<256x64xf32>
    %get3A_122 = arith.constant 9 : index
    %get3A_123 = arith.constant 0 : index
    %get3A_124 = arith.constant 0 : index
    %get3A_125 = vector.load %arg2[%get3A_122, %get3A_123, %get3A_124] : memref<12x64x768xf32, #tpu.memory_space<vmem>>, vector<1x64x768xf32>
    %get3A_126 = vector.shape_cast %get3A_125 : vector<1x64x768xf32> to vector<64x768xf32>
    %dot_general3A_127 = arith.constant dense<0.000000e+00> : vector<256x768xf32>
    %dot_general3A_128 = tpu.matmul %get3A_121, %get3A_126, %dot_general3A_127 {dimension_numbers = #tpu.dot_dimension_numbers<[1], [0], [0], [1], [0, 0, 1, 1], [], []>, transpose_lhs_hint = false} : vector<256x64xf32>, vector<64x768xf32>, vector<256x768xf32> -> vector<256x768xf32>
    %add3A_129 = arith.addf %add3A_116, %dot_general3A_128 : vector<256x768xf32>
    %get3A_130 = arith.constant 10 : index
    %get3A_131 = arith.constant 0 : index
    %get3A_132 = arith.constant 0 : index
    %get3A_133 = vector.load %arg1[%get3A_130, %get3A_131, %get3A_132] : memref<12x256x64xf32, #tpu.memory_space<vmem>>, vector<1x256x64xf32>
    %get3A_134 = vector.shape_cast %get3A_133 : vector<1x256x64xf32> to vector<256x64xf32>
    %get3A_135 = arith.constant 10 : index
    %get3A_136 = arith.constant 0 : index
    %get3A_137 = arith.constant 0 : index
    %get3A_138 = vector.load %arg2[%get3A_135, %get3A_136, %get3A_137] : memref<12x64x768xf32, #tpu.memory_space<vmem>>, vector<1x64x768xf32>
    %get3A_139 = vector.shape_cast %get3A_138 : vector<1x64x768xf32> to vector<64x768xf32>
    %dot_general3A_140 = arith.constant dense<0.000000e+00> : vector<256x768xf32>
    %dot_general3A_141 = tpu.matmul %get3A_134, %get3A_139, %dot_general3A_140 {dimension_numbers = #tpu.dot_dimension_numbers<[1], [0], [0], [1], [0, 0, 1, 1], [], []>, transpose_lhs_hint = false} : vector<256x64xf32>, vector<64x768xf32>, vector<256x768xf32> -> vector<256x768xf32>
    %add3A_142 = arith.addf %add3A_129, %dot_general3A_141 : vector<256x768xf32>
    %get3A_143 = arith.constant 11 : index
    %get3A_144 = arith.constant 0 : index
    %get3A_145 = arith.constant 0 : index
    %get3A_146 = vector.load %arg1[%get3A_143, %get3A_144, %get3A_145] : memref<12x256x64xf32, #tpu.memory_space<vmem>>, vector<1x256x64xf32>
    %get3A_147 = vector.shape_cast %get3A_146 : vector<1x256x64xf32> to vector<256x64xf32>
    %get3A_148 = arith.constant 11 : index
    %get3A_149 = arith.constant 0 : index
    %get3A_150 = arith.constant 0 : index
    %get3A_151 = vector.load %arg2[%get3A_148, %get3A_149, %get3A_150] : memref<12x64x768xf32, #tpu.memory_space<vmem>>, vector<1x64x768xf32>
    %get3A_152 = vector.shape_cast %get3A_151 : vector<1x64x768xf32> to vector<64x768xf32>
    %dot_general3A_153 = arith.constant dense<0.000000e+00> : vector<256x768xf32>
    %dot_general3A_154 = tpu.matmul %get3A_147, %get3A_152, %dot_general3A_153 {dimension_numbers = #tpu.dot_dimension_numbers<[1], [0], [0], [1], [0, 0, 1, 1], [], []>, transpose_lhs_hint = false} : vector<256x64xf32>, vector<64x768xf32>, vector<256x768xf32> -> vector<256x768xf32>
    %add3A_155 = arith.addf %add3A_142, %dot_general3A_154 : vector<256x768xf32>
    %swap3A = arith.constant 0 : index
    %swap3A_156 = arith.constant 0 : index
    %swap3A_157 = vector.load %arg8[%swap3A, %swap3A_156] : memref<256x768xf32, #tpu.memory_space<vmem>>, vector<256x768xf32>
    tpu.vector_store %arg8[%swap3A, %swap3A_156], %add3A_155 {strides = array<i32>} : memref<256x768xf32, #tpu.memory_space<vmem>>, vector<256x768xf32>,
    %reduce_sum3A = arith.constant dense<0.000000e+00> : vector<256xf32>
    %reduce_sum3A_158 = vector.multi_reduction <add>, %add3A_155, %reduce_sum3A [1] : vector<256x768xf32> to vector<256xf32>
    %broadcast_in_dim3A = vector.shape_cast %reduce_sum3A_158 : vector<256xf32> to vector<256x1xf32>
    %div3A = arith.constant 7.680000e+02 : f32
    %div3A_159 = vector.broadcast %div3A : f32 to vector<256x1xf32>
    %div3A_160 = arith.divf %broadcast_in_dim3A, %div3A_159 : vector<256x1xf32>
    %sub3A = vector.broadcast %div3A_160 : vector<256x1xf32> to vector<256x768xf32>
    %sub3A_161 = arith.subf %add3A_155, %sub3A : vector<256x768xf32>
    %integer_pow3A = arith.mulf %sub3A_161, %sub3A_161 : vector<256x768xf32>
    %reduce_sum3A_162 = arith.constant dense<0.000000e+00> : vector<256xf32>
    %reduce_sum3A_163 = vector.multi_reduction <add>, %integer_pow3A, %reduce_sum3A_162 [1] : vector<256x768xf32> to vector<256xf32>
    %broadcast_in_dim3A_164 = vector.shape_cast %reduce_sum3A_163 : vector<256xf32> to vector<256x1xf32>
    %div3A_165 = arith.constant 7.680000e+02 : f32
    %div3A_166 = vector.broadcast %div3A_165 : f32 to vector<256x1xf32>
    %div3A_167 = arith.divf %broadcast_in_dim3A_164, %div3A_166 : vector<256x1xf32>
    %sub3A_168 = vector.broadcast %div3A_160 : vector<256x1xf32> to vector<256x768xf32>
    %sub3A_169 = arith.subf %add3A_155, %sub3A_168 : vector<256x768xf32>
    %add3A_170 = arith.constant 9.99999974E-6 : f32
    %add3A_171 = vector.broadcast %add3A_170 : f32 to vector<256x1xf32>
    %add3A_172 = arith.addf %div3A_167, %add3A_171 : vector<256x1xf32>
    %sqrt3A = math.sqrt %add3A_172 : vector<256x1xf32>
    %div3A_173 = vector.broadcast %sqrt3A : vector<256x1xf32> to vector<256x768xf32>
    %div3A_174 = arith.divf %sub3A_169, %div3A_173 : vector<256x768xf32>
    %get3A_175 = arith.constant 0 : index
    %get3A_176 = arith.constant 0 : index
    %get3A_177 = vector.load %arg4[%get3A_175, %get3A_176] : memref<1x768xf32, #tpu.memory_space<vmem>>, vector<1x768xf32>
    %mul3A = vector.broadcast %get3A_177 : vector<1x768xf32> to vector<256x768xf32>
    %mul3A_178 = arith.mulf %div3A_174, %mul3A : vector<256x768xf32>
    %get3A_179 = arith.constant 0 : index
    %get3A_180 = arith.constant 0 : index
    %get3A_181 = vector.load %arg5[%get3A_179, %get3A_180] : memref<1x768xf32, #tpu.memory_space<vmem>>, vector<1x768xf32>
    %add3A_182 = vector.broadcast %get3A_181 : vector<1x768xf32> to vector<256x768xf32>
    %add3A_183 = arith.addf %mul3A_178, %add3A_182 : vector<256x768xf32>
    %swap3A_184 = arith.constant 0 : index
    %swap3A_185 = arith.constant 0 : index
    %swap3A_186 = vector.load %arg9[%swap3A_184, %swap3A_185] : memref<256x768xf32, #tpu.memory_space<vmem>>, vector<256x768xf32>
    tpu.vector_store %arg9[%swap3A_184, %swap3A_185], %add3A_183 {strides = array<i32>} : memref<256x768xf32, #tpu.memory_space<vmem>>, vector<256x768xf32>,
    %get3A_187 = arith.constant 0 : index
    %get3A_188 = arith.constant 0 : index
    %get3A_189 = vector.load %arg6[%get3A_187, %get3A_188] : memref<768x64xf32, #tpu.memory_space<vmem>>, vector<768x64xf32>
    %dot_general3A_190 = arith.constant dense<0.000000e+00> : vector<256x64xf32>
    %dot_general3A_191 = tpu.matmul %add3A_183, %get3A_189, %dot_general3A_190 {dimension_numbers = #tpu.dot_dimension_numbers<[1], [0], [0], [1], [0, 0, 1, 1], [], []>, transpose_lhs_hint = false} : vector<256x768xf32>, vector<768x64xf32>, vector<256x64xf32> -> vector<256x64xf32>
    %get3A_192 = arith.constant 0 : index
    %get3A_193 = arith.constant 0 : index
    %get3A_194 = vector.load %arg7[%get3A_192, %get3A_193] : memref<1x64xf32, #tpu.memory_space<vmem>>, vector<1x64xf32>
    %add3A_195 = vector.broadcast %get3A_194 : vector<1x64xf32> to vector<256x64xf32>
    %add3A_196 = arith.addf %dot_general3A_191, %add3A_195 : vector<256x64xf32>
    %swap3A_197 = arith.constant 0 : index
    %swap3A_198 = arith.constant 0 : index
    %swap3A_199 = vector.load %arg10[%swap3A_197, %swap3A_198] : memref<256x64xf32, #tpu.memory_space<vmem>>, vector<256x64xf32>
    tpu.vector_store %arg10[%swap3A_197, %swap3A_198], %add3A_196 {strides = array<i32>} : memref<256x64xf32, #tpu.memory_space<vmem>>, vector<256x64xf32>,
    return
  }
  func.func @transform_0(%arg0: i32) -> (i32, i32, i32) {
    %c0_i32 = arith.constant 0 : i32
    %c0_i32_0 = arith.constant 0 : i32
    %c0_i32_1 = arith.constant 0 : i32
    return %c0_i32, %arg0, %c0_i32_0 : i32, i32, i32
  }
  func.func @transform_1(%arg0: i32) -> (i32, i32, i32) {
    %c0_i32 = arith.constant 0 : i32
    %c0_i32_0 = arith.constant 0 : i32
    %c0_i32_1 = arith.constant 0 : i32
    %c0_i32_2 = arith.constant 0 : i32
    return %c0_i32, %c0_i32_0, %c0_i32_1 : i32, i32, i32
  }
  func.func @transform_2(%arg0: i32) -> (i32, i32) {
    %c0_i32 = arith.constant 0 : i32
    %c0_i32_0 = arith.constant 0 : i32
    return %arg0, %c0_i32 : i32, i32
  }
  func.func @transform_3(%arg0: i32) -> (i32, i32) {
    %c0_i32 = arith.constant 0 : i32
    %c0_i32_0 = arith.constant 0 : i32
    %c0_i32_1 = arith.constant 0 : i32
    return %c0_i32, %c0_i32_0 : i32, i32
  }
  func.func @transform_4(%arg0: i32) -> (i32, i32) {
    %c0_i32 = arith.constant 0 : i32
    %c0_i32_0 = arith.constant 0 : i32
    %c0_i32_1 = arith.constant 0 : i32
    return %c0_i32, %c0_i32_0 : i32, i32
  }
  func.func @transform_5(%arg0: i32) -> (i32, i32) {
    %c0_i32 = arith.constant 0 : i32
    %c0_i32_0 = arith.constant 0 : i32
    %c0_i32_1 = arith.constant 0 : i32
    return %c0_i32, %c0_i32_0 : i32, i32
  }
  func.func @transform_6(%arg0: i32) -> (i32, i32) {
    %c0_i32 = arith.constant 0 : i32
    %c0_i32_0 = arith.constant 0 : i32
    %c0_i32_1 = arith.constant 0 : i32
    return %c0_i32, %c0_i32_0 : i32, i32
  }
  func.func @transform_7(%arg0: i32) -> (i32, i32) {
    %c0_i32 = arith.constant 0 : i32
    %c0_i32_0 = arith.constant 0 : i32
    return %arg0, %c0_i32 : i32, i32
  }
  func.func @transform_8(%arg0: i32) -> (i32, i32) {
    %c0_i32 = arith.constant 0 : i32
    %c0_i32_0 = arith.constant 0 : i32
    return %arg0, %c0_i32 : i32, i32
  }
  func.func @transform_9(%arg0: i32) -> (i32, i32) {
    %c0_i32 = arith.constant 0 : i32
    %c0_i32_0 = arith.constant 0 : i32
    return %arg0, %c0_i32 : i32, i32
  }
}

module attributes {stable_mosaic.version = 14 : i64} {
  func.func @_moe_kernel(%arg0: i32, %arg1: memref<2048x768xf32, #tpu.memory_space<vmem>>, %arg2: memref<2048x64xf32, #tpu.memory_space<vmem>>, %arg3: memref<2048x768xf32, #tpu.memory_space<vmem>>, %arg4: memref<1x768x768xf32, #tpu.memory_space<vmem>>, %arg5: memref<2048x768xf32, #tpu.memory_space<vmem>>) attributes {dimension_semantics = [#tpu.dimension_semantics<arbitrary>], iteration_bounds = array<i64: 64>, scalar_prefetch = 0 : i64, scratch_operands = 0 : i64, tpu.core_type = #tpu.core_type<tc>, window_params = [{pipeline_mode = #tpu.pipeline_mode<synchronous>, transform_indices = @transform_0, window_bounds = array<i64: 2048, 768>}, {pipeline_mode = #tpu.pipeline_mode<synchronous>, transform_indices = @transform_1, window_bounds = array<i64: 2048, 64>}, {pipeline_mode = #tpu.pipeline_mode<synchronous>, transform_indices = @transform_2, window_bounds = array<i64: 2048, 768>}, {transform_indices = @transform_3, window_bounds = array<i64: 1, 768, 768>}, {pipeline_mode = #tpu.pipeline_mode<synchronous>, transform_indices = @transform_4, window_bounds = array<i64: 2048, 768>}]} {
    %eq3A = arith.constant 0 : i32
    %eq3A_0 = arith.cmpi eq, %arg0, %eq3A : i32
    %convert_element_type3A = arith.extui %eq3A_0 : i1 to i32
    %cond3A = arith.constant 0 : i32
    %cond3A_1 = arith.cmpi ne, %convert_element_type3A, %cond3A : i32
    scf.if %cond3A_1 {
      %get3A_25 = arith.constant 0 : index
      %get3A_26 = arith.constant 0 : index
      %get3A_27 = vector.load %arg3[%get3A_25, %get3A_26] : memref<2048x768xf32, #tpu.memory_space<vmem>>, vector<2048x768xf32>
      %swap3A_28 = arith.constant 0 : index
      %swap3A_29 = arith.constant 0 : index
      %swap3A_30 = vector.load %arg5[%swap3A_28, %swap3A_29] : memref<2048x768xf32, #tpu.memory_space<vmem>>, vector<2048x768xf32>
      tpu.vector_store %arg5[%swap3A_28, %swap3A_29], %get3A_27 {strides = array<i32>} : memref<2048x768xf32, #tpu.memory_space<vmem>>, vector<2048x768xf32>,
    } else {
    }
    %iota3A = tpu.iota {dimensions = array<i32: 1>} : vector<2048x64xi32>
    %eq3A_2 = vector.broadcast %arg0 : i32 to vector<2048x64xi32>
    %eq3A_3 = arith.cmpi eq, %iota3A, %eq3A_2 : vector<2048x64xi32>
    %get3A = arith.constant 0 : index
    %get3A_4 = arith.constant 0 : index
    %get3A_5 = vector.load %arg2[%get3A, %get3A_4] : memref<2048x64xf32, #tpu.memory_space<vmem>>, vector<2048x64xf32>
    %jit3A = arith.constant 0.000000e+00 : f32
    %broadcast_in_dim3A = vector.broadcast %jit3A : f32 to vector<2048x64xf32>
    %select_n3A = arith.select %eq3A_3, %get3A_5, %broadcast_in_dim3A : vector<2048x64xi1>, vector<2048x64xf32>
    %reduce_sum3A = arith.constant dense<0.000000e+00> : vector<2048xf32>
    %reduce_sum3A_6 = vector.multi_reduction <add>, %select_n3A, %reduce_sum3A [1] : vector<2048x64xf32> to vector<2048xf32>
    %broadcast_in_dim3A_7 = vector.shape_cast %reduce_sum3A_6 : vector<2048xf32> to vector<2048x1xf32>
    %get3A_8 = arith.constant 0 : index
    %get3A_9 = arith.constant 0 : index
    %get3A_10 = vector.load %arg1[%get3A_8, %get3A_9] : memref<2048x768xf32, #tpu.memory_space<vmem>>, vector<2048x768xf32>
    %convert_element_type3A_11 = arith.truncf %get3A_10 : vector<2048x768xf32> to vector<2048x768xbf16>
    %get3A_12 = arith.constant 0 : index
    %get3A_13 = arith.constant 0 : index
    %get3A_14 = arith.constant 0 : index
    %get3A_15 = vector.load %arg4[%get3A_12, %get3A_13, %get3A_14] : memref<1x768x768xf32, #tpu.memory_space<vmem>>, vector<1x768x768xf32>
    %get3A_16 = vector.shape_cast %get3A_15 : vector<1x768x768xf32> to vector<768x768xf32>
    %convert_element_type3A_17 = arith.truncf %get3A_16 : vector<768x768xf32> to vector<768x768xbf16>
    %dot_general3A = arith.constant dense<0.000000e+00> : vector<2048x768xf32>
    %dot_general3A_18 = tpu.matmul %convert_element_type3A_11, %convert_element_type3A_17, %dot_general3A {dimension_numbers = #tpu.dot_dimension_numbers<[1], [1], [0], [0], [0, 0, 1, 0], [], []>, transpose_lhs_hint = false} : vector<2048x768xbf16>, vector<768x768xbf16>, vector<2048x768xf32> -> vector<2048x768xf32>
    %get3A_19 = arith.constant 0 : index
    %get3A_20 = arith.constant 0 : index
    %get3A_21 = vector.load %arg5[%get3A_19, %get3A_20] : memref<2048x768xf32, #tpu.memory_space<vmem>>, vector<2048x768xf32>
    %mul3A = vector.broadcast %broadcast_in_dim3A_7 : vector<2048x1xf32> to vector<2048x768xf32>
    %mul3A_22 = arith.mulf %dot_general3A_18, %mul3A : vector<2048x768xf32>
    %add3A = arith.addf %get3A_21, %mul3A_22 : vector<2048x768xf32>
    %swap3A = arith.constant 0 : index
    %swap3A_23 = arith.constant 0 : index
    %swap3A_24 = vector.load %arg5[%swap3A, %swap3A_23] : memref<2048x768xf32, #tpu.memory_space<vmem>>, vector<2048x768xf32>
    tpu.vector_store %arg5[%swap3A, %swap3A_23], %add3A {strides = array<i32>} : memref<2048x768xf32, #tpu.memory_space<vmem>>, vector<2048x768xf32>,
    return
  }
  func.func @transform_0(%arg0: i32) -> (i32, i32) {
    %c0_i32 = arith.constant 0 : i32
    %c0_i32_0 = arith.constant 0 : i32
    %c0_i32_1 = arith.constant 0 : i32
    return %c0_i32, %c0_i32_0 : i32, i32
  }
  func.func @transform_1(%arg0: i32) -> (i32, i32) {
    %c0_i32 = arith.constant 0 : i32
    %c0_i32_0 = arith.constant 0 : i32
    %c0_i32_1 = arith.constant 0 : i32
    return %c0_i32, %c0_i32_0 : i32, i32
  }
  func.func @transform_2(%arg0: i32) -> (i32, i32) {
    %c0_i32 = arith.constant 0 : i32
    %c0_i32_0 = arith.constant 0 : i32
    %c0_i32_1 = arith.constant 0 : i32
    return %c0_i32, %c0_i32_0 : i32, i32
  }
  func.func @transform_3(%arg0: i32) -> (i32, i32, i32) {
    %c0_i32 = arith.constant 0 : i32
    %c0_i32_0 = arith.constant 0 : i32
    %c0_i32_1 = arith.constant 0 : i32
    return %arg0, %c0_i32, %c0_i32_0 : i32, i32, i32
  }
  func.func @transform_4(%arg0: i32) -> (i32, i32) {
    %c0_i32 = arith.constant 0 : i32
    %c0_i32_0 = arith.constant 0 : i32
    %c0_i32_1 = arith.constant 0 : i32
    return %c0_i32, %c0_i32_0 : i32, i32
  }
}

</mosaic_0001>

<sc_bundles>
// kernel: kernel.7.cloned.1.call-start
scs
__scs_entry_jumppad:
0x0: {  	(pc) =	sbr.rel $0x88, $3  }
0x1: {  	(tag) =	ssettag $0x0;
	lr =	simm.s32 $0x1  }
0x2: {  	[smem:$0x3F95] =	sst lr;
	_ =	strace $0xD0000000  }
0x3: {  	_ = 	snop  }
0x4: {  	_ = 	snop  }
0x5: {  	_ = 	snop  }
0x6: {  	_ = 	snop  }
0x7: {  	_ = 	snop  }
__scs_overlays_trampoline_lowered:
0x8: {  	[smem:$0x3FA4] =	sst s0  }
0x9: {  	[smem:$0x3FA5] =	sst s1  }
0xa: {  	[smem:$0x3FA6] =	sst s2  }
0xb: {  	[smem:$0x3FA7] =	sst s3  }
0xc: {  	[smem:$0x3FA8] =	sst s4  }
0xd: {  	[smem:$0x3FA9] =	sst s5  }
0xe: {  	[smem:$0x3FAA] =	sst s6  }
0xf: {  	[smem:$0x3FAB] =	sst s7  }
0x10: {  	[smem:$0x3FAC] =	sst s8  }
0x11: {  	[smem:$0x3FAD] =	sst s9;
	s0 =	simm.s32 @!p0 $0x0  }
0x12: {  	s1 =	sld [smem:$0x3F93];
	s0 =	simm.s32 @p0 $0x1  }
0x13: {  	[smem:$0x3FAE] =	sst s0;
	s0 =	simm.s32 @!p1 $0x0  }
0x14: {  	s2 =	sld [smem:$0x3F92];
	s0 =	simm.s32 @p1 $0x1  }
0x15: {  	[smem:$0x3FAF] =	sst s0;
	s0 =	simm.s32 @!p2 $0x0  }
0x16: {  	s3 =	sld [smem:$0x3FDB];
	s0 =	simm.s32 @p2 $0x1  }
0x17: {  	s4 =	simm.s32 $0x1BF5;
	[smem:$0x3FB1] =	sst s0  }
0x18: {  	s0 =	sld [smem:$0x3F94];
	_ =	swait.ge [sflag:s4], $0x0  }
0x19: {  	s7 =	sld [smem:$0x3F95]  }
0x1a: {  	s8 =	sadd.s32 $0xFFFFE003, lr  }
0x1b: {  	s9 =	sadd.s32 $0xFFFFFEF7, lr;
	s5 =	simm.s32 $0xFFFFFFFF;
	p2 =	slt.u32 s8, $0xFFFFF086  }
0x1c: {  	p1 =	slt.u32 s9, $0xF7A;
	s5 =	simm.s32 @!p2 $0x0  }
0x1d: {  	s5 =	simm.s32 @p1 $0x1;
	p0 =	seq.s32 s7, s2  }
0x1e: {  	s7 =	smul.u32 @!p0 $0xF7A, s2;
	p2 =	seq.s32 @!p0 s5, $0x0  }
0x1f: {  	s9 =	smul.u32 $0xF7A, s1;
	s8 =	simm.s32 @!p0 $0x1BF5;
	p2 =	por !p2, p0  }
0x20: {  	[sflag:s8] =	ssyncset.s32 @!p0 $0xFFFFF086;
	s6 =	sadd.s32 @!p0 s3, s7;
	s7 =	simm.s32 @!p0 $0x108  }
0x21: {  	s3 =	sadd.s32 s3, s9;
	s6 =	sadd.s32 @!p0 $0x88, s6;
	s7 =	simm.s32 @p2 $0x1082  }
0x22: {  	[simem:s7], [sflag:s8] =	dma.local @!p0 [hbm:s6], $0xF7A  }
0x23: {  	s9 =	sor.u32 $0xD0000000, s2;
	s6 =	simm.s32 $0x108;
	_ =	swait.ge @!p0 [sflag:s8], $0x0  }
0x24: {  	s3 =	sadd.s32 $0x88, s3;
	s6 =	simm.s32 @!p1 $0x1082;
	[sflag:s4] =	ssyncset.s32 $0xFFFFF086  }
0x25: {  	[simem:s6], [sflag:s4] =	dma.local [hbm:s3], $0xF7A  }
0x26: {  	[smem:$0x3F95] =	sst s1;
	(tag) =	ssettag s2;
	_ =	strace s9  }
0x27: {  	s1 =	sld [smem:$0x3FA5]  }
0x28: {  	s2 =	sld [smem:$0x3FA6]  }
0x29: {  	s4 =	sld [smem:$0x3FA8]  }
0x2a: {  	p0 =	seq.s32 s5, $0x0;
	s5 =	sld [smem:$0x3FA9]  }
0x2b: {  	s6 =	sld [smem:$0x3FAA]  }
0x2c: {  	s7 =	sld [smem:$0x3FAB]  }
0x2d: {  	s3 =	simm.s32 $0x108;
	s8 =	sld [smem:$0x3FAC]  }
0x2e: {  	s3 =	simm.s32 @!p0 $0x1082;
	s9 =	sld [smem:$0x3FAD]  }
0x2f: {  	lr =	sadd.s32 s0, s3;
	s0 =	sld [smem:$0x3FA4]  }
0x30: {  	s3 =	sld [smem:$0x3FA7]  }
0x31: {  	[smem:$0x3FB0] =	sst s10  }
0x32: {  	s10 =	sld [smem:$0x3FAE];
	_ =	sdelay $0x3  }
0x33: {  	p0 =	seq.s32 s10, $0x1;
	s10 =	sld [smem:$0x3FB0];
	_ =	sdelay $0x3  }
0x34: {  	[smem:$0x3FB0] =	sst s10  }
0x35: {  	s10 =	sld [smem:$0x3FAF];
	_ =	sdelay $0x3  }
0x36: {  	p1 =	seq.s32 s10, $0x1;
	s10 =	sld [smem:$0x3FB0];
	_ =	sdelay $0x3  }
0x37: {  	[smem:$0x3FB0] =	sst s10  }
0x38: {  	s10 =	sld [smem:$0x3FB1]  }
0x39: {  	_ = 	snop;
	(pc) =	sbr.ind lr, $3  }
0x3a: {  	_ = 	snop  }
0x3b: {  	_ = 	snop  }
0x3c: {  	p2 =	seq.s32 s10, $0x1;
	s10 =	sld [smem:$0x3FB0]  }
0x3d: {  	_ =	shalt  }
0x3e: {  	_ =	shalt  }
0x3f: {  	_ =	shalt  }
0x40: {  	_ =	shalt  }
0x41: {  	_ =	shalt  }
0x42: {  	_ =	shalt  }
0x43: {  	_ =	shalt  }
0x44: {  	_ =	shalt  }
0x45: {  	_ =	shalt  }
0x46: {  	_ =	shalt  }
0x47: {  	_ =	shalt  }
0x48: {  	_ =	shalt  }
0x49: {  	_ =	shalt  }
0x4a: {  	_ =	shalt  }
0x4b: {  	_ =	shalt  }
0x4c: {  	_ =	shalt  }
0x4d: {  	_ =	shalt  }
0x4e: {  	_ =	shalt  }
0x4f: {  	_ =	shalt  }
0x50: {  	_ =	shalt  }
0x51: {  	_ =	shalt  }
0x52: {  	_ =	shalt  }
0x53: {  	_ =	shalt  }
0x54: {  	_ =	shalt  }
0x55: {  	_ =	shalt  }
0x56: {  	_ =	shalt  }
0x57: {  	_ =	shalt  }
0x58: {  	_ =	shalt  }
0x59: {  	_ =	shalt  }
0x5a: {  	_ =	shalt  }
0x5b: {  	_ =	shalt  }
0x5c: {  	_ =	shalt  }
0x5d: {  	_ =	shalt  }
0x5e: {  	_ =	shalt  }
0x5f: {  	_ =	shalt  }
0x60: {  	_ =	shalt  }
0x61: {  	_ =	shalt  }
0x62: {  	_ =	shalt  }
0x63: {  	_ =	shalt  }
0x64: {  	_ =	shalt  }
0x65: {  	_ =	shalt  }
0x66: {  	_ =	shalt  }
0x67: {  	_ =	shalt  }
0x68: {  	_ =	shalt  }
0x69: {  	_ =	shalt  }
0x6a: {  	_ =	shalt  }
0x6b: {  	_ =	shalt  }
0x6c: {  	_ =	shalt  }
0x6d: {  	_ =	shalt  }
0x6e: {  	_ =	shalt  }
0x6f: {  	_ =	shalt  }
0x70: {  	_ =	shalt  }
0x71: {  	_ =	shalt  }
0x72: {  	_ =	shalt  }
0x73: {  	_ =	shalt  }
0x74: {  	_ =	shalt  }
0x75: {  	_ =	shalt  }
0x76: {  	_ =	shalt  }
0x77: {  	_ =	shalt  }
0x78: {  	_ =	shalt  }
0x79: {  	_ =	shalt  }
0x7a: {  	_ =	shalt  }
0x7b: {  	_ =	shalt  }
0x7c: {  	_ =	shalt  }
0x7d: {  	_ =	shalt  }
0x7e: {  	_ =	shalt  }
0x7f: {  	_ =	shalt  }
0x80: {  	_ =	shalt  }
0x81: {  	_ =	shalt  }
0x82: {  	_ =	shalt  }
0x83: {  	_ =	shalt  }
0x84: {  	_ =	shalt  }
0x85: {  	_ =	shalt  }
0x86: {  	_ =	shalt  }
0x87: {  	_ =	shalt  }
.Lfunc_end0:
.L_simem_size_0:
called_computation_lowered:
.L_overlay_start_0:
0x88: {  	s2 =	sld [smem:$0x3FD9]  }
0x89: {  	s3 =	sld [smem:$0x3FFE];
	_ =	sdelay $0x1  }
0x8a: {  	s1 =	srdreg.scid  }
0x8b: {  	s0 =	sand.u32 $0x1, s1  }
0x8c: {  	s17 =	sshll.u32 s0, $0xA;
	s2 =	sadd.s32 s3, s2  }
0x8d: {  	s2 =	sadd.s32 s2, s17  }
0x8e: {  	[smem:$0x3FBC] =	sst s2  }
0x8f: {  	_ = 	snop  }
0x90: {  	s2 =	sld [smem:$0x3FD0];
	(tm) =	ssettm $0x1  }
0x91: {  	s18 =	sld [smem:$0x3FFB];
	_ =	sdelay $0x3  }
0x92: {  	_ =	strace s18  }
0x93: {  	s3 =	sld [smem:$0x3FFC];
	_ =	sdelay $0x3  }
0x94: {  	_ =	strace s3  }
0x95: {  	s3 =	sld [smem:$0x3FFD];
	_ =	sdelay $0x3  }
0x96: {  	_ =	strace s3  }
0x97: {  	_ =	strace $0x8FFFFFFF  }
0x98: {  	s19 =	sld [smem:$0x3FDB];
	_ =	sdelay $0x1  }
0x99: {  	s4 =	simm.s32 $_scs_section_size  }
0x9a: {  	s5 =	simm.s32 $_size__tile_overlayer_lowered;
	s6 =	simm.s32 $_tile_overlayer_lowered  }
0x9b: {  	s22 =	simm.s32 $0x1BFF;
	s21 =	sshll.u32 s6, $0x1;
	s3 =	sadd.s32 s4, s19  }
0x9c: {  	s7 =	simm.s32 $0x0;
	s20 =	sshll.u32 s5, $0x1;
	s5 =	sadd.s32 s21, s3  }
0x9d: {  	[timem:s7], [sflag:s22] =	dma.local [hbm:s5], s20  }
0x9e: {  	_ =	swait.ge [sflag:s22], s20  }
0x9f: {  	s4 =	ssub.s32 $0x0, s20;
	[sflag:s22] =	ssyncset.done $0x0  }
0xa0: {  	[sflag:s22] =	ssyncadd.s32 s4;
	_ =	sdelay $0x1  }
0xa1: {  	s23 =	simm.s32 $0x1B8B  }
0xa2: {  	_ =	swait.ge [sflag:s23], $0x1  }
0xa3: {  	[sflag:s23] =	ssyncset.done $0x0  }
0xa4: {  	s25 =	simm.s32 $0x1B8E;
	s24 =	sld [smem:$0x3FFE];
	[sflag:s23] =	ssyncadd.s32 $0xFFFFFFFF  }
0xa5: {  	s26 =	simm.s32 $execute0_lowered;
	[smem:$0x3FD2] =	sst s25  }
0xa6: {  	s5 =	sshll.u32 s26, $0x1;
	_ =	strace $0x80000046;
	[dreg:$0x1] =	wrdreg $0xFFFFFFFF  }
0xa7: {  	s28 =	simm.s32 $_size_execute0_lowered;
	s3 =	sadd.s32 s3, s5;
	[dreg:$0x0] =	wrdreg $0x0  }
0xa8: {  	s5 =	sshll.u32 s28, $0x1;
	[dreg:$0x2] =	wrdreg s3  }
0xa9: {  	[dreg:$0x3] =	wrdreg s5  }
0xaa: {  	[dreg:$0x4] =	wrdreg $0xC0  }
0xab: {  	_ =	task [dreg:s7], $0x5FFFF  }
0xac: {  	[dreg:$0x1] =	wrdreg $0xFFFFFFFF  }
0xad: {  	[dreg:$0x0] =	wrdreg $0x60  }
0xae: {  	[dreg:$0x2] =	wrdreg s2  }
0xaf: {  	[dreg:$0x3] =	wrdreg s24  }
0xb0: {  	[dreg:$0x4] =	wrdreg $0x9  }
0xb1: {  	_ =	task.clear_ibuf [dreg:s7], $0x5FFFF;
	_ =	strace $0x90000046  }
0xb2: {  	s29 =	simm.s32 $0x9;
	_ =	strace $0x80000048  }
0xb3: {  	_ =	swait.ge [sflag:s29], $0x1  }
0xb4: {  	[sflag:s29] =	ssyncadd.s32 $0xFFFFFFFF  }
0xb5: {  	_ =	strace $0x90000048  }
0xb6: {  	_ =	sfence  }
0xb7: {  	s30 =	sld [smem:$0x0];
	_ =	sdelay $0x2  }
0xb8: {  	s31 =	sshll.u32 s1, $0xD;
	s1 =	sshrl.u32 s1, $0x2  }
0xb9: {  	s3 =	sand.u32 $0x4000, s31;
	s1 =	sadd.s32 s1, s30  }
0xba: {  	s0 =	sor.u32 s3, s0;
	s1 =	sshll.u32 s1, $0x11  }
0xbb: {  	s0 =	sor.u32 s1, s0  }
0xbc: {  	s0 =	sadd.s32 $0x8F2B, s0  }
0xbd: {  	[sflag:s0] =	ssyncadd.remote.s32 $0x1  }
0xbe: {  	_ =	sfence.sel $0xFFFF  }
0xbf: {  	[dreg:$0x0] =	wrdreg $0xFFFFFFFF;
	(pc) =	sbr.abs _section_cstart, $3  }
0xc0: {  	[dreg:$0x1] =	wrdreg $0xFFFFFFFF  }
0xc1: {  	_ =	task.clear_ibuf [dreg:s7], $0x2FFFF;
	_ =	strace $0x9FFFFFFF  }
0xc2: {  	(tm) =	ssettm $0x7FFFFFFF  }
0xc3: {  	_ =	shalt  }
tec
execute0_lowered:
.L_overlay_start_1:
0x0: {  	(tag) =	ssettag $0x1  }
0x1: {  	v0 =	vimm.s32 $0xEFCDAB89  }
0x2: {  	v1 =	vimm.s32 $0x67452301;
	v2 =	vimm.s32 $0xDCFE98BA;
	v3 =	vimm.s32 $0x54761032  }
0x3: {  	v4 =	vimm.s32 $0xBA98FEDC;
	v5 =	vimm.s32 $0x32107654;
	v6 =	vimm.s32 $0xFEDCBA98  }
0x4: {  	v7 =	vimm.s32 $0x76543210;
	v0 =	vunpack.c.l.s4.s8 v0;
	v1 =	vunpack.c.l.s4.s8 v1  }
0x5: {  	s3 =	rddreg [dreg:$0x0];
	v2 =	vunpack.c.l.s4.s8 v2;
	v3 =	vunpack.c.l.s4.s8 v3;
	v4 =	vunpack.c.l.s4.s8 v4  }
0x6: {  	s4 =	rddreg [dreg:$0x1];
	v5 =	vunpack.c.l.s4.s8 v5;
	v6 =	vunpack.c.l.s4.s8 v6;
	v0 =	vunpack.c.0.s8.s32 v0  }
0x7: {  	s0 =	rddreg [dreg:$0x2];
	s5 =	srdreg.scid;
	v1 =	vunpack.c.0.s8.s32 v1;
	v2 =	vunpack.c.0.s8.s32 v2;
	v3 =	vunpack.c.0.s8.s32 v3  }
0x8: {  	s2 =	simm.s32 $0x0;
	s1 =	stileid.u32;
	s8 =	simm.s32 $0x0;
	v7 =	vunpack.c.l.s4.s8 v7;
	v4 =	vunpack.c.0.s8.s32 v4;
	v5 =	vunpack.c.0.s8.s32 v5  }
0x9: {  	s5 =	sand.u32 $0x1, s5;
	s6 =	sshll.u32 s1, $0xB;
	[smem:$0x7FF] =	sst s2;
	v0 =	vcombine.low v1, v0;
	v1 =	vcombine.low v3, v2;
	v2 =	vunpack.c.0.s8.s32 v6  }
0xa: {  	s7 =	sshll.u32 s5, $0xA;
	s5 =	ssub.s32 $0x2, s5;
	_ =	strace $0x80000047;
	v3 =	vcombine.low v5, v4;
	v4 =	vunpack.c.0.s8.s32 v7  }
0xb: {  	s6 =	sor.u32 s7, s6;
	s31 =	sshrl.u32 s5, $0x1;
	s7 =	simm.s32 $0x2000;
	v0 =	vand.u32 $0xF, v0;
	v1 =	vand.u32 $0xF, v1;
	v5 =	vand.u32 $0xF, v2  }
0xc: {  	s4 =	sadd.s32 s6, s4;
	s5 =	ssub.s32 s5, s31;
	s3 =	sadd.s32 s3, s6;
	v2 =	vand.u32 $0xF, v3;
	v3 =	vcombine.low v5, v4;
	v4 =	vlaneseq.u32  }
0xd: {  	s6 =	simm.s32 $0x1;
	s4 =	sadd.s32 $0x1A00, s4;
	s5 =	smax.u32 s5, $0x1;
	v5 =	vor.u32 $0x30, v4;
	v6 =	vor.u32 $0x20, v4;
	v7 =	vor.u32 $0x10, v4  }
.LBB2_1:
0xe: {  	[tilespmem:s2], [sflag:$0x1] =	stream.linear.gather [hbm4b:s3+s2], $0x2000, $0x38;
	[tilespmem:$0x4000] =	vst v63  }
0xf: {  	_ =	swait.ge [sflag:s6], $0x2000  }
0x10: {  	[sflag:s6] =	ssyncset.done $0x0  }
0x11: {  	s9 =	simm.s32 $0x0;
	[sflag:s6] =	ssyncadd.s32 $0xFFFFE000  }
0x12: {  	v9 =	vld [tilespmem:s9+$0x0]  }
0x13: {  	v10 =	vld [tilespmem:s9+$0x10]  }
0x14: {  	v11 =	vld [tilespmem:s9+$0x20]  }
0x15: {  	v12 =	vld [tilespmem:s9+$0x30];
	_ =	sdelay $0x2  }
0x16: {  	v8 =	vmax.f32 v9, v10  }
0x17: {  	v8 =	vmax.f32 v8, v11  }
0x18: {  	v8 =	vmax.f32 v8, v12  }
0x19: {  	v13 =	vperm.xlane v8, v0;
	_ =	sdelay $0x1  }
0x1a: {  	v8 =	vmax.f32 v8, v13  }
0x1b: {  	v13 =	vperm.xlane v8, v1;
	_ =	sdelay $0x1  }
0x1c: {  	v8 =	vmax.f32 v8, v13  }
0x1d: {  	v13 =	vperm.xlane v8, v2;
	_ =	sdelay $0x1  }
0x1e: {  	v8 =	vmax.f32 v8, v13  }
0x1f: {  	v13 =	vperm.xlane v8, v3;
	_ =	sdelay $0x1  }
0x20: {  	v8 =	vmax.f32 v8, v13  }
0x21: {  	vm0 =	veq.f32 v12, v8  }
0x22: {  	vm1 =	veq.f32 v11, v8;
	v13 =	vnsel vm0, $0x40000000, v5  }
0x23: {  	vm0 =	veq.f32 v10, v8;
	v13 =	vsel vm1, v6, v13  }
0x24: {  	vm1 =	veq.f32 v9, v8;
	v13 =	vsel vm0, v7, v13  }
0x25: {  	v13 =	vsel vm1, v4, v13  }
0x26: {  	v14 =	vperm.xlane v13, v0;
	_ =	sdelay $0x1  }
0x27: {  	vm0 =	vlt.s32 v13, v14  }
0x28: {  	v13 =	vsel vm0, v13, v14  }
0x29: {  	v14 =	vperm.xlane v13, v1;
	_ =	sdelay $0x1  }
0x2a: {  	vm0 =	vlt.s32 v13, v14  }
0x2b: {  	v13 =	vsel vm0, v13, v14  }
0x2c: {  	v14 =	vperm.xlane v13, v2;
	_ =	sdelay $0x1  }
0x2d: {  	vm0 =	vlt.s32 v13, v14  }
0x2e: {  	v13 =	vsel vm0, v13, v14  }
0x2f: {  	v14 =	vperm.xlane v13, v3;
	_ =	sdelay $0x1  }
0x30: {  	vm0 =	vlt.s32 v13, v14  }
0x31: {  	v13 =	vsel vm0, v13, v14  }
0x32: {  	vm8 =	veq.s32 v13, v4;
	vm7 =	veq.s32 v13, v7  }
0x33: {  	vm9 =	veq.s32 v13, v6;
	v9 =	vsel vm8, $0xF149F2CA, v9;
	v10 =	vsel vm7, $0xF149F2CA, v10  }
0x34: {  	vm11 =	veq.s32 v13, v5;
	v11 =	vsel vm9, $0xF149F2CA, v11;
	v13 =	vmax.f32 v9, v10  }
0x35: {  	v14 =	vsel vm11, $0xF149F2CA, v12;
	v12 =	vmax.f32 v13, v11  }
0x36: {  	v12 =	vmax.f32 v12, v14  }
0x37: {  	v13 =	vperm.xlane v12, v0;
	_ =	sdelay $0x1  }
0x38: {  	v12 =	vmax.f32 v12, v13  }
0x39: {  	v13 =	vperm.xlane v12, v1;
	_ =	sdelay $0x1  }
0x3a: {  	v12 =	vmax.f32 v12, v13  }
0x3b: {  	v13 =	vperm.xlane v12, v2;
	_ =	sdelay $0x1  }
0x3c: {  	v12 =	vmax.f32 v12, v13  }
0x3d: {  	v13 =	vperm.xlane v12, v3;
	_ =	sdelay $0x1  }
0x3e: {  	v12 =	vmax.f32 v12, v13  }
0x3f: {  	vm0 =	veq.f32 v14, v12  }
0x40: {  	vm1 =	veq.f32 v11, v12;
	v13 =	vnsel vm0, $0x40000000, v5  }
0x41: {  	vm0 =	veq.f32 v10, v12;
	v13 =	vsel vm1, v6, v13  }
0x42: {  	vm1 =	veq.f32 v9, v12;
	v13 =	vsel vm0, v7, v13  }
0x43: {  	v13 =	vsel vm1, v4, v13  }
0x44: {  	v15 =	vperm.xlane v13, v0;
	_ =	sdelay $0x1  }
0x45: {  	vm0 =	vlt.s32 v13, v15  }
0x46: {  	v13 =	vsel vm0, v13, v15  }
0x47: {  	v15 =	vperm.xlane v13, v1;
	_ =	sdelay $0x1  }
0x48: {  	vm0 =	vlt.s32 v13, v15  }
0x49: {  	v13 =	vsel vm0, v13, v15  }
0x4a: {  	v15 =	vperm.xlane v13, v2;
	_ =	sdelay $0x1  }
0x4b: {  	vm0 =	vlt.s32 v13, v15  }
0x4c: {  	v13 =	vsel vm0, v13, v15  }
0x4d: {  	v15 =	vperm.xlane v13, v3;
	_ =	sdelay $0x1  }
0x4e: {  	vm0 =	vlt.s32 v13, v15  }
0x4f: {  	v13 =	vsel vm0, v13, v15  }
0x50: {  	v15 =	vimm.s32 $0x0;
	vm2 =	veq.s32 v13, v4  }
0x51: {  	vm0 =	veq.s32 v13, v7;
	v15 =	vsel vm2, $0xFFFFFFFF, v15  }
0x52: {  	vm1 =	veq.s32 v13, v6;
	v10 =	vsel vm0, $0xF149F2CA, v10;
	[tilespmem:$0x1FE20] =	vst v15;
	v15 =	vimm.s32 $0x0  }
0x53: {  	v15 =	vsel vm0, $0xFFFFFFFF, v15;
	vm0 =	veq.s32 v13, v5;
	v13 =	vimm.s32 $0x0  }
0x54: {  	v9 =	vsel vm2, $0xF149F2CA, v9;
	v13 =	vsel vm0, $0xFFFFFFFF, v13  }
0x55: {  	v11 =	vsel vm1, $0xF149F2CA, v11;
	[tilespmem:$0x1FE30] =	vst v13;
	v13 =	vmax.f32 v9, v10  }
0x56: {  	[tilespmem:$0x1FE50] =	vst v15;
	v15 =	vimm.s32 $0x0;
	v14 =	vsel vm0, $0xF149F2CA, v14;
	v13 =	vmax.f32 v13, v11  }
0x57: {  	v15 =	vsel vm1, $0xFFFFFFFF, v15;
	v13 =	vmax.f32 v13, v14  }
0x58: {  	[tilespmem:$0x1FE40] =	vst v15;
	v15 =	vperm.xlane v13, v0;
	_ =	sdelay $0x1  }
0x59: {  	v13 =	vmax.f32 v13, v15  }
0x5a: {  	v15 =	vperm.xlane v13, v1;
	_ =	sdelay $0x1  }
0x5b: {  	v13 =	vmax.f32 v13, v15  }
0x5c: {  	v15 =	vperm.xlane v13, v2;
	_ =	sdelay $0x1  }
0x5d: {  	v13 =	vmax.f32 v13, v15  }
0x5e: {  	v15 =	vperm.xlane v13, v3;
	_ =	sdelay $0x1  }
0x5f: {  	v13 =	vmax.f32 v13, v15  }
0x60: {  	vm0 =	veq.f32 v14, v13  }
0x61: {  	vm1 =	veq.f32 v11, v13;
	v15 =	vnsel vm0, $0x40000000, v5  }
0x62: {  	vm0 =	veq.f32 v10, v13;
	v15 =	vsel vm1, v6, v15  }
0x63: {  	vm1 =	veq.f32 v9, v13;
	v15 =	vsel vm0, v7, v15  }
0x64: {  	v15 =	vsel vm1, v4, v15  }
0x65: {  	v16 =	vperm.xlane v15, v0;
	_ =	sdelay $0x1  }
0x66: {  	vm0 =	vlt.s32 v15, v16  }
0x67: {  	v15 =	vsel vm0, v15, v16  }
0x68: {  	v16 =	vperm.xlane v15, v1;
	_ =	sdelay $0x1  }
0x69: {  	vm0 =	vlt.s32 v15, v16  }
0x6a: {  	v15 =	vsel vm0, v15, v16  }
0x6b: {  	v16 =	vperm.xlane v15, v2;
	_ =	sdelay $0x1  }
0x6c: {  	vm0 =	vlt.s32 v15, v16  }
0x6d: {  	v15 =	vsel vm0, v15, v16  }
0x6e: {  	v16 =	vperm.xlane v15, v3;
	_ =	sdelay $0x1  }
0x6f: {  	vm0 =	vlt.s32 v15, v16  }
0x70: {  	v15 =	vsel vm0, v15, v16  }
0x71: {  	v16 =	vimm.s32 $0x0;
	vm0 =	veq.s32 v15, v4  }
0x72: {  	v16 =	vsel vm0, $0xFFFFFFFF, v16  }
0x73: {  	vm1 =	veq.s32 v15, v7;
	[tilespmem:$0x1FFB0] =	vst v16;
	v16 =	vimm.s32 $0x0  }
0x74: {  	v10 =	vsel vm1, $0xF149F2CA, v10;
	v16 =	vsel vm1, $0xFFFFFFFF, v16  }
0x75: {  	vm1 =	veq.s32 v15, v6;
	[tilespmem:$0x1FFC0] =	vst v16;
	v16 =	vsel vm0, $0xF149F2CA, v9;
	v9 =	vimm.s32 $0x0  }
0x76: {  	v9 =	vsel vm1, $0xFFFFFFFF, v9  }
0x77: {  	vm0 =	veq.s32 v15, v5;
	[tilespmem:$0x1FE60] =	vst v9;
	v9 =	vimm.s32 $0x0  }
0x78: {  	v9 =	vsel vm0, $0xFFFFFFFF, v9  }
0x79: {  	v11 =	vsel vm1, $0xF149F2CA, v11;
	[tilespmem:$0x1FFA0] =	vst v9;
	v9 =	vmax.f32 v16, v10  }
0x7a: {  	v14 =	vsel vm0, $0xF149F2CA, v14;
	v9 =	vmax.f32 v9, v11  }
0x7b: {  	v9 =	vmax.f32 v9, v14  }
0x7c: {  	s10 =	simm.s32 $0x80;
	v15 =	vperm.xlane v9, v0  }
0x7d: {  	v17 =	vld [tilespmem:s10+$0x0]  }
0x7e: {  	v18 =	vld [tilespmem:s10+$0x10];
	v9 =	vmax.f32 v9, v15  }
0x7f: {  	v15 =	vld [tilespmem:s10+$0x20];
	v19 =	vperm.xlane v9, v1  }
0x80: {  	v20 =	vld [tilespmem:s10+$0x30]  }
0x81: {  	v9 =	vmax.f32 v9, v19  }
0x82: {  	v19 =	vperm.xlane v9, v2  }
0x83: {  	v21 =	vmax.f32 v17, v18  }
0x84: {  	v21 =	vmax.f32 v21, v15;
	v9 =	vmax.f32 v9, v19  }
0x85: {  	v19 =	vmax.f32 v21, v20;
	v21 =	vperm.xlane v9, v3  }
0x86: {  	v22 =	vperm.xlane v19, v0  }
0x87: {  	v21 =	vmax.f32 v9, v21  }
0x88: {  	v9 =	vmax.f32 v19, v22;
	vm1 =	veq.f32 v14, v21  }
0x89: {  	v19 =	vperm.xlane v9, v1;
	vm2 =	veq.f32 v11, v21;
	v22 =	vnsel vm1, $0x40000000, v5  }
0x8a: {  	vm1 =	veq.f32 v10, v21;
	v22 =	vsel vm2, v6, v22  }
0x8b: {  	v9 =	vmax.f32 v9, v19;
	vm2 =	veq.f32 v16, v21;
	v19 =	vsel vm1, v7, v22  }
0x8c: {  	v22 =	vperm.xlane v9, v2;
	v19 =	vsel vm2, v4, v19  }
0x8d: {  	v23 =	vperm.xlane v19, v0  }
0x8e: {  	v9 =	vmax.f32 v9, v22  }
0x8f: {  	v22 =	vperm.xlane v9, v3;
	vm1 =	vlt.s32 v19, v23  }
0x90: {  	v19 =	vsel vm1, v19, v23  }
0x91: {  	v9 =	vmax.f32 v9, v22;
	v22 =	vperm.xlane v19, v1  }
0x92: {  	vm1 =	veq.f32 v20, v9  }
0x93: {  	vm2 =	veq.f32 v15, v9;
	v23 =	vnsel vm1, $0x40000000, v5;
	vm1 =	vlt.s32 v19, v22  }
0x94: {  	vm3 =	veq.f32 v18, v9;
	v23 =	vsel vm2, v6, v23;
	v19 =	vsel vm1, v19, v22  }
0x95: {  	v22 =	vsel vm3, v7, v23;
	v23 =	vperm.xlane v19, v2  }
0x96: {  	vm1 =	veq.f32 v17, v9  }
0x97: {  	v22 =	vsel vm1, v4, v22;
	vm1 =	vlt.s32 v19, v23  }
0x98: {  	v24 =	vperm.xlane v22, v0;
	v19 =	vsel vm1, v19, v23  }
0x99: {  	v23 =	vperm.xlane v19, v3  }
0x9a: {  	vm1 =	vlt.s32 v22, v24  }
0x9b: {  	v22 =	vsel vm1, v22, v24;
	vm1 =	vlt.s32 v19, v23  }
0x9c: {  	v19 =	vsel vm1, v19, v23  }
0x9d: {  	v23 =	vimm.s32 $0x0;
	vm0 =	veq.s32 v19, v4  }
0x9e: {  	v23 =	vsel vm0, $0xFFFFFFFF, v23  }
0x9f: {  	vm2 =	veq.s32 v19, v7;
	[tilespmem:$0x1FE90] =	vst v23;
	v23 =	vimm.s32 $0x0  }
0xa0: {  	v24 =	vperm.xlane v22, v1;
	v23 =	vsel vm2, $0xFFFFFFFF, v23  }
0xa1: {  	vm3 =	veq.s32 v19, v6;
	[tilespmem:$0x1FEB0] =	vst v23;
	v23 =	vimm.s32 $0x0  }
0xa2: {  	vm1 =	vlt.s32 v22, v24;
	v23 =	vsel vm3, $0xFFFFFFFF, v23  }
0xa3: {  	vm13 =	veq.s32 v19, v5;
	v16 =	vsel vm0, $0xF149F2CA, v16;
	[tilespmem:$0x1FE70] =	vst v23;
	v23 =	vsel vm2, $0xF149F2CA, v10  }
0xa4: {  	v19 =	vsel vm1, v22, v24;
	v11 =	vsel vm3, $0xF149F2CA, v11;
	v10 =	vmax.f32 v16, v23  }
0xa5: {  	v14 =	vsel vm13, $0xF149F2CA, v14;
	v22 =	vperm.xlane v19, v2;
	v10 =	vmax.f32 v10, v11  }
0xa6: {  	v10 =	vmax.f32 v10, v14  }
0xa7: {  	vm1 =	vlt.s32 v19, v22;
	v24 =	vperm.xlane v10, v0  }
0xa8: {  	v19 =	vsel vm1, v19, v22  }
0xa9: {  	v22 =	vperm.xlane v19, v3;
	v10 =	vmax.f32 v10, v24  }
0xaa: {  	v24 =	vperm.xlane v10, v1  }
0xab: {  	vm1 =	vlt.s32 v19, v22  }
0xac: {  	v19 =	vsel vm1, v19, v22;
	v10 =	vmax.f32 v10, v24  }
0xad: {  	vm4 =	veq.s32 v19, v4;
	v22 =	vperm.xlane v10, v2  }
0xae: {  	vm6 =	veq.s32 v19, v7;
	vm3 =	veq.s32 v19, v6;
	vm12 =	veq.s32 v19, v5  }
0xaf: {  	v17 =	vsel vm4, $0xF149F2CA, v17;
	v18 =	vsel vm6, $0xF149F2CA, v18;
	v10 =	vmax.f32 v10, v22  }
0xb0: {  	v15 =	vsel vm3, $0xF149F2CA, v15;
	v24 =	vmax.f32 v17, v18;
	v22 =	vperm.xlane v10, v3  }
0xb1: {  	v19 =	vsel vm12, $0xF149F2CA, v20;
	v20 =	vmax.f32 v24, v15  }
0xb2: {  	v22 =	vmax.f32 v10, v22;
	v10 =	vmax.f32 v20, v19  }
0xb3: {  	v20 =	vperm.xlane v10, v0;
	vm1 =	veq.f32 v14, v22  }
0xb4: {  	v24 =	vnsel vm1, $0x40000000, v5;
	vm1 =	veq.f32 v11, v22  }
0xb5: {  	v24 =	vsel vm1, v6, v24;
	v10 =	vmax.f32 v10, v20;
	vm1 =	veq.f32 v23, v22  }
0xb6: {  	v20 =	vsel vm1, v7, v24;
	v24 =	vperm.xlane v10, v1;
	vm1 =	veq.f32 v16, v22  }
0xb7: {  	v20 =	vsel vm1, v4, v20  }
0xb8: {  	v25 =	vperm.xlane v20, v0;
	v10 =	vmax.f32 v10, v24  }
0xb9: {  	v24 =	vperm.xlane v10, v2  }
0xba: {  	vm1 =	vlt.s32 v20, v25  }
0xbb: {  	v20 =	vsel vm1, v20, v25;
	v10 =	vmax.f32 v10, v24  }
0xbc: {  	v24 =	vperm.xlane v20, v1;
	v25 =	vperm.xlane v10, v3;
	_ =	sdelay $0x1  }
0xbd: {  	v10 =	vmax.f32 v10, v25;
	vm1 =	vlt.s32 v20, v24  }
0xbe: {  	v20 =	vsel vm1, v20, v24;
	vm1 =	veq.f32 v19, v10  }
0xbf: {  	v24 =	vnsel vm1, $0x40000000, v5;
	v25 =	vperm.xlane v20, v2;
	vm1 =	veq.f32 v15, v10  }
0xc0: {  	v24 =	vsel vm1, v6, v24;
	vm1 =	veq.f32 v18, v10  }
0xc1: {  	v24 =	vsel vm1, v7, v24;
	vm1 =	vlt.s32 v20, v25  }
0xc2: {  	v20 =	vsel vm1, v20, v25  }
0xc3: {  	v25 =	vperm.xlane v20, v3;
	_ =	sdelay $0x1  }
0xc4: {  	vm5 =	veq.f32 v17, v10;
	vm1 =	vlt.s32 v20, v25  }
0xc5: {  	v24 =	vsel vm5, v4, v24;
	v20 =	vsel vm1, v20, v25  }
0xc6: {  	v26 =	vperm.xlane v24, v0;
	v25 =	vimm.s32 $0x0;
	vm2 =	veq.s32 v20, v4  }
0xc7: {  	v25 =	vsel vm2, $0xFFFFFFFF, v25  }
0xc8: {  	vm5 =	vlt.s32 v24, v26;
	vm0 =	veq.s32 v20, v7;
	[tilespmem:$0x1FD70] =	vst v25;
	v25 =	vimm.s32 $0x0  }
0xc9: {  	v24 =	vsel vm5, v24, v26;
	v25 =	vsel vm0, $0xFFFFFFFF, v25  }
0xca: {  	vm1 =	veq.s32 v20, v6;
	[tilespmem:$0x1FD80] =	vst v25;
	v25 =	vsel vm0, $0xF149F2CA, v23;
	v23 =	vimm.s32 $0x0  }
0xcb: {  	v16 =	vsel vm2, $0xF149F2CA, v16;
	v26 =	vsel vm1, $0xF149F2CA, v11;
	v23 =	vsel vm1, $0xFFFFFFFF, v23  }
0xcc: {  	vm0 =	veq.s32 v20, v5;
	v11 =	vmax.f32 v16, v25;
	[tilespmem:$0x1FD90] =	vst v23;
	v23 =	vperm.xlane v24, v1  }
0xcd: {  	v20 =	vimm.s32 $0x0;
	v14 =	vsel vm0, $0xF149F2CA, v14;
	v11 =	vmax.f32 v11, v26  }
0xce: {  	v20 =	vsel vm0, $0xFFFFFFFF, v20;
	v11 =	vmax.f32 v11, v14;
	vm1 =	vlt.s32 v24, v23  }
0xcf: {  	[tilespmem:$0x1FDA0] =	vst v20;
	v20 =	vsel vm1, v24, v23;
	v23 =	vperm.xlane v11, v0  }
0xd0: {  	v24 =	vperm.xlane v20, v2  }
0xd1: {  	v11 =	vmax.f32 v11, v23  }
0xd2: {  	v23 =	vperm.xlane v11, v1;
	vm1 =	vlt.s32 v20, v24  }
0xd3: {  	v20 =	vsel vm1, v20, v24  }
0xd4: {  	v11 =	vmax.f32 v11, v23;
	v23 =	vperm.xlane v20, v3;
	_ =	sdelay $0x1  }
0xd5: {  	v24 =	vperm.xlane v11, v2;
	vm1 =	vlt.s32 v20, v23  }
0xd6: {  	v20 =	vsel vm1, v20, v23  }
0xd7: {  	v11 =	vmax.f32 v11, v24;
	v24 =	vimm.s32 $0x0;
	vm1 =	veq.s32 v20, v7  }
0xd8: {  	v24 =	vsel vm1, $0xFFFFFFFF, v24  }
0xd9: {  	vm0 =	veq.s32 v20, v4;
	[tilespmem:$0x1FF80] =	vst v24;
	v24 =	vimm.s32 $0x0  }
0xda: {  	v24 =	vsel vm0, $0xFFFFFFFF, v24  }
0xdb: {  	[tilespmem:$0x1FDB0] =	vst v24;
	v24 =	vsel vm0, $0xF149F2CA, v17;
	vm0 =	veq.s32 v20, v6;
	v17 =	vimm.s32 $0x0  }
0xdc: {  	v23 =	vperm.xlane v11, v3;
	v27 =	vsel vm1, $0xF149F2CA, v18;
	v17 =	vsel vm0, $0xFFFFFFFF, v17  }
0xdd: {  	vm10 =	veq.s32 v20, v5;
	v15 =	vsel vm0, $0xF149F2CA, v15;
	[tilespmem:$0x1FF60] =	vst v17;
	v17 =	vmax.f32 v24, v27  }
0xde: {  	v31 =	vsel vm10, $0xF149F2CA, v19;
	v17 =	vmax.f32 v17, v15  }
0xdf: {  	v23 =	vmax.f32 v11, v23;
	v11 =	vmax.f32 v17, v31  }
0xe0: {  	vm1 =	veq.f32 v14, v23;
	v17 =	vperm.xlane v11, v0  }
0xe1: {  	v18 =	vnsel vm1, $0x40000000, v5;
	vm1 =	veq.f32 v26, v23  }
0xe2: {  	v18 =	vsel vm1, v6, v18;
	vm1 =	veq.f32 v25, v23;
	v11 =	vmax.f32 v11, v17  }
0xe3: {  	v17 =	vsel vm1, v7, v18;
	vm1 =	veq.f32 v16, v23;
	v18 =	vperm.xlane v11, v1  }
0xe4: {  	v17 =	vsel vm1, v4, v17  }
0xe5: {  	v19 =	vperm.xlane v17, v0;
	v11 =	vmax.f32 v11, v18  }
0xe6: {  	v18 =	vperm.xlane v11, v2  }
0xe7: {  	vm1 =	vlt.s32 v17, v19  }
0xe8: {  	v17 =	vsel vm1, v17, v19;
	v11 =	vmax.f32 v11, v18  }
0xe9: {  	v18 =	vperm.xlane v17, v1;
	v19 =	vperm.xlane v11, v3;
	_ =	sdelay $0x1  }
0xea: {  	vm1 =	vlt.s32 v17, v18;
	v11 =	vmax.f32 v11, v19  }
0xeb: {  	v17 =	vsel vm1, v17, v18;
	vm1 =	veq.f32 v31, v11  }
0xec: {  	v19 =	vperm.xlane v17, v2;
	v18 =	vnsel vm1, $0x40000000, v5;
	vm1 =	veq.f32 v15, v11  }
0xed: {  	v18 =	vsel vm1, v6, v18;
	vm1 =	veq.f32 v27, v11  }
0xee: {  	v18 =	vsel vm1, v7, v18;
	vm1 =	vlt.s32 v17, v19  }
0xef: {  	vm5 =	veq.f32 v24, v11;
	v17 =	vsel vm1, v17, v19  }
0xf0: {  	v18 =	vsel vm5, v4, v18;
	v19 =	vperm.xlane v17, v3  }
0xf1: {  	v20 =	vperm.xlane v18, v0  }
0xf2: {  	vm1 =	vlt.s32 v17, v19  }
0xf3: {  	vm5 =	vlt.s32 v18, v20;
	v19 =	vsel vm1, v17, v19  }
0xf4: {  	v33 =	vsel vm5, v18, v20;
	v18 =	vimm.s32 $0x0;
	vm2 =	veq.s32 v19, v4  }
0xf5: {  	vm1 =	veq.s32 v19, v7;
	v29 =	vsel vm2, $0xF149F2CA, v16;
	v16 =	vimm.s32 $0x0  }
0xf6: {  	s11 =	simm.s32 $0x100;
	vm0 =	veq.s32 v19, v6;
	v18 =	vsel vm2, $0xFFFFFFFF, v18;
	v16 =	vsel vm1, $0xFFFFFFFF, v16  }
0xf7: {  	v17 =	vld [tilespmem:s11+$0x0];
	v30 =	vsel vm1, $0xF149F2CA, v25;
	v25 =	vperm.xlane v33, v1;
	[tilespmem:$0x1FDD0] =	vst v16;
	v16 =	vimm.s32 $0x0  }
0xf8: {  	v28 =	vsel vm0, $0xF149F2CA, v26;
	[tilespmem:$0x1FDC0] =	vst v18;
	v18 =	vld [tilespmem:s11+$0x10];
	v16 =	vsel vm0, $0xFFFFFFFF, v16  }
0xf9: {  	vm1 =	veq.s32 v19, v5;
	v19 =	vld [tilespmem:s11+$0x20];
	vm5 =	vlt.s32 v33, v25;
	[tilespmem:$0x1FDE0] =	vst v16;
	v16 =	vmax.f32 v29, v30  }
0xfa: {  	v20 =	vld [tilespmem:s11+$0x30];
	v32 =	vsel vm1, $0xF149F2CA, v14;
	v14 =	vmax.f32 v16, v28;
	v16 =	vsel vm5, v33, v25  }
0xfb: {  	v14 =	vmax.f32 v14, v32;
	v26 =	vperm.xlane v16, v2  }
0xfc: {  	v25 =	vperm.xlane v14, v0  }
0xfd: {  	v37 =	vmax.f32 v17, v18;
	vm5 =	vlt.s32 v16, v26  }
0xfe: {  	v14 =	vmax.f32 v14, v25;
	v25 =	vmax.f32 v37, v19;
	v16 =	vsel vm5, v16, v26  }
0xff: {  	v38 =	vperm.xlane v14, v1;
	v25 =	vmax.f32 v25, v20;
	v39 =	vperm.xlane v16, v3  }
0x100: {  	v26 =	vperm.xlane v25, v0  }
0x101: {  	v36 =	vsub.f32 v8, v8;
	v14 =	vmax.f32 v14, v38;
	vm5 =	vlt.s32 v16, v39  }
0x102: {  	v34 =	vperm.xlane v14, v2;
	v35 =	vmax.f32 v25, v26;
	v16 =	vsel vm5, v16, v39  }
0x103: {  	v25 =	vimm.s32 $0x0;
	v40 =	vperm.xlane v35, v1;
	vm2 =	veq.s32 v16, v4  }
0x104: {  	vm0 =	veq.s32 v16, v7;
	v14 =	vmax.f32 v14, v34;
	v25 =	vsel vm2, $0xFFFFFFFF, v25  }
0x105: {  	v26 =	vsel vm0, $0xF149F2CA, v27;
	[tilespmem:$0x1FDF0] =	vst v25;
	v25 =	vsel vm2, $0xF149F2CA, v24;
	v24 =	vimm.s32 $0x0  }
0x106: {  	v34 =	vperm.xlane v14, v3;
	v24 =	vsel vm0, $0xFFFFFFFF, v24;
	vm0 =	veq.s32 v16, v6  }
0x107: {  	[tilespmem:$0x1FE00] =	vst v24;
	v24 =	vimm.s32 $0x0;
	v27 =	vsel vm0, $0xF149F2CA, v15;
	v15 =	vmax.f32 v25, v26  }
0x108: {  	v24 =	vsel vm0, $0xFFFFFFFF, v24;
	vm0 =	veq.s32 v16, v5;
	v16 =	vimm.s32 $0x0  }
0x109: {  	v15 =	vmax.f32 v15, v27;
	[tilespmem:$0x1FFE0] =	vst v24;
	v16 =	vsel vm0, $0xFFFFFFFF, v16;
	v24 =	vsel vm0, $0xF149F2CA, v31  }
0x10a: {  	v33 =	vmax.f32 v14, v34;
	[tilespmem:$0x1FE10] =	vst v16;
	v16 =	vmax.f32 v35, v40;
	v14 =	vmax.f32 v15, v24  }
0x10b: {  	vm15 =	veq.f32 v32, v33;
	v15 =	vperm.xlane v16, v2;
	v31 =	vperm.xlane v14, v0  }
0x10c: {  	v36 =	vmul.f32 $1.442695020e+00, v36;
	v41 =	vnsel vm15, $0x40000000, v5;
	vm15 =	veq.f32 v28, v33  }
0x10d: {  	v34 =	vsel vm15, v6, v41;
	v15 =	vmax.f32 v16, v15;
	v14 =	vmax.f32 v14, v31  }
0x10e: {  	vm15 =	veq.f32 v30, v33;
	v16 =	vperm.xlane v15, v3;
	v31 =	vperm.xlane v14, v1  }
0x10f: {  	(erf) = vpow2.f32 v36;
	v34 =	vsel vm15, v7, v34;
	vm15 =	veq.f32 v29, v33  }
0x110: {  	v15 =	vmax.f32 v15, v16;
	v14 =	vmax.f32 v14, v31;
	v16 =	vsel vm15, v4, v34  }
0x111: {  	v31 =	vperm.xlane v14, v2;
	vm15 =	veq.f32 v20, v15;
	v43 =	vperm.xlane v16, v0  }
0x112: {  	v44 =	vsub.f32 v12, v8;
	v42 =	vnsel vm15, $0x40000000, v5;
	vm15 =	veq.f32 v19, v15  }
0x113: {  	v34 =	vsel vm15, v6, v42;
	v14 =	vmax.f32 v14, v31;
	vm14 =	vlt.s32 v16, v43  }
0x114: {  	vm15 =	veq.f32 v18, v15;
	v31 =	vperm.xlane v14, v3;
	v16 =	vsel vm14, v16, v43  }
0x115: {  	v34 =	vsel vm15, v7, v34;
	vm14 =	veq.f32 v17, v15;
	v37 =	vperm.xlane v16, v1  }
0x116: {  	v12 =	vmax.f32 v14, v31;
	v14 =	vmul.f32 $1.442695020e+00, v44;
	v31 =	vsel vm14, v4, v34  }
0x117: {  	vm15 =	veq.f32 v24, v12;
	vm14 =	vlt.s32 v16, v37;
	v46 =	vperm.xlane v31, v0  }
0x118: {  	v45 =	vnsel vm15, $0x40000000, v5;
	(erf) = vpow2.f32 v14;
	vm15 =	veq.f32 v27, v12  }
0x119: {  	v14 =	vsel vm14, v16, v37;
	vm14 =	veq.f32 v26, v12;
	v16 =	vsel vm15, v6, v45  }
0x11a: {  	v16 =	vsel vm14, v7, v16;
	vm14 =	veq.f32 v25, v12  }
0x11b: {  	v47 =	vperm.xlane v14, v2;
	v16 =	vsel vm14, v4, v16;
	vm14 =	vlt.s32 v31, v46  }
0x11c: {  	v48 =	vperm.xlane v16, v0;
	v31 =	vsel vm14, v31, v46  }
0x11d: {  	vm14 =	vlt.s32 v14, v47;
	v34 =	vperm.xlane v31, v1  }
0x11e: {  	v14 =	vsel vm14, v14, v47;
	vm14 =	vlt.s32 v16, v48  }
0x11f: {  	v49 =	vsel vm14, v16, v48;
	vm14 =	vlt.s32 v31, v34  }
0x120: {  	v36 =	vsel vm14, v31, v34;
	v31 =	vld [tilespmem:$0x1FE30];
	_ =	sdelay $0x4  }
0x121: {  	vm2 =	vmmov vm7;
	vm7 =	vnez.u8 v31;
	v31 =	vld [tilespmem:$0x1FE40];
	_ =	sdelay $0x1  }
0x122: {  	v50 =	vperm.xlane v14, v3;
	_ =	sdelay $0x1  }
0x123: {  	v16 =	vld [tilespmem:$0x1FE20];
	vm15 =	vlt.s32 v14, v50  }
0x124: {  	v51 =	vsel vm15, v14, v50;
	vm15 =	vmmov vm8;
	vm8 =	vnez.u8 v31;
	v31 =	vld [tilespmem:$0x1FE50];
	_ =	sdelay $0x3  }
0x125: {  	vm0 =	vnez.u8 v16  }
0x126: {  	vm14 =	vmmov vm0;
	vm0 =	vmmov vm9;
	vm9 =	vnez.u8 v31;
	v31 =	vld [tilespmem:$0x1FE60];
	_ =	sdelay $0x4  }
0x127: {  	vm5 =	vmmov vm11;
	vm11 =	vnez.u8 v31  }
0x128: {  	v31 =	vimm.s32 $0x0;
	vm11 =	vmmov vm11  }
0x129: {  	v31 =	vsel vm11, $0xFFFFFFFF, v31  }
0x12a: {  	[tilespmem:$0x1FFD0] =	vst v31;
	v31 =	vld [tilespmem:$0x1FE70];
	_ =	sdelay $0x4  }
0x12b: {  	vm11 =	vmmov vm13;
	vm13 =	vnez.u8 v31  }
0x12c: {  	v31 =	vimm.s32 $0x0;
	vm13 =	vmmov vm13  }
0x12d: {  	v31 =	vsel vm13, $0xFFFFFFFF, v31  }
0x12e: {  	[tilespmem:$0x1FE80] =	vst v31;
	v31 =	vld [tilespmem:$0x1FE90];
	_ =	sdelay $0x4  }
0x12f: {  	vm13 =	vnez.u8 v31  }
0x130: {  	v31 =	vimm.s32 $0x0;
	vm13 =	vmmov vm13  }
0x131: {  	v31 =	vsel vm13, $0xFFFFFFFF, v31  }
0x132: {  	[tilespmem:$0x1FEA0] =	vst v31;
	v31 =	vld [tilespmem:$0x1FEB0];
	_ =	sdelay $0x4  }
0x133: {  	vm13 =	vnez.u8 v31  }
0x134: {  	v31 =	vimm.s32 $0x0;
	vm13 =	vmmov vm13  }
0x135: {  	v31 =	vsel vm13, $0xFFFFFFFF, v31  }
0x136: {  	vm13 =	vmmov vm15;
	[tilespmem:$0x1FEC0] =	vst v31;
	v31 =	vimm.s32 $0x0  }
0x137: {  	v31 =	vsel vm13, $0xFFFFFFFF, v31  }
0x138: {  	vm4 =	vmmov vm4;
	[tilespmem:$0x1FED0] =	vst v31;
	v31 =	vimm.s32 $0x0  }
0x139: {  	v31 =	vsel vm4, $0xFFFFFFFF, v31  }
0x13a: {  	vm0 =	vmmov vm0;
	[tilespmem:$0x1FEE0] =	vst v31;
	v31 =	vimm.s32 $0x0  }
0x13b: {  	v52 =	vimm.s32 $0x0;
	v54 =	vimm.s32 $0x0;
	v31 =	vsel vm0, $0xFFFFFFFF, v31  }
0x13c: {  	v55 =	vimm.s32 $0x0;
	vm0 =	vmmov vm3;
	[tilespmem:$0x1FEF0] =	vst v31;
	v31 =	vimm.s32 $0x0  }
0x13d: {  	v57 =	vimm.s32 $0x0;
	v13 =	vsub.f32 v13, v8;
	v31 =	vsel vm0, $0xFFFFFFFF, v31  }
0x13e: {  	v62 =	vimm.s32 $0x0;
	vm0 =	vmmov vm2;
	[tilespmem:$0x1FF00] =	vst v31;
	v31 =	vimm.s32 $0x0  }
0x13f: {  	v13 =	vmul.f32 $1.442695020e+00, v13;
	v21 =	vsub.f32 v21, v8;
	v56 =	vld [tilespmem:$0x1FF60];
	v31 =	vsel vm0, $0xFFFFFFFF, v31  }
0x140: {  	v22 =	vsub.f32 v22, v8;
	vm0 =	vmmov vm6;
	[tilespmem:$0x1FF10] =	vst v31;
	v31 =	vimm.s32 $0x0  }
0x141: {  	(erf) = vpow2.f32 v13;
	v13 =	vld [tilespmem:$0x1FF80];
	v31 =	vsel vm0, $0xFFFFFFFF, v31;
	vm0 =	vmmov vm12  }
0x142: {  	vm8 =	vmmov vm8;
	v34 =	vsel vm0, $0xFFFFFFFF, v52;
	vm0 =	vmmov vm10  }
0x143: {  	v22 =	vmul.f32 $1.442695020e+00, v22;
	v35 =	vsel vm0, $0xFFFFFFFF, v54;
	vm0 =	vmmov vm8  }
0x144: {  	v23 =	vsub.f32 v23, v8;
	[tilespmem:$0x1FF40] =	vst v35;
	v35 =	vsel vm0, $0xFFFFFFFF, v55;
	vm0 =	vnez.u8 v56  }
0x145: {  	v33 =	vsub.f32 v33, v8;
	vm4 =	veq.s32 v51, v4;
	vm0 =	vmmov vm0  }
0x146: {  	v29 =	vsel vm4, $0xF149F2CA, v29;
	[tilespmem:$0x1FF50] =	vst v35;
	v35 =	vsel vm0, $0xFFFFFFFF, v57;
	vm0 =	vnez.u8 v13  }
0x147: {  	vm3 =	veq.s32 v51, v7;
	v13 =	vimm.s32 $0x0;
	vm0 =	vmmov vm0  }
0x148: {  	v30 =	vsel vm3, $0xF149F2CA, v30;
	vm2 =	veq.s32 v51, v6;
	[tilespmem:$0x1FF20] =	vst v31;
	v13 =	vsel vm0, $0xFFFFFFFF, v13  }
0x149: {  	v39 =	vpop (erf);
	vm13 =	veq.s32 v51, v5;
	v31 =	vsel vm2, $0xF149F2CA, v28;
	v28 =	vmax.f32 v29, v30;
	[tilespmem:$0x1FF90] =	vst v13;
	v13 =	vld [tilespmem:$0x1FFA0]  }
0x14a: {  	v58 =	vld [tilespmem:$0x1FFB0];
	v38 =	vperm.xlane v49, v1;
	v16 =	vpop (erf);
	v32 =	vsel vm13, $0xF149F2CA, v32;
	v28 =	vmax.f32 v28, v31  }
0x14b: {  	v59 =	vld [tilespmem:$0x1FFC0];
	v33 =	vmul.f32 $1.442695020e+00, v33;
	v14 =	vnsel vm14, $0x0, v16;
	v28 =	vmax.f32 v28, v32  }
0x14c: {  	vm14 =	vlt.s32 v49, v38;
	vm7 =	vmmov vm7;
	v60 =	vld [tilespmem:$0x1FFD0];
	v53 =	vperm.xlane v28, v0  }
0x14d: {  	v61 =	vld [tilespmem:$0x1FFE0];
	v37 =	vsel vm14, v49, v38;
	v38 =	vperm.xlane v36, v2;
	vm9 =	vmmov vm9  }
0x14e: {  	vm12 =	vmmov vm7;
	v28 =	vmax.f32 v28, v53;
	vm0 =	vnez.u8 v13  }
0x14f: {  	v13 =	vperm.xlane v28, v1;
	vm7 =	vmmov vm0;
	vm0 =	vnez.u8 v58  }
0x150: {  	vm14 =	vmmov vm9;
	vm9 =	vmmov vm0;
	vm0 =	vnez.u8 v59  }
0x151: {  	v13 =	vmax.f32 v28, v13;
	vm10 =	vmmov vm0;
	vm0 =	vnez.u8 v60  }
0x152: {  	v63 =	vperm.xlane v13, v2;
	vm8 =	vmmov vm0;
	vm0 =	vnez.u8 v61  }
0x153: {  	vm6 =	vmmov vm5;
	v28 =	vmul.f32 $1.442695020e+00, v21;
	vm0 =	vmmov vm0  }
0x154: {  	[tilespmem:$0x1FF30] =	vst v34;
	v21 =	vadd.f32 $0.0e+00, v39;
	v13 =	vmax.f32 v13, v63;
	v34 =	vsel vm0, $0xFFFFFFFF, v62  }
0x155: {  	vm5 =	vlt.s32 v36, v38;
	(erf) = vpow2.f32 v28;
	[tilespmem:$0x1FFF0] =	vst v34;
	v34 =	vperm.xlane v13, v3  }
0x156: {  	[tilespmem:$0x1FF70] =	vst v35;
	v35 =	vmul.f32 $1.442695020e+00, v23;
	v39 =	vperm.xlane v37, v2;
	v28 =	vadd.f32 v16, v21  }
0x157: {  	s12 =	simm.s32 $0x600;
	(erf) = vpow2.f32 v22;
	v22 =	vpop (erf);
	v34 =	vmax.f32 v13, v34;
	v13 =	vmov v9  }
.LBB2_2:
0x158: {  	v53 =	vld [tilespmem:$0x1FDB0]  }
0x159: {  	v41 =	vimm.s32 $0x0;
	v54 =	vimm.s32 $0x0  }
0x15a: {  	v23 =	vmovc v9;
	v9 =	vmovc v15;
	v56 =	vnsel vm12, $0x0, v16;
	v15 =	vadd.f32 v22, v28;
	v28 =	vsub.f32 v34, v8  }
0x15b: {  	v59 =	vnsel vm7, $0x0, v22;
	v36 =	vsel vm5, v36, v38;
	v40 =	vsel vm2, $0xFFFFFFFF, v41  }
0x15c: {  	(erf) = vpow2.f32 v35;
	vm2 =	vmmov vm8;
	v28 =	vmul.f32 $1.442695020e+00, v28  }
0x15d: {  	vm8 =	veq.f32 v32, v34;
	(erf) = vpow2.f32 v33;
	vm0 =	vnez.u8 v53  }
0x15e: {  	vm15 =	vmmov vm0;
	vm0 =	vlt.s32 v37, v39;
	v32 =	vpop (erf);
	(erf) = vpow2.f32 v28  }
0x15f: {  	v35 =	vsel vm15, $0xFFFFFFFF, v54;
	vm15 =	vmmov vm10;
	vm10 =	vmmov vm9  }
0x160: {  	vm9 =	veq.f32 v31, v34;
	v31 =	vnsel vm8, $0x40000000, v5;
	v55 =	vsel vm0, v37, v39  }
0x161: {  	vm0 =	veq.f32 v30, v34;
	v30 =	vsel vm9, v6, v31;
	v28 =	vperm.xlane v55, v3  }
0x162: {  	vm8 =	veq.f32 v29, v34;
	v15 =	vadd.f32 v32, v15;
	v29 =	vsel vm0, v7, v30  }
0x163: {  	v30 =	vnsel vm6, $0x0, v21;
	v29 =	vsel vm8, v4, v29;
	vm0 =	vlt.s32 v55, v28  }
0x164: {  	v58 =	vadd.f32 v56, v30;
	v31 =	vpop (erf);
	v57 =	vperm.xlane v29, v0;
	v28 =	vsel vm0, v55, v28  }
0x165: {  	v38 =	vperm.xlane v36, v3;
	v15 =	vadd.f32 v31, v15;
	vm8 =	veq.s32 v28, v5  }
0x166: {  	v37 =	vadd.f32 v59, v58;
	v30 =	vpop (erf);
	vm12 =	veq.s32 v28, v4;
	vm0 =	vlt.s32 v29, v57  }
0x167: {  	vm6 =	veq.s32 v28, v7;
	v61 =	vadd.f32 v30, v15;
	v60 =	vsel vm0, v29, v57  }
0x168: {  	v43 =	vld [tilespmem:$0x1FDA0];
	v33 =	vsel vm12, $0xF149F2CA, v25;
	v34 =	vsel vm6, $0xF149F2CA, v26;
	v62 =	vperm.xlane v60, v1  }
0x169: {  	[tilespmem:$0x1FD60] =	vst v35;
	v35 =	vsel vm8, $0xF149F2CA, v24;
	vm0 =	veq.s32 v28, v6;
	v29 =	vpop (erf);
	v26 =	vmax.f32 v33, v34  }
0x16a: {  	v27 =	vsel vm0, $0xF149F2CA, v27;
	v63 =	vadd.f32 v29, v61;
	vm7 =	vlt.s32 v60, v62  }
0x16b: {  	v28 =	vnsel vm11, $0x0, v32;
	v15 =	vpop (erf);
	v24 =	vmax.f32 v26, v27;
	v25 =	vsel vm7, v60, v62  }
0x16c: {  	[tilespmem:$0x1FD50] =	vst v40;
	v40 =	vadd.f32 v15, v63;
	v24 =	vmax.f32 v24, v35;
	v39 =	vperm.xlane v25, v2  }
0x16d: {  	vm9 =	vnez.u8 v43;
	v26 =	vadd.f32 v28, v37;
	v28 =	vperm.xlane v24, v0  }
0x16e: {  	v37 =	vnsel vm9, $0x0, v31;
	(erf) = vrcp.f32 v40;
	vm7 =	vlt.s32 v25, v39  }
0x16f: {  	v26 =	vadd.f32 v37, v26;
	v24 =	vmax.f32 v24, v28;
	v25 =	vsel vm7, v25, v39  }
0x170: {  	v28 =	vnsel vm1, $0x0, v30;
	v45 =	vperm.xlane v24, v1;
	v44 =	vperm.xlane v25, v3  }
0x171: {  	vm5 =	vlt.s32 v36, v38;
	v26 =	vadd.f32 v28, v26  }
0x172: {  	v28 =	vnsel vm13, $0x0, v29;
	v24 =	vmax.f32 v24, v45;
	vm1 =	vlt.s32 v25, v44  }
0x173: {  	v26 =	vadd.f32 v28, v26;
	v28 =	vsel vm5, v36, v38;
	v25 =	vsel vm1, v25, v44  }
0x174: {  	v46 =	vperm.xlane v24, v2;
	vm5 =	veq.s32 v28, v4;
	vm1 =	veq.s32 v25, v5  }
0x175: {  	vm13 =	veq.s32 v28, v6;
	vm7 =	veq.s32 v28, v5;
	v47 =	vnsel vm1, $0x0, v15  }
0x176: {  	v36 =	vmax.f32 v24, v46;
	vm1 =	veq.s32 v28, v7;
	v26 =	vadd.f32 v47, v26  }
0x177: {  	v53 =	vld [tilespmem:$0x1FF50];
	v17 =	vsel vm5, $0xF149F2CA, v17;
	v48 =	vperm.xlane v36, v3;
	v24 =	vpop (erf);
	v18 =	vsel vm1, $0xF149F2CA, v18  }
0x178: {  	v28 =	vmax.f32 v17, v18;
	v49 =	vmul.f32 v26, v24;
	v26 =	vsel vm13, $0xF149F2CA, v19  }
0x179: {  	v56 =	vld [tilespmem:$0x1FED0];
	v19 =	vsel vm7, $0xF149F2CA, v20;
	v20 =	vmax.f32 v28, v26;
	v28 =	vmax.f32 v36, v48  }
0x17a: {  	v50 =	vnsel vm14, $0x0, v16;
	v58 =	vld [tilespmem:$0x1FF10];
	v20 =	vmax.f32 v20, v19;
	vm9 =	veq.f32 v35, v28  }
0x17b: {  	vm11 =	veq.f32 v27, v28;
	v51 =	vperm.xlane v20, v0;
	v52 =	vnsel vm9, $0x40000000, v5  }
0x17c: {  	v42 =	vld [tilespmem:$0x1FEF0];
	vm9 =	veq.f32 v34, v28;
	v38 =	vsel vm11, v6, v52;
	vm11 =	vnez.u8 v53  }
0x17d: {  	v16 =	vnsel vm11, $0x0, v16;
	v20 =	vmax.f32 v20, v51;
	vm11 =	veq.f32 v33, v28  }
0x17e: {  	v54 =	vsel vm9, v7, v38;
	vm9 =	vnez.u8 v56;
	v55 =	vperm.xlane v20, v1  }
0x17f: {  	v37 =	vsel vm11, v4, v54;
	v39 =	vnsel vm9, $0x0, v21;
	vm9 =	vnez.u8 v58  }
0x180: {  	v59 =	vnsel vm10, $0x0, v22;
	v57 =	vperm.xlane v37, v0;
	v41 =	vnsel vm9, $0x0, v21  }
0x181: {  	vm9 =	vnez.u8 v42;
	v14 =	vadd.f32 v14, v39;
	v20 =	vmax.f32 v20, v55  }
0x182: {  	v21 =	vnsel vm9, $0x0, v21;
	v38 =	vperm.xlane v20, v2;
	vm9 =	vlt.s32 v37, v57  }
0x183: {  	v16 =	vadd.f32 v16, v21;
	v21 =	vsel vm9, v37, v57;
	v37 =	vadd.f32 v59, v14;
	v14 =	vld [tilespmem:$0x1FEA0];
	_ =	sdelay $0x1  }
0x184: {  	v20 =	vmax.f32 v20, v38;
	v61 =	vperm.xlane v21, v1  }
0x185: {  	v63 =	vld [tilespmem:$0x1FE80];
	v62 =	vperm.xlane v20, v3  }
0x186: {  	v59 =	vld [tilespmem:$0x1FD50];
	vm9 =	vlt.s32 v21, v61  }
0x187: {  	vm10 =	vnez.u8 v14;
	v14 =	vmax.f32 v20, v62;
	v20 =	vsel vm9, v21, v61;
	v21 =	vld [tilespmem:$0x1FEC0]  }
0x188: {  	v60 =	vnsel vm15, $0x0, v22;
	v22 =	vnsel vm2, $0x0, v22;
	v36 =	vadd.f32 v50, v41  }
0x189: {  	v48 =	vimm.s32 $0x0;
	[tilespmem:s9+$0x2030] =	vst v49;
	v49 =	vimm.s32 $0x0;
	v51 =	vimm.s32 $0x0  }
0x18a: {  	v58 =	vnsel vm3, $0x0, v29;
	vm3 =	veq.s32 v25, v7;
	v36 =	vadd.f32 v60, v36  }
0x18b: {  	v16 =	vadd.f32 v22, v16;
	vm2 =	vnez.u8 v59;
	v22 =	vnsel vm10, $0x0, v32  }
0x18c: {  	v45 =	vld [tilespmem:$0x1FD70];
	v38 =	vperm.xlane v20, v2;
	vm10 =	vnez.u8 v63;
	vm9 =	vnez.u8 v21  }
0x18d: {  	v46 =	vld [tilespmem:$0x1FD80];
	vm11 =	veq.f32 v17, v14;
	v22 =	vadd.f32 v22, v37;
	v21 =	vnsel vm9, $0x0, v32  }
0x18e: {  	v47 =	vld [tilespmem:$0x1FD90];
	vm9 =	veq.f32 v19, v14;
	v32 =	vnsel vm10, $0x0, v32;
	vm10 =	veq.f32 v26, v14  }
0x18f: {  	v42 =	vnsel vm9, $0x40000000, v5;
	vm9 =	veq.f32 v18, v14;
	v21 =	vadd.f32 v21, v36  }
0x190: {  	v16 =	vadd.f32 v32, v16;
	v43 =	vsel vm10, v6, v42;
	vm10 =	vlt.s32 v20, v38  }
0x191: {  	v37 =	vsel vm9, v7, v43;
	v20 =	vsel vm10, v20, v38;
	vm9 =	vnez.u8 v45  }
0x192: {  	vm10 =	vnez.u8 v46;
	v37 =	vsel vm11, v4, v37;
	v38 =	vperm.xlane v20, v3  }
0x193: {  	v32 =	vnsel vm9, $0x0, v31;
	v39 =	vnsel vm10, $0x0, v31;
	vm10 =	vnez.u8 v47  }
0x194: {  	v44 =	vperm.xlane v37, v0;
	v40 =	vnsel vm10, $0x0, v31;
	v22 =	vadd.f32 v32, v22  }
0x195: {  	v54 =	vld [tilespmem:$0x1FDC0];
	v31 =	vimm.s32 $0x0;
	v21 =	vadd.f32 v39, v21;
	vm9 =	vlt.s32 v20, v38  }
0x196: {  	v16 =	vadd.f32 v40, v16;
	vm10 =	vlt.s32 v37, v44;
	v20 =	vsel vm9, v20, v38  }
0x197: {  	v36 =	vsel vm10, v37, v44;
	vm10 =	veq.s32 v20, v4;
	vm9 =	veq.s32 v20, v7  }
0x198: {  	v40 =	vnsel vm3, $0x0, v15;
	v31 =	vsel vm10, $0xFFFFFFFF, v31;
	v32 =	vsel vm9, $0xFFFFFFFF, v48  }
0x199: {  	v55 =	vld [tilespmem:$0x1FDD0];
	v50 =	vperm.xlane v36, v1;
	[tilespmem:$0x1FD80] =	vst v32;
	v32 =	vsel vm9, $0xF149F2CA, v34;
	vm9 =	veq.s32 v20, v6  }
0x19a: {  	v56 =	vld [tilespmem:$0x1FDE0];
	[tilespmem:$0x1FD70] =	vst v31;
	v31 =	vsel vm10, $0xF149F2CA, v33;
	vm10 =	vnez.u8 v54;
	v33 =	vsel vm9, $0xFFFFFFFF, v49  }
0x19b: {  	v27 =	vsel vm9, $0xF149F2CA, v27;
	vm9 =	veq.s32 v20, v5;
	v20 =	vmax.f32 v31, v32  }
0x19c: {  	v37 =	vnsel vm10, $0x0, v30;
	v52 =	vsel vm9, $0xF149F2CA, v35;
	v20 =	vmax.f32 v20, v27  }
0x19d: {  	[tilespmem:$0x1FD90] =	vst v33;
	v33 =	vsel vm9, $0xFFFFFFFF, v51;
	vm9 =	vlt.s32 v36, v50;
	v20 =	vmax.f32 v20, v52  }
0x19e: {  	v34 =	vsel vm9, v36, v50;
	vm9 =	vnez.u8 v55;
	v53 =	vperm.xlane v20, v0  }
0x19f: {  	v36 =	vnsel vm9, $0x0, v30;
	vm9 =	vnez.u8 v56;
	v57 =	vperm.xlane v34, v2  }
0x1a0: {  	v22 =	vadd.f32 v37, v22;
	v30 =	vnsel vm9, $0x0, v30;
	v21 =	vadd.f32 v36, v21  }
0x1a1: {  	v20 =	vmax.f32 v20, v53;
	v16 =	vadd.f32 v30, v16;
	vm9 =	vlt.s32 v34, v57  }
0x1a2: {  	v30 =	vnsel vm4, $0x0, v29;
	v35 =	vperm.xlane v20, v1;
	v34 =	vsel vm9, v34, v57  }
0x1a3: {  	v29 =	vnsel vm2, $0x0, v29;
	vm2 =	veq.s32 v25, v4;
	v60 =	vperm.xlane v34, v3  }
0x1a4: {  	v30 =	vadd.f32 v30, v22;
	vm9 =	veq.s32 v25, v6;
	v20 =	vmax.f32 v20, v35  }
0x1a5: {  	v25 =	vadd.f32 v58, v21;
	v61 =	vperm.xlane v20, v2;
	vm4 =	vlt.s32 v34, v60  }
0x1a6: {  	v63 =	vnsel vm2, $0x0, v15;
	v62 =	vadd.f32 v29, v16;
	v21 =	vsel vm4, v34, v60  }
0x1a7: {  	v15 =	vnsel vm9, $0x0, v15;
	v20 =	vmax.f32 v20, v61;
	vm4 =	veq.s32 v21, v5  }
0x1a8: {  	vm11 =	veq.s32 v21, v4;
	vm3 =	veq.s32 v21, v6;
	v22 =	vperm.xlane v20, v3  }
0x1a9: {  	vm2 =	veq.s32 v21, v7;
	v16 =	vsel vm3, $0xF149F2CA, v26;
	v21 =	vsel vm11, $0xF149F2CA, v17  }
0x1aa: {  	v26 =	vsel vm2, $0xF149F2CA, v18;
	v29 =	vsel vm4, $0xF149F2CA, v19;
	v22 =	vmax.f32 v20, v22  }
0x1ab: {  	v18 =	vmax.f32 v21, v26;
	v20 =	vimm.s32 $0x0;
	vm10 =	veq.f32 v52, v22  }
0x1ac: {  	v20 =	vsel vm11, $0xFFFFFFFF, v20;
	vm11 =	veq.f32 v27, v22;
	v17 =	vnsel vm10, $0x40000000, v5  }
0x1ad: {  	v18 =	vmax.f32 v18, v16;
	vm10 =	veq.f32 v32, v22;
	v17 =	vsel vm11, v6, v17  }
0x1ae: {  	v18 =	vmax.f32 v18, v29;
	vm11 =	veq.f32 v31, v22;
	v17 =	vsel vm10, v7, v17  }
0x1af: {  	v25 =	vadd.f32 v40, v25;
	[tilespmem:$0x1FDB0] =	vst v20;
	v20 =	vperm.xlane v18, v0;
	v17 =	vsel vm11, v4, v17  }
0x1b0: {  	v30 =	vadd.f32 v63, v30;
	v15 =	vadd.f32 v15, v62;
	v19 =	vperm.xlane v17, v0  }
0x1b1: {  	v25 =	vmul.f32 v25, v24;
	v20 =	vmax.f32 v18, v20;
	v18 =	vimm.s32 $0x0  }
0x1b2: {  	vm11 =	vmmov vm8;
	vm8 =	vmmov vm0;
	vm9 =	vlt.s32 v17, v19  }
0x1b3: {  	s13 =	sshra.s32 s12, $0x2;
	v18 =	vsel vm8, $0xFFFFFFFF, v18;
	v41 =	vsel vm9, v17, v19;
	v19 =	vmul.f32 v30, v24  }
0x1b4: {  	v15 =	vmul.f32 v15, v24;
	[tilespmem:$0x1FE80] =	vst v18;
	v18 =	vld [tilespmem:s13+$0x10];
	v30 =	vperm.xlane v20, v1  }
0x1b5: {  	vm0 =	vmmov vm12;
	vm8 =	vmmov vm6;
	v17 =	vld [tilespmem:s13+$0x0];
	[tilespmem:s9+$0x2000] =	vst v19;
	v19 =	vimm.s32 $0x0  }
0x1b6: {  	v24 =	vmax.f32 v20, v30;
	v20 =	vimm.s32 $0x0;
	v19 =	vsel vm0, $0xFFFFFFFF, v19  }
0x1b7: {  	v20 =	vsel vm8, $0xFFFFFFFF, v20;
	[tilespmem:$0x1FEA0] =	vst v19;
	v19 =	vld [tilespmem:s13+$0x20]  }
0x1b8: {  	[tilespmem:$0x1FEC0] =	vst v20;
	v20 =	vld [tilespmem:s13+$0x30]  }
0x1b9: {  	[tilespmem:s9+$0x2010] =	vst v25;
	v25 =	vld [tilespmem:$0x1FEE0];
	_ =	sdelay $0x1  }
0x1ba: {  	v42 =	vperm.xlane v41, v1;
	_ =	sdelay $0x1  }
0x1bb: {  	vm0 =	vlt.s32 v41, v42  }
0x1bc: {  	v34 =	vsel vm0, v41, v42;
	vm0 =	vnez.u8 v25  }
0x1bd: {  	[tilespmem:s9+$0x2020] =	vst v15;
	v15 =	vimm.s32 $0x0;
	vm6 =	vmmov vm0;
	vm0 =	vmmov vm5  }
0x1be: {  	v15 =	vsel vm0, $0xFFFFFFFF, v15  }
0x1bf: {  	[tilespmem:$0x1FEE0] =	vst v15;
	v15 =	vld [tilespmem:$0x1FF00];
	_ =	sdelay $0x4  }
0x1c0: {  	vm0 =	vnez.u8 v15  }
0x1c1: {  	v30 =	vperm.xlane v24, v2;
	v15 =	vimm.s32 $0x0;
	vm5 =	vmmov vm0  }
0x1c2: {  	v15 =	vsel vm5, $0xFFFFFFFF, v15  }
0x1c3: {  	vm0 =	vmmov vm13;
	[tilespmem:$0x1FEF0] =	vst v15;
	v15 =	vmax.f32 v24, v30;
	v24 =	vimm.s32 $0x0  }
0x1c4: {  	v24 =	vsel vm0, $0xFFFFFFFF, v24  }
0x1c5: {  	[tilespmem:$0x1FF00] =	vst v24;
	v24 =	vld [tilespmem:$0x1FF20];
	_ =	sdelay $0x1  }
0x1c6: {  	v25 =	vimm.s32 $0x0  }
0x1c7: {  	v25 =	vsel vm6, $0xFFFFFFFF, v25  }
0x1c8: {  	[tilespmem:$0x1FED0] =	vst v25;
	v25 =	vperm.xlane v34, v2  }
0x1c9: {  	vm0 =	vnez.u8 v24  }
0x1ca: {  	v45 =	vld [tilespmem:$0x1FF30];
	v30 =	vperm.xlane v15, v3;
	vm5 =	vmmov vm0;
	vm0 =	vlt.s32 v34, v25  }
0x1cb: {  	v25 =	vsel vm0, v34, v25  }
0x1cc: {  	v30 =	vmax.f32 v15, v30;
	v15 =	vperm.xlane v25, v3  }
0x1cd: {  	v43 =	vimm.s32 $0x0;
	v47 =	vimm.s32 $0x0;
	v48 =	vimm.s32 $0x0  }
0x1ce: {  	v49 =	vimm.s32 $0x0;
	vm0 =	vmmov vm1;
	vm8 =	vlt.s32 v25, v15  }
0x1cf: {  	vm1 =	vnez.u8 v45;
	v34 =	vsel vm0, $0xFFFFFFFF, v43;
	v15 =	vsel vm8, v25, v15  }
0x1d0: {  	vm6 =	vmmov vm1;
	vm1 =	veq.f32 v29, v30;
	vm8 =	veq.s32 v15, v4  }
0x1d1: {  	[tilespmem:$0x1FF20] =	vst v34;
	v46 =	vnsel vm1, $0x40000000, v5;
	vm1 =	veq.s32 v15, v7;
	v34 =	vsel vm8, $0xFFFFFFFF, v47  }
0x1d2: {  	v32 =	vsel vm1, $0xF149F2CA, v32;
	[tilespmem:$0x1FDC0] =	vst v34;
	v34 =	vsel vm1, $0xFFFFFFFF, v48;
	vm1 =	veq.s32 v15, v6  }
0x1d3: {  	vm9 =	veq.f32 v16, v30;
	v24 =	vimm.s32 $0x0;
	[tilespmem:$0x1FDD0] =	vst v34;
	v34 =	vsel vm1, $0xFFFFFFFF, v49  }
0x1d4: {  	v24 =	vsel vm5, $0xFFFFFFFF, v24;
	[tilespmem:$0x1FDE0] =	vst v34;
	v34 =	vsel vm1, $0xF149F2CA, v27;
	vm1 =	veq.s32 v15, v5  }
0x1d5: {  	[tilespmem:$0x1FDA0] =	vst v33;
	vm5 =	veq.f32 v26, v30;
	v25 =	vsel vm9, v6, v46;
	v33 =	vsel vm1, $0xF149F2CA, v52;
	v52 =	vld [tilespmem:$0x1FF40]  }
0x1d6: {  	vm0 =	veq.f32 v21, v30;
	v25 =	vsel vm5, v7, v25;
	v31 =	vsel vm8, $0xF149F2CA, v31  }
0x1d7: {  	v25 =	vsel vm0, v4, v25;
	v15 =	vmax.f32 v31, v32  }
0x1d8: {  	vm0 =	vmmov vm7;
	v27 =	vimm.s32 $0x0;
	v15 =	vmax.f32 v15, v34  }
0x1d9: {  	v27 =	vsel vm0, $0xFFFFFFFF, v27;
	v15 =	vmax.f32 v15, v33  }
0x1da: {  	[tilespmem:$0x1FF30] =	vst v27;
	v27 =	vperm.xlane v25, v0;
	v50 =	vperm.xlane v15, v0;
	vm0 =	vnez.u8 v52  }
0x1db: {  	v53 =	vimm.s32 $0x0;
	vm12 =	vmmov vm0;
	vm0 =	vmmov vm4  }
0x1dc: {  	v15 =	vmax.f32 v15, v50;
	v37 =	vsel vm0, $0xFFFFFFFF, v53;
	vm0 =	vlt.s32 v25, v27  }
0x1dd: {  	v25 =	vsel vm0, v25, v27;
	v27 =	vperm.xlane v15, v1;
	_ =	sdelay $0x1  }
0x1de: {  	[tilespmem:$0x1FF10] =	vst v24;
	v24 =	vmax.f32 v17, v18;
	v15 =	vmax.f32 v15, v27;
	v27 =	vld [tilespmem:$0x1FF90]  }
0x1df: {  	v24 =	vmax.f32 v24, v19  }
0x1e0: {  	v24 =	vmax.f32 v24, v20  }
0x1e1: {  	v8 =	vmov v13;
	v44 =	vperm.xlane v24, v0  }
0x1e2: {  	v23 =	vsub.f32 v8, v23;
	v58 =	vimm.s32 $0x0;
	vm0 =	vmmov vm3  }
0x1e3: {  	v24 =	vmax.f32 v24, v44;
	[tilespmem:$0x1FF40] =	vst v37;
	v37 =	vsel vm0, $0xFFFFFFFF, v58;
	vm0 =	vnez.u8 v27  }
0x1e4: {  	v54 =	vld [tilespmem:$0x1FF70];
	v27 =	vimm.s32 $0x0;
	vm14 =	vmmov vm0;
	vm0 =	vmmov vm2  }
0x1e5: {  	v23 =	vmul.f32 $1.442695020e+00, v23;
	v51 =	vperm.xlane v24, v1;
	v27 =	vsel vm0, $0xFFFFFFFF, v27  }
0x1e6: {  	v57 =	vperm.xlane v25, v1;
	[tilespmem:$0x1FF90] =	vst v27;
	v27 =	vperm.xlane v15, v2  }
0x1e7: {  	(erf) = vpow2.f32 v23;
	v59 =	vld [tilespmem:$0x1FE10];
	v55 =	vimm.s32 $0x0  }
0x1e8: {  	v24 =	vmax.f32 v24, v51;
	vm0 =	vlt.s32 v25, v57;
	v27 =	vmax.f32 v15, v27;
	v15 =	vld [tilespmem:$0x1FDF0]  }
0x1e9: {  	v56 =	vperm.xlane v24, v2;
	vm4 =	vnez.u8 v54;
	v25 =	vsel vm0, v25, v57  }
0x1ea: {  	v61 =	vld [tilespmem:$0x1FE00];
	v51 =	vsub.f32 v11, v8;
	vm5 =	vmmov vm4;
	v60 =	vperm.xlane v25, v2  }
0x1eb: {  	v24 =	vmax.f32 v24, v56;
	v50 =	vsub.f32 v10, v8;
	v35 =	vsel vm5, $0xFFFFFFFF, v55  }
0x1ec: {  	[tilespmem:$0x1FF50] =	vst v35;
	v35 =	vperm.xlane v24, v3;
	vm0 =	vnez.u8 v59;
	vm3 =	vlt.s32 v25, v60  }
0x1ed: {  	vm7 =	vmmov vm0;
	v25 =	vsel vm3, v25, v60;
	vm0 =	vnez.u8 v15  }
0x1ee: {  	v15 =	vmax.f32 v24, v35;
	v24 =	vperm.xlane v27, v3;
	vm9 =	vmmov vm0  }
0x1ef: {  	vm0 =	vnez.u8 v61;
	vm2 =	veq.f32 v18, v15;
	vm4 =	veq.f32 v19, v15  }
0x1f0: {  	vm3 =	veq.f32 v20, v15;
	vm10 =	vmmov vm0;
	v62 =	vmax.f32 v27, v24  }
0x1f1: {  	v24 =	vperm.xlane v25, v3;
	v27 =	vnsel vm3, $0x40000000, v5;
	vm5 =	veq.f32 v33, v62  }
0x1f2: {  	vm3 =	veq.f32 v34, v62;
	vm8 =	veq.f32 v32, v62;
	v63 =	vnsel vm5, $0x40000000, v5  }
0x1f3: {  	v40 =	vsel vm4, v6, v27;
	vm5 =	vlt.s32 v25, v24;
	v36 =	vsel vm3, v6, v63  }
0x1f4: {  	v24 =	vsel vm5, v25, v24;
	vm3 =	veq.f32 v31, v62;
	v25 =	vsel vm8, v7, v36  }
0x1f5: {  	vm4 =	veq.s32 v24, v4;
	v41 =	vsel vm3, v4, v25;
	v25 =	vimm.s32 $0x0  }
0x1f6: {  	vm0 =	veq.f32 v17, v15;
	vm3 =	veq.s32 v24, v7;
	v25 =	vsel vm4, $0xFFFFFFFF, v25  }
0x1f7: {  	v42 =	vperm.xlane v41, v0;
	[tilespmem:$0x1FDF0] =	vst v25;
	v25 =	vsel vm4, $0xF149F2CA, v21;
	v21 =	vimm.s32 $0x0  }
0x1f8: {  	v45 =	vld [tilespmem:$0x1FFF0];
	vm5 =	veq.s32 v24, v5;
	v26 =	vsel vm3, $0xF149F2CA, v26;
	v21 =	vsel vm3, $0xFFFFFFFF, v21  }
0x1f9: {  	vm3 =	veq.s32 v24, v6;
	vm4 =	vlt.s32 v41, v42;
	[tilespmem:$0x1FE00] =	vst v21;
	v21 =	vimm.s32 $0x0  }
0x1fa: {  	v27 =	vsel vm3, $0xF149F2CA, v16;
	v16 =	vmax.f32 v25, v26;
	v21 =	vsel vm5, $0xFFFFFFFF, v21  }
0x1fb: {  	v24 =	vsel vm5, $0xF149F2CA, v29;
	v16 =	vmax.f32 v16, v27;
	[tilespmem:$0x1FE10] =	vst v21;
	v21 =	vsel vm4, v41, v42  }
0x1fc: {  	v29 =	vsel vm2, v7, v40;
	v16 =	vmax.f32 v16, v24;
	v43 =	vperm.xlane v21, v1  }
0x1fd: {  	v29 =	vsel vm0, v4, v29;
	vm0 =	vnez.u8 v45;
	v44 =	vperm.xlane v16, v0  }
0x1fe: {  	v23 =	vmul.f32 $1.442695020e+00, v50;
	vm8 =	vmmov vm0;
	vm0 =	vlt.s32 v21, v43  }
0x1ff: {  	v46 =	vperm.xlane v29, v0;
	v16 =	vmax.f32 v16, v44;
	v21 =	vsel vm0, v21, v43  }
0x200: {  	v47 =	vimm.s32 $0x0;
	v48 =	vperm.xlane v16, v1;
	v49 =	vperm.xlane v21, v2  }
0x201: {  	(erf) = vpow2.f32 v23;
	[tilespmem:$0x1FF70] =	vst v37;
	v37 =	vmul.f32 $1.442695020e+00, v51;
	vm0 =	vlt.s32 v29, v46  }
0x202: {  	v29 =	vsel vm0, v29, v46;
	v16 =	vmax.f32 v16, v48;
	vm0 =	vlt.s32 v21, v49  }
0x203: {  	v38 =	vperm.xlane v29, v1;
	v36 =	vperm.xlane v16, v2;
	v21 =	vsel vm0, v21, v49  }
0x204: {  	v10 =	vmov v14;
	v52 =	vpop (erf);
	(erf) = vpow2.f32 v37;
	v14 =	vperm.xlane v21, v3  }
0x205: {  	vm2 =	vmmov vm3;
	vm0 =	vlt.s32 v29, v38;
	v16 =	vmax.f32 v16, v36  }
0x206: {  	v36 =	vsel vm0, v29, v38;
	v29 =	vperm.xlane v16, v3;
	vm0 =	vlt.s32 v21, v14  }
0x207: {  	v57 =	vsub.f32 v12, v8;
	v39 =	vsel vm2, $0xFFFFFFFF, v47;
	v14 =	vsel vm0, v21, v14  }
0x208: {  	v23 =	vmax.f32 v16, v29;
	vm4 =	veq.s32 v14, v4;
	vm3 =	veq.s32 v14, v7  }
0x209: {  	v11 =	vmovc v30;
	vm2 =	veq.s32 v14, v6;
	v29 =	vsel vm4, $0xF149F2CA, v31;
	v30 =	vsel vm3, $0xF149F2CA, v32  }
0x20a: {  	vm13 =	veq.s32 v14, v5;
	v31 =	vsel vm2, $0xF149F2CA, v34;
	v14 =	vmax.f32 v29, v30  }
0x20b: {  	vm0 =	veq.f32 v24, v23;
	v32 =	vsel vm13, $0xF149F2CA, v33;
	v14 =	vmax.f32 v14, v31  }
0x20c: {  	v12 =	vld [tilespmem:$0x1FD60];
	vm5 =	veq.f32 v27, v23;
	v16 =	vnsel vm0, $0x40000000, v5;
	v14 =	vmax.f32 v14, v32  }
0x20d: {  	vm0 =	veq.f32 v26, v23;
	v16 =	vsel vm5, v6, v16;
	v21 =	vperm.xlane v14, v0  }
0x20e: {  	v60 =	vsub.f32 v28, v8;
	vm5 =	veq.f32 v25, v23;
	v53 =	vsel vm0, v7, v16  }
0x20f: {  	v43 =	vsub.f32 v22, v8;
	v54 =	vsel vm5, v4, v53;
	v55 =	vmax.f32 v14, v21  }
0x210: {  	v62 =	vsub.f32 v62, v8;
	v56 =	vperm.xlane v54, v0;
	v58 =	vperm.xlane v55, v1  }
0x211: {  	v35 =	vmul.f32 $1.442695020e+00, v43;
	v38 =	vperm.xlane v36, v2;
	vm0 =	vnez.u8 v12;
	v16 =	vpop (erf)  }
0x212: {  	v14 =	vnsel vm0, $0x0, v16;
	vm0 =	vlt.s32 v54, v56;
	v59 =	vmax.f32 v55, v58  }
0x213: {  	p0 =	sne.s32 s12, $0x7E00;
	[tilespmem:$0x1FFF0] =	vst v39;
	v12 =	vmovc v23;
	v23 =	vmul.f32 $1.442695020e+00, v57;
	v34 =	vsel vm0, v54, v56;
	v39 =	vperm.xlane v59, v2  }
.Ltmp0:
0x214: {  	v33 =	vmul.f32 $1.442695020e+00, v62;
	v61 =	vperm.xlane v34, v1;
	(pc) =	sbr.rel @p0 .LBB2_2-.Ltmp0, $4  }
0x215: {  	(erf) = vpow2.f32 v23;
	v23 =	vmul.f32 $1.442695020e+00, v60;
	v41 =	vmax.f32 v59, v39  }
0x216: {  	v21 =	vadd.f32 $0.0e+00, v52;
	vm0 =	vlt.s32 v34, v61;
	v63 =	vperm.xlane v41, v3  }
0x217: {  	s12 =	sadd.s32 $0x200, s12;
	v13 =	vmovc v9;
	vm5 =	vlt.s32 v36, v38;
	(erf) = vpow2.f32 v23;
	v37 =	vsel vm0, v34, v61  }
0x218: {  	s9 =	smov.u32 s10;
	s10 =	smov.u32 s11;
	s11 =	smov.u32 s13;
	v22 =	vpop (erf);
	v28 =	vadd.f32 v16, v21;
	v39 =	vperm.xlane v37, v2;
	v34 =	vmax.f32 v41, v63  }
0x219: {  	v23 =	vsel vm5, v36, v38  }
0x21a: {  	v36 =	vperm.xlane v23, v3;
	_ =	sdelay $0x1  }
0x21b: {  	vm0 =	vlt.s32 v23, v36  }
0x21c: {  	v52 =	vimm.s32 $0x0;
	v56 =	vimm.s32 $0x0;
	v23 =	vsel vm0, v23, v36  }
0x21d: {  	vm15 =	veq.s32 v23, v4;
	vm0 =	veq.s32 v23, v7;
	vm5 =	veq.s32 v23, v6  }
0x21e: {  	v36 =	vsel vm15, $0xFFFFFFFF, v52;
	v17 =	vsel vm15, $0xF149F2CA, v17;
	v18 =	vsel vm0, $0xF149F2CA, v18  }
0x21f: {  	v19 =	vsel vm5, $0xF149F2CA, v19;
	vm15 =	veq.s32 v23, v5;
	v55 =	vmax.f32 v17, v18  }
0x220: {  	v23 =	vsel vm15, $0xFFFFFFFF, v56;
	v20 =	vsel vm15, $0xF149F2CA, v20;
	v57 =	vmax.f32 v55, v19  }
0x221: {  	[tilespmem:$0x1FA20] =	vst v23;
	v23 =	vmax.f32 v57, v20  }
0x222: {  	v53 =	vimm.s32 $0x0;
	v58 =	vperm.xlane v23, v0  }
0x223: {  	v54 =	vimm.s32 $0x0;
	[tilespmem:$0x1FB30] =	vst v36;
	v36 =	vsel vm0, $0xFFFFFFFF, v53  }
0x224: {  	[tilespmem:$0x1FB90] =	vst v36;
	v36 =	vsel vm5, $0xFFFFFFFF, v54;
	v23 =	vmax.f32 v23, v58  }
0x225: {  	[tilespmem:$0x1FBE0] =	vst v36;
	v36 =	vperm.xlane v23, v1;
	_ =	sdelay $0x1  }
0x226: {  	v23 =	vmax.f32 v23, v36  }
0x227: {  	v36 =	vperm.xlane v23, v2;
	_ =	sdelay $0x1  }
0x228: {  	v23 =	vmax.f32 v23, v36  }
0x229: {  	v36 =	vperm.xlane v23, v3;
	_ =	sdelay $0x1  }
0x22a: {  	v23 =	vmax.f32 v23, v36  }
0x22b: {  	vm0 =	veq.f32 v20, v23  }
0x22c: {  	vm5 =	veq.f32 v19, v23;
	v59 =	vnsel vm0, $0x40000000, v5  }
0x22d: {  	vm15 =	veq.f32 v18, v23;
	v36 =	vsel vm5, v6, v59  }
0x22e: {  	vm5 =	veq.f32 v17, v23;
	v36 =	vsel vm15, v7, v36  }
0x22f: {  	v36 =	vsel vm5, v4, v36  }
0x230: {  	v60 =	vperm.xlane v36, v0;
	_ =	sdelay $0x1  }
0x231: {  	vm0 =	vlt.s32 v36, v60  }
0x232: {  	v36 =	vsel vm0, v36, v60  }
0x233: {  	v38 =	vperm.xlane v36, v1;
	_ =	sdelay $0x1  }
0x234: {  	vm0 =	vlt.s32 v36, v38  }
0x235: {  	v36 =	vsel vm0, v36, v38  }
0x236: {  	v38 =	vperm.xlane v36, v2;
	_ =	sdelay $0x1  }
0x237: {  	vm0 =	vlt.s32 v36, v38  }
0x238: {  	v36 =	vsel vm0, v36, v38  }
0x239: {  	v38 =	vperm.xlane v36, v3;
	_ =	sdelay $0x1  }
0x23a: {  	vm0 =	vlt.s32 v36, v38  }
0x23b: {  	v36 =	vsel vm0, v36, v38  }
0x23c: {  	v61 =	vimm.s32 $0x0;
	v40 =	vimm.s32 $0x0;
	vm15 =	veq.s32 v36, v4  }
0x23d: {  	vm0 =	veq.s32 v36, v7;
	vm5 =	veq.s32 v36, v6;
	v38 =	vsel vm15, $0xFFFFFFFF, v61  }
0x23e: {  	v63 =	vsel vm15, $0xF149F2CA, v17;
	v18 =	vsel vm0, $0xF149F2CA, v18;
	v17 =	vsel vm5, $0xFFFFFFFF, v40  }
0x23f: {  	v19 =	vsel vm5, $0xF149F2CA, v19;
	vm15 =	veq.s32 v36, v5;
	v41 =	vmax.f32 v63, v18  }
0x240: {  	[tilespmem:$0x1FAB0] =	vst v17;
	v20 =	vsel vm15, $0xF149F2CA, v20;
	v17 =	vmax.f32 v41, v19  }
0x241: {  	v17 =	vmax.f32 v17, v20  }
0x242: {  	v43 =	vperm.xlane v17, v0  }
0x243: {  	v42 =	vimm.s32 $0x0  }
0x244: {  	v36 =	vsel vm15, $0xFFFFFFFF, v42;
	v17 =	vmax.f32 v17, v43  }
0x245: {  	[tilespmem:$0x1FA30] =	vst v36;
	v36 =	vperm.xlane v17, v1;
	_ =	sdelay $0x1  }
0x246: {  	v17 =	vmax.f32 v17, v36  }
0x247: {  	v36 =	vperm.xlane v17, v2;
	_ =	sdelay $0x1  }
0x248: {  	v17 =	vmax.f32 v17, v36  }
0x249: {  	v36 =	vperm.xlane v17, v3;
	_ =	sdelay $0x1  }
0x24a: {  	v62 =	vimm.s32 $0x0;
	v17 =	vmax.f32 v17, v36  }
0x24b: {  	[tilespmem:$0x1FA40] =	vst v38;
	v38 =	vsel vm0, $0xFFFFFFFF, v62;
	vm0 =	veq.f32 v20, v17  }
0x24c: {  	vm5 =	veq.f32 v19, v17;
	v44 =	vnsel vm0, $0x40000000, v5  }
0x24d: {  	vm15 =	veq.f32 v18, v17;
	v36 =	vsel vm5, v6, v44  }
0x24e: {  	vm5 =	veq.f32 v63, v17;
	v36 =	vsel vm15, v7, v36  }
0x24f: {  	v36 =	vsel vm5, v4, v36  }
0x250: {  	v40 =	vperm.xlane v36, v0;
	_ =	sdelay $0x1  }
0x251: {  	vm0 =	vlt.s32 v36, v40  }
0x252: {  	v36 =	vsel vm0, v36, v40  }
0x253: {  	v40 =	vperm.xlane v36, v1;
	_ =	sdelay $0x1  }
0x254: {  	vm0 =	vlt.s32 v36, v40  }
0x255: {  	v36 =	vsel vm0, v36, v40  }
0x256: {  	v40 =	vperm.xlane v36, v2;
	_ =	sdelay $0x1  }
0x257: {  	vm0 =	vlt.s32 v36, v40  }
0x258: {  	v36 =	vsel vm0, v36, v40  }
0x259: {  	v40 =	vperm.xlane v36, v3;
	_ =	sdelay $0x1  }
0x25a: {  	vm0 =	vlt.s32 v36, v40  }
0x25b: {  	v45 =	vimm.s32 $0x0;
	v36 =	vsel vm0, v36, v40  }
0x25c: {  	[tilespmem:$0x1FAA0] =	vst v38;
	vm15 =	veq.s32 v36, v4;
	vm0 =	veq.s32 v36, v7;
	vm5 =	veq.s32 v36, v6  }
0x25d: {  	[tilespmem:$0x1F9E0] =	vst v17;
	v17 =	vsel vm15, $0xFFFFFFFF, v45;
	v38 =	vsel vm15, $0xF149F2CA, v63;
	v18 =	vsel vm0, $0xF149F2CA, v18  }
0x25e: {  	v48 =	vsel vm5, $0xF149F2CA, v19;
	vm15 =	veq.s32 v36, v5;
	v49 =	vmax.f32 v38, v18  }
0x25f: {  	v20 =	vsel vm15, $0xF149F2CA, v20;
	v19 =	vmax.f32 v49, v48  }
0x260: {  	v19 =	vmax.f32 v19, v20  }
0x261: {  	v51 =	vperm.xlane v19, v0;
	_ =	sdelay $0x1  }
0x262: {  	v19 =	vmax.f32 v19, v51  }
0x263: {  	v36 =	vperm.xlane v19, v1;
	_ =	sdelay $0x1  }
0x264: {  	v19 =	vmax.f32 v19, v36  }
0x265: {  	v46 =	vimm.s32 $0x0;
	v36 =	vperm.xlane v19, v2  }
0x266: {  	v47 =	vimm.s32 $0x0;
	[tilespmem:$0x1FC40] =	vst v17;
	v17 =	vsel vm0, $0xFFFFFFFF, v46  }
0x267: {  	[tilespmem:$0x1FC80] =	vst v17;
	v17 =	vsel vm5, $0xFFFFFFFF, v47;
	vm5 =	vlt.s32 v37, v39;
	v19 =	vmax.f32 v19, v36  }
0x268: {  	v37 =	vsel vm5, v37, v39;
	v36 =	vperm.xlane v19, v3  }
0x269: {  	v50 =	vimm.s32 $0x0;
	v56 =	vimm.s32 $0x0;
	v52 =	vperm.xlane v37, v3  }
0x26a: {  	v55 =	vimm.s32 $0x0;
	v57 =	vimm.s32 $0x0;
	v58 =	vmax.f32 v19, v36  }
0x26b: {  	[tilespmem:$0x1FCD0] =	vst v17;
	v17 =	vsel vm15, $0xFFFFFFFF, v50;
	vm0 =	vlt.s32 v37, v52;
	vm15 =	veq.f32 v20, v58  }
0x26c: {  	v36 =	vsel vm0, v37, v52;
	vm5 =	veq.f32 v48, v58;
	v53 =	vnsel vm15, $0x40000000, v5  }
0x26d: {  	vm0 =	veq.s32 v36, v4;
	vm15 =	veq.f32 v18, v58;
	v39 =	vsel vm5, v6, v53  }
0x26e: {  	v25 =	vsel vm0, $0xF149F2CA, v25;
	vm5 =	veq.s32 v36, v6;
	v54 =	vsel vm15, v7, v39  }
0x26f: {  	[tilespmem:$0x1FA70] =	vst v17;
	v17 =	vsel vm5, $0xFFFFFFFF, v55;
	vm15 =	veq.s32 v36, v7;
	v27 =	vsel vm5, $0xF149F2CA, v27  }
0x270: {  	vm5 =	veq.s32 v36, v5;
	[tilespmem:$0x1F970] =	vst v17;
	v17 =	vsel vm0, $0xFFFFFFFF, v56;
	v26 =	vsel vm15, $0xF149F2CA, v26  }
0x271: {  	[tilespmem:$0x1F950] =	vst v17;
	v17 =	vsel vm15, $0xFFFFFFFF, v57;
	v59 =	vmax.f32 v25, v26;
	vm15 =	veq.f32 v38, v58  }
0x272: {  	v24 =	vsel vm5, $0xF149F2CA, v24;
	v61 =	vsel vm15, v4, v54;
	v62 =	vmax.f32 v59, v27  }
0x273: {  	v37 =	vmax.f32 v62, v24;
	v63 =	vperm.xlane v61, v0  }
0x274: {  	v41 =	vperm.xlane v37, v0  }
0x275: {  	v60 =	vimm.s32 $0x0;
	vm0 =	vlt.s32 v61, v63  }
0x276: {  	[tilespmem:$0x1F960] =	vst v17;
	v17 =	vsel vm5, $0xFFFFFFFF, v60;
	v36 =	vsel vm0, v61, v63;
	v37 =	vmax.f32 v37, v41  }
0x277: {  	[tilespmem:$0x1F930] =	vst v17;
	v17 =	vperm.xlane v37, v1;
	v19 =	vperm.xlane v36, v1;
	_ =	sdelay $0x1  }
0x278: {  	v37 =	vmax.f32 v37, v17;
	vm0 =	vlt.s32 v36, v19  }
0x279: {  	v36 =	vsel vm0, v36, v19;
	v39 =	vperm.xlane v37, v2  }
0x27a: {  	v41 =	vperm.xlane v36, v2  }
0x27b: {  	v37 =	vmax.f32 v37, v39  }
0x27c: {  	v39 =	vperm.xlane v37, v3;
	vm0 =	vlt.s32 v36, v41  }
0x27d: {  	v41 =	vsel vm0, v36, v41  }
0x27e: {  	v36 =	vmax.f32 v37, v39;
	v43 =	vperm.xlane v41, v3  }
0x27f: {  	v45 =	vimm.s32 $0x0;
	vm5 =	veq.f32 v24, v36  }
0x280: {  	vm0 =	veq.f32 v27, v36;
	v44 =	vnsel vm5, $0x40000000, v5;
	vm15 =	vlt.s32 v41, v43  }
0x281: {  	vm5 =	veq.f32 v26, v36;
	v39 =	vsel vm0, v6, v44;
	v37 =	vsel vm15, v41, v43  }
0x282: {  	v46 =	vimm.s32 $0x0;
	v39 =	vsel vm5, v7, v39;
	vm5 =	veq.s32 v37, v4  }
0x283: {  	v47 =	vimm.s32 $0x0;
	vm15 =	veq.s32 v37, v7;
	v17 =	vsel vm5, $0xFFFFFFFF, v45  }
0x284: {  	v38 =	vsel vm5, $0xF149F2CA, v38;
	v18 =	vsel vm15, $0xF149F2CA, v18;
	vm5 =	veq.s32 v37, v6  }
0x285: {  	[tilespmem:$0x1FCF0] =	vst v17;
	v17 =	vsel vm15, $0xFFFFFFFF, v46;
	v40 =	vsel vm5, $0xF149F2CA, v48;
	v48 =	vmax.f32 v38, v18  }
0x286: {  	vm15 =	veq.s32 v37, v5;
	[tilespmem:$0x1FD00] =	vst v17;
	v17 =	vsel vm5, $0xFFFFFFFF, v47;
	vm5 =	veq.f32 v25, v36  }
0x287: {  	v42 =	vsel vm15, $0xF149F2CA, v20;
	v50 =	vmax.f32 v48, v40;
	v51 =	vsel vm5, v4, v39  }
0x288: {  	v20 =	vmax.f32 v50, v42;
	v39 =	vperm.xlane v51, v0  }
0x289: {  	v52 =	vperm.xlane v20, v0  }
0x28a: {  	vm0 =	vlt.s32 v51, v39  }
0x28b: {  	v20 =	vmax.f32 v20, v52;
	v37 =	vsel vm0, v51, v39  }
0x28c: {  	v53 =	vperm.xlane v20, v1;
	v54 =	vperm.xlane v37, v1;
	_ =	sdelay $0x1  }
0x28d: {  	v20 =	vmax.f32 v20, v53;
	vm0 =	vlt.s32 v37, v54  }
0x28e: {  	v39 =	vperm.xlane v20, v2;
	v37 =	vsel vm0, v37, v54  }
0x28f: {  	v41 =	vperm.xlane v37, v2  }
0x290: {  	v20 =	vmax.f32 v20, v39  }
0x291: {  	v39 =	vperm.xlane v20, v3;
	vm0 =	vlt.s32 v37, v41  }
0x292: {  	v49 =	vimm.s32 $0x0;
	v37 =	vsel vm0, v37, v41  }
0x293: {  	v59 =	vimm.s32 $0x0;
	v20 =	vmax.f32 v20, v39;
	v55 =	vperm.xlane v37, v3  }
0x294: {  	v60 =	vimm.s32 $0x0;
	[tilespmem:$0x1FD10] =	vst v17;
	v17 =	vsel vm15, $0xFFFFFFFF, v49;
	vm15 =	veq.f32 v42, v20  }
0x295: {  	vm5 =	veq.f32 v40, v20;
	v56 =	vnsel vm15, $0x40000000, v5;
	vm0 =	vlt.s32 v37, v55  }
0x296: {  	vm15 =	veq.f32 v18, v20;
	v41 =	vsel vm5, v6, v56;
	v37 =	vsel vm0, v37, v55  }
0x297: {  	v57 =	vsel vm15, v7, v41;
	vm5 =	veq.s32 v37, v4;
	vm15 =	veq.s32 v37, v7  }
0x298: {  	[tilespmem:$0x1FA60] =	vst v17;
	vm0 =	veq.s32 v37, v6;
	v17 =	vsel vm5, $0xFFFFFFFF, v59;
	v25 =	vsel vm5, $0xF149F2CA, v25  }
0x299: {  	v26 =	vsel vm15, $0xF149F2CA, v26;
	v27 =	vsel vm0, $0xF149F2CA, v27;
	vm5 =	veq.s32 v37, v5  }
0x29a: {  	[tilespmem:$0x1F980] =	vst v17;
	v17 =	vsel vm15, $0xFFFFFFFF, v60;
	v62 =	vmax.f32 v25, v26;
	vm15 =	veq.f32 v38, v20  }
0x29b: {  	v39 =	vsel vm5, $0xF149F2CA, v24;
	v19 =	vsel vm15, v4, v57;
	v44 =	vmax.f32 v62, v27  }
0x29c: {  	v24 =	vmax.f32 v44, v39;
	v45 =	vperm.xlane v19, v0  }
0x29d: {  	v61 =	vimm.s32 $0x0;
	v43 =	vperm.xlane v24, v0  }
0x29e: {  	[tilespmem:$0x1F990] =	vst v17;
	v17 =	vsel vm0, $0xFFFFFFFF, v61;
	vm0 =	vlt.s32 v19, v45  }
0x29f: {  	v37 =	vsel vm0, v19, v45;
	v24 =	vmax.f32 v24, v43  }
0x2a0: {  	v46 =	vperm.xlane v24, v1;
	v47 =	vperm.xlane v37, v1;
	_ =	sdelay $0x1  }
0x2a1: {  	v24 =	vmax.f32 v24, v46;
	vm0 =	vlt.s32 v37, v47  }
0x2a2: {  	v37 =	vsel vm0, v37, v47;
	v41 =	vperm.xlane v24, v2  }
0x2a3: {  	v8 =	vsub.f32 v34, v8;
	v43 =	vperm.xlane v37, v2  }
0x2a4: {  	(erf) = vpow2.f32 v35;
	v9 =	vsub.f32 v13, v9;
	v24 =	vmax.f32 v24, v41  }
0x2a5: {  	v10 =	vsub.f32 v10, v13;
	v41 =	vperm.xlane v24, v3;
	vm0 =	vlt.s32 v37, v43  }
0x2a6: {  	v11 =	vsub.f32 v11, v13;
	(erf) = vpow2.f32 v33;
	v43 =	vsel vm0, v37, v43  }
0x2a7: {  	v63 =	vimm.s32 $0x0;
	v37 =	vmax.f32 v24, v41;
	v48 =	vperm.xlane v43, v3  }
0x2a8: {  	v50 =	vimm.s32 $0x0;
	[tilespmem:$0x1F9A0] =	vst v17;
	v17 =	vsel vm5, $0xFFFFFFFF, v63;
	vm5 =	veq.f32 v39, v37  }
0x2a9: {  	vm0 =	veq.f32 v27, v37;
	v49 =	vnsel vm5, $0x40000000, v5;
	vm15 =	vlt.s32 v43, v48  }
0x2aa: {  	vm5 =	veq.f32 v26, v37;
	v41 =	vsel vm0, v6, v49;
	v24 =	vsel vm15, v43, v48  }
0x2ab: {  	v51 =	vimm.s32 $0x0;
	v41 =	vsel vm5, v7, v41;
	vm5 =	veq.s32 v24, v4  }
0x2ac: {  	v53 =	vimm.s32 $0x0;
	[tilespmem:$0x1F940] =	vst v17;
	vm15 =	veq.f32 v25, v37;
	v17 =	vsel vm5, $0xFFFFFFFF, v50  }
0x2ad: {  	v41 =	vsel vm15, v4, v41;
	v38 =	vsel vm5, $0xF149F2CA, v38;
	vm5 =	veq.s32 v24, v7  }
0x2ae: {  	vm15 =	veq.s32 v24, v6;
	[tilespmem:$0x1FD20] =	vst v17;
	v17 =	vsel vm5, $0xFFFFFFFF, v51;
	v52 =	vperm.xlane v41, v0  }
0x2af: {  	v18 =	vsel vm5, $0xF149F2CA, v18;
	v40 =	vsel vm15, $0xF149F2CA, v40;
	vm5 =	veq.s32 v24, v5  }
0x2b0: {  	[tilespmem:$0x1FD30] =	vst v17;
	v17 =	vsel vm15, $0xFFFFFFFF, v53;
	v44 =	vmax.f32 v38, v18;
	vm15 =	vlt.s32 v41, v52  }
0x2b1: {  	v42 =	vsel vm5, $0xF149F2CA, v42;
	v55 =	vmax.f32 v44, v40;
	v41 =	vsel vm15, v41, v52  }
0x2b2: {  	v8 =	vmul.f32 $1.442695020e+00, v8;
	v24 =	vmax.f32 v55, v42;
	v43 =	vperm.xlane v41, v1  }
0x2b3: {  	v12 =	vsub.f32 v12, v13;
	v9 =	vmul.f32 $1.442695020e+00, v9;
	v56 =	vperm.xlane v24, v0  }
0x2b4: {  	v10 =	vmul.f32 $1.442695020e+00, v10;
	v11 =	vmul.f32 $1.442695020e+00, v11;
	vm0 =	vlt.s32 v41, v43  }
0x2b5: {  	v54 =	vimm.s32 $0x0;
	v24 =	vmax.f32 v24, v56;
	v41 =	vsel vm0, v41, v43  }
0x2b6: {  	v62 =	vimm.s32 $0x0;
	v57 =	vperm.xlane v24, v1;
	v59 =	vperm.xlane v41, v2  }
0x2b7: {  	v45 =	vimm.s32 $0x0;
	v49 =	vnsel vm6, $0x0, v21;
	[tilespmem:$0x1FD40] =	vst v17;
	v17 =	vsel vm5, $0xFFFFFFFF, v54  }
0x2b8: {  	vm5 =	veq.f32 v32, v34;
	v24 =	vmax.f32 v24, v57;
	vm0 =	vlt.s32 v41, v59  }
0x2b9: {  	v44 =	vimm.s32 $0x0;
	v43 =	vperm.xlane v24, v2;
	v41 =	vsel vm0, v41, v59  }
0x2ba: {  	v32 =	vnsel vm5, $0x40000000, v5;
	vm5 =	veq.f32 v31, v34;
	v60 =	vperm.xlane v41, v3  }
0x2bb: {  	v54 =	vnsel vm7, $0x0, v22;
	v31 =	vsel vm5, v6, v32;
	v24 =	vmax.f32 v24, v43  }
0x2bc: {  	vm0 =	veq.f32 v30, v34;
	v61 =	vperm.xlane v24, v3;
	vm15 =	vlt.s32 v41, v60  }
0x2bd: {  	v30 =	vsel vm0, v7, v31;
	vm0 =	veq.f32 v29, v34;
	v41 =	vsel vm15, v41, v60  }
0x2be: {  	v29 =	vsel vm0, v4, v30;
	v24 =	vmax.f32 v24, v61;
	vm5 =	veq.s32 v41, v4  }
0x2bf: {  	[tilespmem:$0x1FA80] =	vst v17;
	v52 =	vperm.xlane v29, v0;
	vm15 =	veq.f32 v42, v24;
	v17 =	vsel vm5, $0xFFFFFFFF, v62  }
0x2c0: {  	v63 =	vnsel vm15, $0x40000000, v5;
	v25 =	vsel vm5, $0xF149F2CA, v25;
	vm15 =	veq.s32 v41, v7  }
0x2c1: {  	vm5 =	veq.s32 v41, v6;
	[tilespmem:$0x1F9B0] =	vst v17;
	v17 =	vsel vm15, $0xFFFFFFFF, v44;
	v26 =	vsel vm15, $0xF149F2CA, v26  }
0x2c2: {  	vm15 =	veq.s32 v41, v5;
	v27 =	vsel vm5, $0xF149F2CA, v27;
	[tilespmem:$0x1F9C0] =	vst v17;
	v17 =	vsel vm5, $0xFFFFFFFF, v45  }
0x2c3: {  	v43 =	vsel vm15, $0xF149F2CA, v39;
	v46 =	vmax.f32 v25, v26;
	vm5 =	veq.f32 v40, v24  }
0x2c4: {  	v39 =	vmax.f32 v46, v27;
	v47 =	vsel vm5, v6, v63;
	vm5 =	veq.f32 v18, v24  }
0x2c5: {  	vm6 =	veq.f32 v38, v24;
	v48 =	vmax.f32 v39, v43;
	v50 =	vsel vm5, v7, v47  }
0x2c6: {  	vm7 =	vlt.s32 v29, v52;
	v39 =	vperm.xlane v48, v0;
	v30 =	vsel vm6, v4, v50  }
0x2c7: {  	v12 =	vmul.f32 $1.442695020e+00, v12;
	v29 =	vsel vm7, v29, v52;
	v55 =	vperm.xlane v30, v0  }
0x2c8: {  	(erf) = vpow2.f32 v8;
	v59 =	vperm.xlane v29, v1;
	v63 =	vld [tilespmem:$0x1FDA0];
	v51 =	vmax.f32 v48, v39  }
0x2c9: {  	v53 =	vnsel vm12, $0x0, v16;
	v44 =	vpop (erf);
	v39 =	vperm.xlane v51, v1;
	vm12 =	vlt.s32 v30, v55  }
0x2ca: {  	v34 =	vadd.f32 v22, v28;
	v45 =	vpop (erf);
	vm5 =	vlt.s32 v29, v59;
	v30 =	vsel vm12, v30, v55  }
0x2cb: {  	v29 =	vsel vm5, v29, v59;
	v46 =	vpop (erf);
	v31 =	vmax.f32 v51, v39;
	v60 =	vperm.xlane v30, v1  }
0x2cc: {  	v56 =	vnsel vm11, $0x0, v44;
	v62 =	vperm.xlane v29, v2;
	v48 =	vpop (erf);
	v57 =	vperm.xlane v31, v2  }
0x2cd: {  	vm7 =	vnez.u8 v63;
	v59 =	vnsel vm13, $0x0, v48;
	vm6 =	vlt.s32 v30, v60  }
0x2ce: {  	vm12 =	vlt.s32 v29, v62;
	v31 =	vmax.f32 v31, v57;
	v8 =	vsel vm6, v30, v60  }
0x2cf: {  	[tilespmem:$0x1F9D0] =	vst v17;
	v29 =	vsel vm12, v29, v62;
	v61 =	vperm.xlane v31, v3;
	v17 =	vperm.xlane v8, v2  }
0x2d0: {  	v63 =	vnsel vm14, $0x0, v16;
	v35 =	vnsel vm7, $0x0, v45;
	v41 =	vperm.xlane v29, v3  }
0x2d1: {  	v51 =	vnsel vm1, $0x0, v46;
	v52 =	vmax.f32 v31, v61;
	vm12 =	vlt.s32 v8, v17  }
0x2d2: {  	vm7 =	vlt.s32 v29, v41;
	vm11 =	veq.f32 v43, v52;
	v8 =	vsel vm12, v8, v17  }
0x2d3: {  	v19 =	vnsel vm11, $0x40000000, v5;
	vm11 =	veq.f32 v27, v52;
	v47 =	vperm.xlane v8, v3  }
0x2d4: {  	[tilespmem:$0x1FA90] =	vst v51;
	v51 =	vsel vm7, v29, v41;
	vm5 =	veq.f32 v26, v52;
	v39 =	vsel vm11, v6, v19  }
0x2d5: {  	[tilespmem:$0x1FA00] =	vst v53;
	vm6 =	veq.f32 v25, v52;
	v30 =	vsel vm5, v7, v39;
	vm11 =	vlt.s32 v8, v47  }
0x2d6: {  	[tilespmem:$0x1FA50] =	vst v56;
	v56 =	vpop (erf);
	v57 =	vld [tilespmem:$0x1FF10];
	vm12 =	veq.s32 v51, v5;
	v30 =	vsel vm6, v4, v30;
	v60 =	vsel vm11, v8, v47  }
0x2d7: {  	[tilespmem:$0x1FAC0] =	vst v59;
	v59 =	vld [tilespmem:$0x1FEF0];
	v8 =	vnsel vm12, $0x0, v56;
	v53 =	vperm.xlane v30, v0;
	vm12 =	veq.s32 v60, v5  }
0x2d8: {  	[tilespmem:$0x1FA10] =	vst v54;
	vm1 =	veq.s32 v60, v4;
	vm6 =	veq.s32 v60, v7;
	v54 =	vsel vm12, $0xF149F2CA, v42;
	v42 =	vld [tilespmem:$0x1FF50]  }
0x2d9: {  	[tilespmem:$0x1FB00] =	vst v8;
	vm7 =	veq.s32 v60, v6;
	v8 =	vsel vm1, $0xF149F2CA, v38;
	v18 =	vsel vm6, $0xF149F2CA, v18;
	v38 =	vld [tilespmem:$0x1FE80]  }
0x2da: {  	v55 =	vsel vm7, $0xF149F2CA, v40;
	vm13 =	vlt.s32 v30, v53;
	v61 =	vmax.f32 v8, v18  }
0x2db: {  	v33 =	vld [tilespmem:$0x1FEC0];
	vm11 =	vnez.u8 v57;
	v29 =	vsel vm13, v30, v53;
	v62 =	vmax.f32 v61, v55  }
0x2dc: {  	v60 =	vnsel vm9, $0x0, v22;
	v53 =	vld [tilespmem:$0x1FED0];
	v30 =	vperm.xlane v29, v1;
	v31 =	vmax.f32 v62, v54  }
0x2dd: {  	vm13 =	vnez.u8 v59;
	v62 =	vnsel vm10, $0x0, v22;
	v50 =	vperm.xlane v31, v0  }
0x2de: {  	vm0 =	vlt.s32 v29, v30;
	vm14 =	vnez.u8 v42;
	vm9 =	vnez.u8 v38  }
0x2df: {  	v42 =	vsub.f32 v36, v13;
	v29 =	vsel vm0, v29, v30;
	v47 =	vnsel vm14, $0x0, v16  }
0x2e0: {  	[tilespmem:$0x1F9F0] =	vst v49;
	v61 =	vmax.f32 v31, v50;
	v30 =	vnsel vm8, $0x0, v22;
	v31 =	vld [tilespmem:$0x1FEA0];
	v49 =	vperm.xlane v29, v2  }
0x2e1: {  	[tilespmem:$0x1FAE0] =	vst v63;
	vm8 =	vnez.u8 v33;
	v22 =	vadd.f32 v44, v34;
	vm5 =	vnez.u8 v53  }
0x2e2: {  	v63 =	vperm.xlane v61, v1;
	[tilespmem:$0x1FB60] =	vst v30;
	v17 =	vnsel vm5, $0x0, v21;
	vm14 =	vlt.s32 v29, v49  }
0x2e3: {  	v22 =	vadd.f32 v45, v22;
	[tilespmem:$0x1FAD0] =	vst v17;
	v17 =	vnsel vm11, $0x0, v21;
	v16 =	vsel vm14, v29, v49  }
0x2e4: {  	v30 =	vnsel vm2, $0x0, v48;
	[tilespmem:$0x1FAF0] =	vst v17;
	v17 =	vnsel vm13, $0x0, v21;
	v32 =	vperm.xlane v16, v3  }
0x2e5: {  	[tilespmem:$0x1FB10] =	vst v47;
	v21 =	vmax.f32 v61, v63;
	v22 =	vadd.f32 v46, v22;
	vm5 =	vnez.u8 v31  }
0x2e6: {  	v39 =	vld [tilespmem:$0x1FD70];
	[tilespmem:$0x1FB20] =	vst v17;
	v47 =	vperm.xlane v21, v2;
	v17 =	vnsel vm5, $0x0, v44;
	vm10 =	vlt.s32 v16, v32  }
0x2e7: {  	v22 =	vadd.f32 v48, v22;
	[tilespmem:$0x1FB70] =	vst v17;
	v17 =	vnsel vm8, $0x0, v44;
	v16 =	vsel vm10, v16, v32  }
0x2e8: {  	v57 =	vld [tilespmem:$0x1FDC0];
	v21 =	vmax.f32 v21, v47;
	[tilespmem:$0x1FB80] =	vst v17;
	v17 =	vnsel vm9, $0x0, v44;
	vm9 =	veq.s32 v16, v4  }
0x2e9: {  	v47 =	vld [tilespmem:$0x1FD90];
	vm8 =	veq.s32 v16, v7;
	vm5 =	veq.s32 v16, v6;
	vm10 =	veq.s32 v16, v5  }
0x2ea: {  	v25 =	vsel vm9, $0xF149F2CA, v25;
	v26 =	vsel vm8, $0xF149F2CA, v26;
	v16 =	vsel vm10, $0xF149F2CA, v43;
	v43 =	vld [tilespmem:$0x1FD80]  }
0x2eb: {  	vm11 =	vnez.u8 v39;
	v50 =	vsel vm5, $0xF149F2CA, v27;
	v40 =	vmax.f32 v25, v26  }
0x2ec: {  	v59 =	vld [tilespmem:$0x1FDD0];
	v41 =	vperm.xlane v21, v3;
	v22 =	vadd.f32 v56, v22;
	v27 =	vmax.f32 v40, v50  }
0x2ed: {  	[tilespmem:$0x1FBA0] =	vst v17;
	v17 =	vnsel vm11, $0x0, v45;
	vm11 =	vnez.u8 v57;
	v27 =	vmax.f32 v27, v16  }
0x2ee: {  	v53 =	vmax.f32 v21, v41;
	(erf) = vrcp.f32 v22;
	v49 =	vperm.xlane v27, v0  }
0x2ef: {  	[tilespmem:$0x1FB40] =	vst v60;
	v61 =	vld [tilespmem:$0x1FDE0];
	(erf) = vpow2.f32 v9;
	vm14 =	vnez.u8 v47;
	vm13 =	vnez.u8 v43  }
0x2f0: {  	[tilespmem:$0x1FBB0] =	vst v17;
	v17 =	vnsel vm13, $0x0, v45;
	vm13 =	veq.f32 v54, v53;
	v21 =	vmax.f32 v27, v49  }
0x2f1: {  	[tilespmem:$0x1FBC0] =	vst v17;
	v17 =	vnsel vm14, $0x0, v45;
	vm14 =	vnez.u8 v59;
	v60 =	vnsel vm13, $0x40000000, v5  }
0x2f2: {  	v27 =	vperm.xlane v21, v1;
	vm13 =	veq.f32 v55, v53;
	[tilespmem:$0x1FBD0] =	vst v17;
	v17 =	vnsel vm11, $0x0, v46  }
0x2f3: {  	v47 =	vsel vm13, v6, v60;
	vm13 =	veq.f32 v18, v53;
	[tilespmem:$0x1FBF0] =	vst v17;
	v17 =	vnsel vm14, $0x0, v46  }
0x2f4: {  	vm14 =	vnez.u8 v61;
	v47 =	vsel vm13, v7, v47;
	v21 =	vmax.f32 v21, v27  }
0x2f5: {  	[tilespmem:$0x1FC00] =	vst v17;
	v17 =	vnsel vm14, $0x0, v46;
	v27 =	vperm.xlane v21, v2;
	vm14 =	veq.f32 v8, v53  }
0x2f6: {  	v63 =	vnsel vm4, $0x0, v48;
	(erf) = vpow2.f32 v10;
	v49 =	vsel vm14, v4, v47  }
0x2f7: {  	[tilespmem:$0x1FB50] =	vst v62;
	(erf) = vpow2.f32 v11;
	v21 =	vmax.f32 v21, v27;
	v62 =	vperm.xlane v49, v0  }
0x2f8: {  	(erf) = vpow2.f32 v12;
	vm11 =	veq.s32 v51, v4;
	v57 =	vperm.xlane v21, v3  }
0x2f9: {  	v31 =	vnsel vm11, $0x0, v56;
	v46 =	vmul.f32 $1.442695020e+00, v42;
	vm0 =	vlt.s32 v49, v62  }
0x2fa: {  	v42 =	vsub.f32 v37, v13;
	v28 =	vsel vm0, v49, v62;
	v10 =	vmax.f32 v21, v57  }
0x2fb: {  	vm14 =	veq.s32 v51, v7;
	v29 =	vperm.xlane v28, v1;
	vm13 =	veq.f32 v16, v10  }
0x2fc: {  	v27 =	vnsel vm3, $0x0, v48;
	vm11 =	veq.f32 v50, v10;
	v32 =	vnsel vm13, $0x40000000, v5  }
0x2fd: {  	v40 =	vld [tilespmem:$0x1FDB0];
	vm4 =	veq.f32 v26, v10;
	vm13 =	vlt.s32 v28, v29;
	v16 =	vsel vm11, v6, v32  }
0x2fe: {  	vm11 =	veq.f32 v25, v10;
	v21 =	vsel vm13, v28, v29;
	v39 =	vsel vm4, v7, v16  }
0x2ff: {  	v33 =	vnsel vm14, $0x0, v56;
	v34 =	vperm.xlane v21, v2;
	v16 =	vsel vm11, v4, v39  }
0x300: {  	vm14 =	veq.s32 v51, v6;
	(erf) = vpow2.f32 v46;
	v29 =	vld [tilespmem:$0x1FF30];
	v43 =	vperm.xlane v16, v0  }
0x301: {  	v46 =	vsub.f32 v52, v13;
	v38 =	vnsel vm14, $0x0, v56;
	vm13 =	vlt.s32 v21, v34  }
0x302: {  	vm14 =	vnez.u8 v40;
	v32 =	vld [tilespmem:$0x1F930];
	v28 =	vpop (erf);
	v21 =	vsel vm13, v21, v34;
	vm4 =	vlt.s32 v16, v43  }
0x303: {  	[tilespmem:$0x1FC50] =	vst v30;
	vm0 =	vmmov vm14;
	v41 =	vpop (erf);
	v45 =	vperm.xlane v21, v3;
	v16 =	vsel vm4, v16, v43  }
0x304: {  	v30 =	vld [tilespmem:$0x1FF40];
	[tilespmem:$0x1FC20] =	vst v63;
	v63 =	vsub.f32 v10, v13;
	v59 =	vpop (erf);
	v60 =	vadd.f32 $0.0e+00, v41;
	v48 =	vperm.xlane v16, v1  }
0x305: {  	v44 =	vnsel vm0, $0x0, v59;
	vm14 =	vnez.u8 v29;
	vm11 =	vlt.s32 v21, v45  }
0x306: {  	v47 =	vsel vm11, v21, v45;
	vm13 =	vlt.s32 v16, v48;
	vm11 =	vmmov vm14  }
0x307: {  	v36 =	vld [tilespmem:$0x1FF90];
	vm14 =	vnez.u8 v32;
	vm3 =	veq.s32 v47, v4;
	vm2 =	veq.s32 v47, v7  }
0x308: {  	vm0 =	veq.s32 v47, v6;
	vm4 =	veq.s32 v47, v5;
	v11 =	vsel vm13, v16, v48  }
0x309: {  	vm13 =	vnez.u8 v30;
	v62 =	vsel vm3, $0xF149F2CA, v8;
	v8 =	vsel vm2, $0xF149F2CA, v18  }
0x30a: {  	[tilespmem:$0x1FC70] =	vst v33;
	v33 =	vld [tilespmem:$0x1FE10];
	v9 =	vsel vm0, $0xF149F2CA, v55;
	v12 =	vsel vm4, $0xF149F2CA, v54;
	v51 =	vperm.xlane v11, v2  }
0x30b: {  	v61 =	vpop (erf);
	v45 =	vld [tilespmem:$0x1FF20];
	vm13 =	vmmov vm13;
	v55 =	vnsel vm11, $0x0, v60;
	vm11 =	vmmov vm14  }
0x30c: {  	v34 =	vld [tilespmem:$0x1F940];
	v18 =	vpop (erf);
	vm14 =	vnez.u8 v36;
	v49 =	vmax.f32 v62, v8;
	v56 =	vnsel vm13, $0x0, v59  }
0x30d: {  	v57 =	vnsel vm11, $0x0, v18;
	vm11 =	vmmov vm14;
	v50 =	vmax.f32 v49, v9  }
0x30e: {  	v40 =	vld [tilespmem:$0x1FEE0];
	[tilespmem:$0x1FC90] =	vst v38;
	vm13 =	vlt.s32 v11, v51;
	v38 =	vnsel vm11, $0x0, v59;
	v16 =	vmax.f32 v50, v12  }
0x30f: {  	[tilespmem:$0x1FC60] =	vst v31;
	v41 =	vld [tilespmem:$0x1FF70];
	v11 =	vsel vm13, v11, v51;
	vm13 =	vnez.u8 v33;
	v31 =	vperm.xlane v16, v0  }
0x310: {  	vm14 =	vnez.u8 v45;
	vm13 =	vmmov vm13;
	v22 =	vperm.xlane v11, v3  }
0x311: {  	v21 =	vpop (erf);
	v49 =	vnsel vm13, $0x0, v61;
	vm13 =	vnez.u8 v34;
	v16 =	vmax.f32 v16, v31  }
0x312: {  	v51 =	vld [tilespmem:$0x1FF00];
	v54 =	vnsel vm13, $0x0, v21;
	vm13 =	vlt.s32 v11, v22;
	v25 =	vperm.xlane v16, v1  }
0x313: {  	v26 =	vld [tilespmem:$0x1FDF0];
	v19 =	vsel vm13, v11, v22;
	vm13 =	vnez.u8 v40;
	v22 =	vmul.f32 $1.442695020e+00, v46  }
0x314: {  	[tilespmem:$0x1FC30] =	vst v27;
	v27 =	vld [tilespmem:$0x1FE00];
	vm11 =	vmmov vm13;
	vm13 =	vnez.u8 v41;
	v16 =	vmax.f32 v16, v25  }
0x315: {  	[tilespmem:$0x1FCA0] =	vst v44;
	vm13 =	vmmov vm13;
	v44 =	vnsel vm11, $0x0, v60;
	v39 =	vperm.xlane v16, v2  }
0x316: {  	vm11 =	vmmov vm14;
	v25 =	vmul.f32 $1.442695020e+00, v42;
	v43 =	vnsel vm13, $0x0, v59  }
0x317: {  	v52 =	vnsel vm11, $0x0, v60;
	vm13 =	vnez.u8 v51;
	v16 =	vmax.f32 v16, v39  }
0x318: {  	vm11 =	vmmov vm13;
	vm13 =	vnez.u8 v26;
	v47 =	vperm.xlane v16, v3  }
0x319: {  	v30 =	vld [tilespmem:$0x1FFF0];
	v50 =	vnsel vm11, $0x0, v60;
	vm11 =	vmmov vm13;
	vm13 =	vnez.u8 v27  }
0x31a: {  	[tilespmem:$0x1FC10] =	vst v17;
	(erf) = vpow2.f32 v25;
	vm13 =	vmmov vm13;
	v17 =	vmax.f32 v16, v47  }
0x31b: {  	v25 =	vadd.f32 v59, v60;
	v60 =	vnsel vm13, $0x0, v61;
	vm13 =	veq.f32 v8, v17;
	v8 =	vld [tilespmem:$0x1F950]  }
0x31c: {  	v11 =	vmul.f32 $1.442695020e+00, v63;
	vm14 =	veq.f32 v12, v17  }
0x31d: {  	v31 =	vld [tilespmem:$0x1F970];
	(erf) = vpow2.f32 v22;
	v12 =	vnsel vm14, $0x40000000, v5;
	vm14 =	veq.f32 v9, v17  }
0x31e: {  	v34 =	vld [tilespmem:$0x1F990];
	(erf) = vpow2.f32 v11;
	v12 =	vsel vm14, v6, v12;
	vm14 =	vnez.u8 v30  }
0x31f: {  	[tilespmem:$0x1FCB0] =	vst v44;
	v44 =	vld [tilespmem:$0x1F9C0];
	v29 =	vadd.f32 v61, v25;
	v59 =	vnsel vm11, $0x0, v61;
	vm11 =	vmmov vm14  }
0x320: {  	v12 =	vsel vm13, v7, v12;
	vm14 =	veq.f32 v62, v17;
	vm13 =	vnez.u8 v8;
	v8 =	vld [tilespmem:$0x1F960]  }
0x321: {  	v13 =	vadd.f32 v18, v29;
	v61 =	vnsel vm11, $0x0, v61;
	v12 =	vsel vm14, v4, v12  }
0x322: {  	v33 =	vld [tilespmem:$0x1F980];
	vm14 =	vnez.u8 v31;
	v32 =	vperm.xlane v12, v0;
	vm11 =	vmmov vm13  }
0x323: {  	v36 =	vld [tilespmem:$0x1F9A0];
	v62 =	vnsel vm11, $0x0, v18;
	vm11 =	vmmov vm14;
	vm14 =	vnez.u8 v34  }
0x324: {  	[tilespmem:$0x1FCE0] =	vst v43;
	v22 =	vld [tilespmem:$0x1F9D0];
	v13 =	vadd.f32 v21, v13;
	v43 =	vnsel vm11, $0x0, v18;
	v48 =	vnsel vm14, $0x0, v21  }
0x325: {  	v37 =	vld [tilespmem:$0x1F9B0];
	vm11 =	vlt.s32 v12, v32;
	vm14 =	vnez.u8 v44;
	vm13 =	vnez.u8 v8;
	v8 =	vpop (erf)  }
0x326: {  	[tilespmem:$0x1FCC0] =	vst v38;
	v38 =	vsel vm11, v12, v32;
	vm13 =	vmmov vm13;
	v13 =	vadd.f32 v8, v13  }
0x327: {  	v25 =	vld [tilespmem:$0x1F9E0];
	v9 =	vpop (erf);
	v44 =	vnsel vm14, $0x0, v8;
	v63 =	vnsel vm13, $0x0, v18;
	vm13 =	vnez.u8 v33  }
0x328: {  	v47 =	vnsel vm13, $0x0, v21;
	vm13 =	vnez.u8 v36;
	v13 =	vadd.f32 v9, v13  }
0x329: {  	v36 =	vnsel vm15, $0x0, v8;
	vm15 =	vnez.u8 v22;
	v46 =	vnsel vm13, $0x0, v21  }
0x32a: {  	v12 =	vpop (erf);
	vm13 =	vnez.u8 v37;
	v21 =	vsub.f32 v15, v15;
	v42 =	vnsel vm15, $0x0, v8  }
0x32b: {  	v45 =	vnsel vm13, $0x0, v8;
	v51 =	vadd.f32 v12, v13;
	v8 =	vsub.f32 v23, v15  }
0x32c: {  	v13 =	vsub.f32 v25, v15;
	v23 =	vmul.f32 $1.442695020e+00, v21  }
0x32d: {  	v58 =	vsub.f32 v58, v15;
	(erf) = vrcp.f32 v51;
	v8 =	vmul.f32 $1.442695020e+00, v8  }
0x32e: {  	v26 =	vmul.f32 $1.442695020e+00, v13;
	(erf) = vpow2.f32 v23  }
0x32f: {  	v27 =	vsub.f32 v20, v15;
	(erf) = vpow2.f32 v8;
	v8 =	vmul.f32 $1.442695020e+00, v58  }
0x330: {  	(erf) = vpow2.f32 v26  }
0x331: {  	v29 =	vsub.f32 v24, v15;
	(erf) = vpow2.f32 v8;
	v8 =	vmul.f32 $1.442695020e+00, v27  }
0x332: {  	v30 =	vsub.f32 v53, v15  }
0x333: {  	v11 =	vmul.f32 $1.442695020e+00, v29;
	(erf) = vpow2.f32 v8;
	v8 =	vsub.f32 v17, v15  }
0x334: {  	v40 =	vld [tilespmem:$0x1F9F0];
	v13 =	vmul.f32 $1.442695020e+00, v30  }
0x335: {  	v51 =	vld [tilespmem:$0x1FA00];
	(erf) = vpow2.f32 v11;
	v8 =	vmul.f32 $1.442695020e+00, v8  }
0x336: {  	(erf) = vpow2.f32 v13  }
0x337: {  	(erf) = vpow2.f32 v8;
	v8 =	vld [tilespmem:$0x1FA10];
	_ =	sdelay $0x2  }
0x338: {  	v13 =	vadd.f32 v51, v40;
	_ =	sdelay $0x1  }
0x339: {  	v21 =	vadd.f32 v8, v13;
	v8 =	vld [tilespmem:$0x1FA20];
	_ =	sdelay $0x2  }
0x33a: {  	vm13 =	veq.s32 v19, v5  }
0x33b: {  	v33 =	vnsel vm13, $0x0, v12;
	vm13 =	veq.s32 v19, v7  }
0x33c: {  	v39 =	vnsel vm13, $0x0, v12;
	vm13 =	vnez.u8 v8;
	v8 =	vld [tilespmem:$0x1FA30]  }
0x33d: {  	v31 =	vperm.xlane v38, v1;
	_ =	sdelay $0x1  }
0x33e: {  	vm14 =	vlt.s32 v38, v31  }
0x33f: {  	v10 =	vsel vm14, v38, v31;
	vm14 =	veq.s32 v19, v6  }
0x340: {  	v37 =	vnsel vm14, $0x0, v12;
	vm14 =	vnez.u8 v8;
	v8 =	vld [tilespmem:$0x1FA40];
	_ =	sdelay $0x1  }
0x341: {  	v32 =	vperm.xlane v10, v2  }
0x342: {  	vm15 =	veq.s32 v19, v4  }
0x343: {  	v38 =	vnsel vm15, $0x0, v12;
	vm15 =	vlt.s32 v10, v32  }
0x344: {  	v10 =	vsel vm15, v10, v32;
	vm15 =	vnez.u8 v8;
	v8 =	vld [tilespmem:$0x1FA50];
	_ =	sdelay $0x4  }
0x345: {  	v11 =	vadd.f32 v8, v21;
	v8 =	vld [tilespmem:$0x1FA60];
	_ =	sdelay $0x4  }
0x346: {  	v41 =	vnsel vm8, $0x0, v9;
	vm8 =	vmmov vm14;
	vm14 =	vnez.u8 v8;
	v8 =	vld [tilespmem:$0x1FA70];
	_ =	sdelay $0x3  }
0x347: {  	v51 =	vld [tilespmem:$0x1FAB0]  }
0x348: {  	v58 =	vnsel vm9, $0x0, v9;
	vm9 =	vmmov vm15;
	vm15 =	vnez.u8 v8;
	v8 =	vld [tilespmem:$0x1FA80];
	_ =	sdelay $0x1  }
0x349: {  	v18 =	vpop (erf)  }
0x34a: {  	v34 =	vnsel vm10, $0x0, v9;
	v53 =	vnsel vm5, $0x0, v9;
	v9 =	vld [tilespmem:$0x1FAE0];
	v22 =	vpop (erf)  }
0x34b: {  	v12 =	vpop (erf);
	vm11 =	vmmov vm8;
	vm8 =	vmmov vm15;
	vm15 =	vnez.u8 v51;
	v51 =	vld [tilespmem:$0x1FAF0]  }
0x34c: {  	v26 =	vnsel vm11, $0x0, v12;
	vm11 =	vnez.u8 v8;
	v8 =	vld [tilespmem:$0x1FA90];
	_ =	sdelay $0x1  }
0x34d: {  	v20 =	vld [tilespmem:$0x1FAC0]  }
0x34e: {  	v21 =	vld [tilespmem:$0x1FAD0];
	v11 =	vadd.f32 v35, v11  }
0x34f: {  	v9 =	vadd.f32 v9, v51;
	v51 =	vld [tilespmem:$0x1FB00]  }
0x350: {  	v8 =	vadd.f32 v8, v11;
	_ =	sdelay $0x1  }
0x351: {  	v8 =	vadd.f32 v20, v8;
	_ =	sdelay $0x1  }
0x352: {  	v14 =	vadd.f32 v14, v21;
	v21 =	vadd.f32 v51, v8;
	v8 =	vld [tilespmem:$0x1FB10]  }
0x353: {  	v51 =	vld [tilespmem:$0x1FB20];
	_ =	sdelay $0x4  }
0x354: {  	v8 =	vadd.f32 v8, v51;
	v51 =	vld [tilespmem:$0x1FB30];
	_ =	sdelay $0x4  }
0x355: {  	v31 =	vnsel vm9, $0x0, v12;
	vm9 =	vnez.u8 v51;
	v51 =	vld [tilespmem:$0x1FB40];
	_ =	sdelay $0x4  }
0x356: {  	v14 =	vadd.f32 v51, v14;
	v51 =	vld [tilespmem:$0x1FB50];
	_ =	sdelay $0x1  }
0x357: {  	v55 =	vadd.f32 v56, v55;
	v56 =	vld [tilespmem:$0x1FB80];
	_ =	sdelay $0x2  }
0x358: {  	v9 =	vadd.f32 v51, v9;
	_ =	sdelay $0x1  }
0x359: {  	v9 =	vadd.f32 v56, v9;
	v56 =	vld [tilespmem:$0x1FB90];
	_ =	sdelay $0x2  }
0x35a: {  	v51 =	vld [tilespmem:$0x1FB60];
	_ =	sdelay $0x1  }
0x35b: {  	vm10 =	vnez.u8 v56;
	v56 =	vld [tilespmem:$0x1FBA0];
	_ =	sdelay $0x2  }
0x35c: {  	v8 =	vadd.f32 v51, v8;
	v51 =	vld [tilespmem:$0x1FB70];
	_ =	sdelay $0x1  }
0x35d: {  	v8 =	vadd.f32 v56, v8;
	v56 =	vld [tilespmem:$0x1FBB0];
	_ =	sdelay $0x2  }
0x35e: {  	v14 =	vadd.f32 v51, v14;
	_ =	sdelay $0x1  }
0x35f: {  	v14 =	vadd.f32 v56, v14;
	v56 =	vld [tilespmem:$0x1FBC0];
	_ =	sdelay $0x4  }
0x360: {  	v49 =	vadd.f32 v49, v55;
	v9 =	vadd.f32 v56, v9;
	v56 =	vld [tilespmem:$0x1FBD0];
	_ =	sdelay $0x1  }
0x361: {  	v49 =	vadd.f32 v57, v49;
	v57 =	vld [tilespmem:$0x1FBF0];
	_ =	sdelay $0x2  }
0x362: {  	v8 =	vadd.f32 v56, v8;
	v56 =	vld [tilespmem:$0x1FBE0];
	_ =	sdelay $0x1  }
0x363: {  	v15 =	vpop (erf);
	v14 =	vadd.f32 v57, v14;
	v57 =	vld [tilespmem:$0x1FC10]  }
0x364: {  	v19 =	vpop (erf)  }
0x365: {  	v16 =	vpop (erf)  }
0x366: {  	v30 =	vnsel vm11, $0x0, v16;
	vm11 =	vnez.u8 v56;
	v56 =	vld [tilespmem:$0x1FC00];
	_ =	sdelay $0x1  }
0x367: {  	v8 =	vadd.f32 v57, v8;
	v57 =	vld [tilespmem:$0x1FC30];
	_ =	sdelay $0x2  }
0x368: {  	v9 =	vadd.f32 v56, v9;
	_ =	sdelay $0x1  }
0x369: {  	v9 =	vadd.f32 v57, v9;
	v57 =	vld [tilespmem:$0x1FC50];
	_ =	sdelay $0x2  }
0x36a: {  	v49 =	vadd.f32 v54, v49;
	v54 =	vld [tilespmem:$0x1FC20];
	_ =	sdelay $0x1  }
0x36b: {  	v8 =	vadd.f32 v57, v8;
	v57 =	vld [tilespmem:$0x1FC60];
	_ =	sdelay $0x2  }
0x36c: {  	v14 =	vadd.f32 v54, v14;
	_ =	sdelay $0x1  }
0x36d: {  	v14 =	vadd.f32 v57, v14;
	v57 =	vld [tilespmem:$0x1FC70];
	_ =	sdelay $0x2  }
0x36e: {  	v40 =	vld [tilespmem:$0x1FAA0]  }
0x36f: {  	v23 =	vperm.xlane v10, v3  }
0x370: {  	v9 =	vadd.f32 v57, v9;
	v57 =	vld [tilespmem:$0x1FC80]  }
0x371: {  	v13 =	vadd.f32 $0.0e+00, v22;
	vm5 =	vmmov vm13;
	vm13 =	vlt.s32 v10, v23  }
0x372: {  	vm5 =	vmmov vm5;
	v17 =	vsel vm13, v10, v23;
	v10 =	vpop (erf)  }
0x373: {  	v36 =	vadd.f32 v36, v49;
	vm13 =	vnez.u8 v40;
	v29 =	vnsel vm5, $0x0, v13;
	v24 =	vpop (erf)  }
0x374: {  	v35 =	vnsel vm4, $0x0, v24;
	vm4 =	vmmov vm13;
	vm5 =	vmmov vm14  }
0x375: {  	v27 =	vnsel vm5, $0x0, v19;
	vm5 =	vmmov vm15;
	vm13 =	vnez.u8 v57;
	v57 =	vld [tilespmem:$0x1FC90]  }
0x376: {  	vm4 =	vmmov vm4;
	v25 =	vnsel vm8, $0x0, v15;
	vm8 =	vmmov vm5  }
0x377: {  	v23 =	vnsel vm4, $0x0, v12;
	v22 =	vnsel vm8, $0x0, v12;
	v12 =	vadd.f32 v12, v13;
	_ =	sdelay $0x1  }
0x378: {  	v34 =	vadd.f32 v34, v36;
	v36 =	vld [tilespmem:$0x1FCA0];
	v12 =	vadd.f32 v15, v12  }
0x379: {  	v8 =	vadd.f32 v57, v8;
	v57 =	vld [tilespmem:$0x1FCB0]  }
0x37a: {  	v12 =	vadd.f32 v19, v12  }
0x37b: {  	v26 =	vadd.f32 v26, v29  }
0x37c: {  	v12 =	vadd.f32 v16, v12  }
0x37d: {  	v33 =	vadd.f32 v33, v34;
	v25 =	vadd.f32 v25, v26  }
0x37e: {  	v12 =	vadd.f32 v10, v12;
	v36 =	vadd.f32 v36, v57;
	v57 =	vld [tilespmem:$0x1FCC0]  }
0x37f: {  	v32 =	vnsel vm12, $0x0, v10;
	vm14 =	veq.s32 v17, v5;
	vm4 =	vmmov vm9;
	v54 =	vld [tilespmem:$0x1FC40]  }
0x380: {  	v25 =	vadd.f32 v27, v25;
	v11 =	vpop (erf);
	v12 =	vadd.f32 v24, v12;
	vm4 =	vmmov vm4  }
0x381: {  	v40 =	vnsel vm14, $0x0, v11;
	v20 =	vnsel vm4, $0x0, v13;
	vm4 =	vmmov vm10  }
0x382: {  	v12 =	vadd.f32 v11, v12;
	v21 =	vmul.f32 v21, v28;
	vm4 =	vmmov vm4  }
0x383: {  	v55 =	vnsel vm4, $0x0, v13;
	vm4 =	vmmov vm11;
	v51 =	vadd.f32 v57, v52;
	v57 =	vld [tilespmem:$0x1FCD0]  }
0x384: {  	(erf) = vrcp.f32 v12;
	vm12 =	vnez.u8 v54;
	vm4 =	vmmov vm4  }
0x385: {  	v20 =	vadd.f32 v31, v20;
	v56 =	vnsel vm4, $0x0, v13;
	vm4 =	vmmov vm12  }
0x386: {  	v23 =	vadd.f32 v23, v55;
	v54 =	vnsel vm4, $0x0, v15;
	v36 =	vadd.f32 v59, v36;
	v59 =	vld [tilespmem:$0x1FD30]  }
0x387: {  	v55 =	vnsel vm0, $0x0, v24;
	v20 =	vadd.f32 v54, v20;
	v14 =	vmul.f32 v14, v28;
	v52 =	vld [tilespmem:$0x1FD10]  }
0x388: {  	vm4 =	vmmov vm13;
	v36 =	vadd.f32 v62, v36;
	vm14 =	vnez.u8 v57;
	v57 =	vld [tilespmem:$0x1FCE0]  }
0x389: {  	v9 =	vmul.f32 v9, v28;
	vm13 =	veq.s32 v17, v4;
	v49 =	vnsel vm4, $0x0, v15  }
0x38a: {  	v8 =	vmul.f32 v8, v28;
	v36 =	vadd.f32 v47, v36;
	v51 =	vadd.f32 v60, v51  }
0x38b: {  	v62 =	vnsel vm6, $0x0, v10;
	v47 =	vadd.f32 v49, v23;
	v49 =	vmul.f32 v33, v18;
	v60 =	vld [tilespmem:$0x1FD40]  }
0x38c: {  	vm11 =	vnez.u8 v59;
	v36 =	vadd.f32 v45, v36;
	v51 =	vadd.f32 v63, v51;
	v63 =	vld [tilespmem:$0x1FD00]  }
0x38d: {  	v45 =	vnsel vm2, $0x0, v24;
	vm9 =	vnez.u8 v52;
	v34 =	vadd.f32 v57, v50;
	v57 =	vld [tilespmem:$0x1FD20]  }
0x38e: {  	v36 =	vadd.f32 v58, v36;
	vm4 =	vmmov vm14;
	v51 =	vadd.f32 v48, v51  }
0x38f: {  	v48 =	vadd.f32 v30, v25;
	vm14 =	veq.s32 v17, v7;
	v34 =	vadd.f32 v61, v34  }
0x390: {  	vm4 =	vmmov vm4;
	vm12 =	vnez.u8 v60;
	v36 =	vadd.f32 v38, v36;
	v61 =	vld [tilespmem:$0x1FCF0]  }
0x391: {  	v58 =	vnsel vm14, $0x0, v11;
	vm8 =	vnez.u8 v63;
	v34 =	vadd.f32 v43, v34  }
0x392: {  	v50 =	vnsel vm4, $0x0, v15;
	v43 =	vadd.f32 v44, v51;
	vm10 =	vnez.u8 v57  }
0x393: {  	v51 =	vmul.f32 v36, v18;
	v34 =	vadd.f32 v46, v34;
	v44 =	vnsel vm10, $0x0, v16  }
0x394: {  	v41 =	vadd.f32 v41, v43;
	v46 =	vadd.f32 v22, v56;
	v56 =	vnsel vm13, $0x0, v11  }
0x395: {  	vm15 =	vnez.u8 v61;
	v61 =	vnsel vm1, $0x0, v10;
	v34 =	vadd.f32 v42, v34  }
0x396: {  	vm4 =	vmmov vm15;
	v63 =	vadd.f32 v39, v41;
	v12 =	vadd.f32 v50, v46  }
0x397: {  	v50 =	vadd.f32 v32, v48;
	v13 =	vnsel vm4, $0x0, v19;
	vm4 =	vmmov vm8  }
0x398: {  	v15 =	vnsel vm4, $0x0, v19;
	vm4 =	vmmov vm9;
	v13 =	vadd.f32 v13, v20  }
0x399: {  	v34 =	vadd.f32 v53, v34;
	v19 =	vnsel vm4, $0x0, v19;
	v15 =	vadd.f32 v15, v47  }
0x39a: {  	v42 =	vnsel vm11, $0x0, v16;
	v12 =	vadd.f32 v19, v12;
	v13 =	vadd.f32 v44, v13  }
0x39b: {  	[tilespmem:s9+$0x2030] =	vst v21;
	v16 =	vnsel vm12, $0x0, v16;
	v22 =	vadd.f32 v35, v50;
	v15 =	vadd.f32 v42, v15  }
0x39c: {  	[tilespmem:s9+$0x2000] =	vst v14;
	v10 =	vnsel vm7, $0x0, v10;
	v12 =	vadd.f32 v16, v12;
	v13 =	vadd.f32 v61, v13  }
0x39d: {  	[tilespmem:s9+$0x2010] =	vst v9;
	v41 =	vnsel vm3, $0x0, v24;
	v34 =	vadd.f32 v37, v34;
	v15 =	vadd.f32 v62, v15  }
0x39e: {  	[tilespmem:s9+$0x2020] =	vst v8;
	vm15 =	veq.s32 v17, v6;
	v54 =	vadd.f32 v10, v12;
	v8 =	vadd.f32 v41, v13  }
0x39f: {  	[tilespmem:s10+$0x2030] =	vst v49;
	v52 =	vmul.f32 v63, v18;
	v57 =	vadd.f32 v40, v22;
	v15 =	vadd.f32 v45, v15  }
0x3a0: {  	v59 =	vpop (erf);
	[tilespmem:s10+$0x2000] =	vst v51;
	v53 =	vmul.f32 v34, v18;
	v9 =	vadd.f32 v55, v54;
	v8 =	vadd.f32 v56, v8  }
0x3a1: {  	v60 =	vnsel vm15, $0x0, v11;
	[tilespmem:s10+$0x2010] =	vst v52;
	v61 =	vmul.f32 v57, v59;
	v62 =	vadd.f32 v58, v15  }
0x3a2: {  	[tilespmem:s10+$0x2020] =	vst v53;
	v9 =	vadd.f32 v60, v9;
	v8 =	vmul.f32 v8, v59  }
0x3a3: {  	[tilespmem:s11+$0x2030] =	vst v61;
	v63 =	vmul.f32 v62, v59  }
0x3a4: {  	s8 =	sadd.s32 $0x1, s8;
	[tilespmem:s11+$0x2000] =	vst v8;
	v8 =	vmul.f32 v9, v59  }
0x3a5: {  	p0 =	sne.s32 s8, s5;
	[tilespmem:s11+$0x2010] =	vst v63  }
.Ltmp1:
0x3a6: {  	[tilespmem:s11+$0x2020] =	vst v8;
	(pc) =	sbr.rel @p0 .LBB2_1-.Ltmp1, $4  }
0x3a7: {  	[hbm4b:s4+s2] =	stream.linear.scatter [tilespmem:s7], [sflag:$0x1], $0x2000, $0x38;
	[tilespmem:$0x4000] =	vst v63  }
0x3a8: {  	_ =	swait.ge [sflag:s6], $0x2000  }
0x3a9: {  	[sflag:s6] =	ssyncset.done $0x0  }
0x3aa: {  	[sflag:s6] =	ssyncadd.s32 $0xFFFFE000  }
0x3ab: {  	_ =	sfence.sel $0x180000  }
0x3ac: {  	[bflag:$0x0] =	sbarrier.arrive $0xFFFF  }
0x3ad: {  	p0 =	sne.s32 s1, $0x0;
	_ =	strace $0x90000047  }
0x3ae: {  	s0 =	sadd.s32 @!p0 $0x100000, s0;
	[bflag:$0x2] =	sbarrier.arrive $0xFFFF  }
0x3af: {  	[sflag:s0] =	ssyncadd.tile.s32 @!p0 $0x1;
	_ =	shalt  }
.Lfunc_end2:
_tile_overlayer_lowered:
.L_overlay_start_2:
0x3b0: {  	(tag) =	ssettag $0x2  }
0x3b1: {  	s0 =	rddreg [dreg:$0x0];
	s2 =	stileid.u32  }
0x3b2: {  	s1 =	rddreg [dreg:$0x1];
	p0 =	sne.s32 s2, $0x0  }
0x3b3: {  	s3 =	rddreg [dreg:$0x2];
	[bflag:$0x3] =	sbarrier.arrive $0xFFFF;
	s2 =	simm.s32 @!p0 $0x1C01  }
0x3b4: {  	[timem:s3], [sflag:s2] =	dma.local @!p0 [hbm:s0], s1  }
0x3b5: {  	s0 =	simm.s32 @!p0 $0x1  }
0x3b6: {  	_ =	swait.ge @!p0 [sflag:s0], s1  }
0x3b7: {  	s1 =	ssub.s32 @!p0 $0x0, s1;
	[sflag:s0] =	ssyncset.done @!p0 $0x0  }
0x3b8: {  	[sflag:s0] =	ssyncadd.s32 @!p0 s1  }
0x3b9: {  	[bflag:$0x3] =	sbarrier.arrive $0xFFFF  }
0x3ba: {  	_ =	shalt  }

</sc_bundles>
